<compile_context>
chip_gen: v7x
topology: tpu7x:2x2x1
jax: 0.10.2.dev20260603
libtpu: 0.0.44.dev20260713+nightly
codegen_flags: <defaults>
</compile_context>

<pallas_src>
import functools

import jax
import jax.numpy as jnp
from jax import lax
from jax.experimental import pallas as pl
from jax.experimental.pallas import tpu as pltpu
from jax.experimental.pallas import tpu_sc as plsc

K = 5
NEG_INF = float("-inf")

NROWS = 2048
VOCAB = 100000

RTC = 1536

NCORE = 2
NSUB = 16
NW = NCORE * NSUB
RPW = (NROWS - RTC) // NW
CH = 10000
CPR = VOCAB // CH
CPW = RPW * CPR
GV = 25
NG = CH // (16 * GV)

_DNUMS = lax.GatherDimensionNumbers(
    offset_dims=(), collapsed_slice_dims=(0,), start_index_map=(0,))


def _perm(v, idx):
    return lax.gather(v, idx.reshape(16, 1), _DNUMS, (1,),
                      mode=lax.GatherScatterMode.PROMISE_IN_BOUNDS)


def _bfly(v, op, lane):
    for s in (1, 2, 4, 8):
        v = op(v, _perm(v, lane ^ s))
    return v



def _sc_body(x_hbm, ti_hbm, out_hbm, buf0, buf1, tidx_v, tval_v, t5_v,
             thr_v, st_v, gm_v, sem0, sem1, semg):
    cid = lax.axis_index("c")
    sid = lax.axis_index("s")
    wid = sid * NCORE + cid
    base_row = wid * RPW
    base_el = base_row * VOCAB

    lane = lax.iota(jnp.int32, 16)
    ninf = jnp.full((16,), NEG_INF, jnp.float32)
    zero = jnp.zeros((16,), jnp.float32)

    pltpu.sync_copy(ti_hbm.at[pl.ds(base_row, RPW)], tidx_v)
    pltpu.async_copy(x_hbm.at[tidx_v], tval_v, semg).wait()

    pltpu.async_copy(x_hbm.at[pl.ds(base_el, CH)], buf0, sem0)
    pltpu.async_copy(x_hbm.at[pl.ds(base_el + CH, CH)], buf1, sem1)

    t5_v[...] = ninf
    thr_v[...] = ninf

    def merge(v):
        a = t5_v[...]
        b = v
        t5n = ninf
        m = ninf
        for i in range(K):
            m = jnp.maximum(_bfly(a, jnp.maximum, lane),
                            _bfly(b, jnp.maximum, lane))
            t5n = jnp.where(lane == i, m, t5n)
            a = jnp.where(a == m, ninf, a)
            b = jnp.where(b == m, ninf, b)
        t5_v[...] = t5n
        thr_v[...] = m

    def process_chunk(buf, carry):
        def groupA(g, c):
            a0, a1, a2, a3, a4 = c
            base = g * (GV * 16)
            accs = [a0, a1, a2, a3, a4]
            gms = [ninf, ninf, ninf, ninf, ninf]
            for u in range(GV):
                v = buf[pl.ds(base + u * 16, 16)]
                accs[u % 5] = accs[u % 5] + jnp.exp(v)
                gms[u % 5] = jnp.maximum(gms[u % 5], v)
            gmv = jnp.maximum(
                jnp.maximum(jnp.maximum(gms[0], gms[1]),
                            jnp.maximum(gms[2], gms[3])), gms[4])
            gm_v[pl.ds(g * 16, 16)] = gmv
            return tuple(accs)

        carry = plsc.parallel_loop(0, NG, 1, carry=carry)(groupA)

        m = gm_v[pl.ds(0, 16)]
        for g in range(1, NG):
            m = jnp.maximum(m, gm_v[pl.ds(g * 16, 16)])
        cmax = _bfly(m, jnp.maximum, lane)[0]

        @pl.when(cmax > thr_v[...][0])
        def _slow_chunk():
            def gchk(g, c):
                gv = gm_v[pl.ds(g * 16, 16)]
                gs = _bfly(gv, jnp.maximum, lane)[0]

                @pl.when(gs > thr_v[...][0])
                def _():
                    def svreg(u, c2):
                        v = buf[pl.ds(g * (GV * 16) + u * 16, 16)]
                        vm = _bfly(v, jnp.maximum, lane)[0]

                        @pl.when(vm > thr_v[...][0])
                        def _():
                            merge(v)

                        return c2
                    lax.fori_loop(0, GV, svreg, jnp.int32(0))

                return c
            lax.fori_loop(0, NG, gchk, jnp.int32(0))

        return carry

    def row_body(r, loss):
        def pair(j, carry):
            c0 = r * CPR + 2 * j
            pltpu.make_async_copy(
                x_hbm.at[pl.ds(base_el, CH)], buf0, sem0).wait()
            carry = process_chunk(buf0, carry)

            @pl.when(c0 + 2 < CPW)
            def _():
                pltpu.async_copy(
                    x_hbm.at[pl.ds(base_el + (c0 + 2) * CH, CH)], buf0, sem0)

            pltpu.make_async_copy(
                x_hbm.at[pl.ds(base_el, CH)], buf1, sem1).wait()
            carry = process_chunk(buf1, carry)

            @pl.when(c0 + 3 < CPW)
            def _():
                pltpu.async_copy(
                    x_hbm.at[pl.ds(base_el + (c0 + 3) * CH, CH)], buf1, sem1)

            return carry

        a0, a1, a2, a3, a4 = lax.fori_loop(
            0, CPR // 2, pair, (zero, zero, zero, zero, zero))

        z = _bfly((a0 + a1) + (a2 + a3) + a4, jnp.add, lane)
        top_e = _bfly(jnp.exp(t5_v[...]), jnp.add, lane)
        thr = thr_v[...]

        tvals = tval_v[pl.ds((r // 16) * 16, 16)]
        xt = _perm(tvals, jnp.full((16,), r % 16, jnp.int32))

        pos_p = jnp.exp(xt) / z
        neq = K - jnp.where(xt >= thr, 1.0, 0.0)
        rl = -(K * pos_p - top_e / z) / neq
        t5_v[...] = ninf
        thr_v[...] = ninf
        return loss + jnp.where(lane == 0, rl, zero)

    loss = lax.fori_loop(0, RPW, row_body, zero)
    st_v[...] = loss
    pltpu.sync_copy(st_v, out_hbm.at[wid])


def _cpo_sc(xflat, tflat):
    mesh = plsc.VectorSubcoreMesh(
        core_axis_name="c", subcore_axis_name="s",
        num_cores=NCORE, num_subcores=NSUB)
    f = pl.kernel(
        _sc_body,
        out_type=jax.ShapeDtypeStruct((NW, 16), jnp.float32),
        mesh=mesh,
        scratch_types=[
            pltpu.VMEM((CH,), jnp.float32),
            pltpu.VMEM((CH,), jnp.float32),
            pltpu.VMEM((RPW,), jnp.int32),
            pltpu.VMEM((RPW,), jnp.float32),
            pltpu.VMEM((16,), jnp.float32),
            pltpu.VMEM((16,), jnp.float32),
            pltpu.VMEM((16,), jnp.float32),
            pltpu.VMEM((NG * 16,), jnp.float32),
            pltpu.SemaphoreType.DMA,
            pltpu.SemaphoreType.DMA,
            pltpu.SemaphoreType.DMA,
        ],
    )
    return f(xflat, tflat)



def _tc_block(x_ref, tgt_ref, out_ref, s_ref, xt_ref, t1, t2, t3, t4, t5,
              *, c_blk, n_cols, n_cblk):
    j = pl.program_id(1)

    @pl.when(j == 0)
    def _init():
        s_ref[...] = jnp.zeros_like(s_ref)
        xt_ref[...] = jnp.zeros_like(xt_ref)
        for t in (t1, t2, t3, t4, t5):
            t[...] = jnp.full_like(t[...], NEG_INF)

    x = x_ref[...]
    col = j * c_blk + jax.lax.broadcasted_iota(jnp.int32, x.shape, 1)
    valid = col < n_cols
    xv = jnp.where(valid, x, NEG_INF)

    xt_sel = jnp.where(col == tgt_ref[...], xv, 0.0)
    ex = jnp.exp(xv)

    s = s_ref[...]
    xt = xt_ref[...]
    a1, a2, a3, a4, a5 = t1[...], t2[...], t3[...], t4[...], t5[...]
    for k in range(c_blk // 128):
        sl = slice(k * 128, (k + 1) * 128)
        s = s + ex[:, sl]
        xt = xt + xt_sel[:, sl]
        v = xv[:, sl]
        w = jnp.minimum(a1, v); a1 = jnp.maximum(a1, v)
        v = w
        w = jnp.minimum(a2, v); a2 = jnp.maximum(a2, v)
        v = w
        w = jnp.minimum(a3, v); a3 = jnp.maximum(a3, v)
        v = w
        w = jnp.minimum(a4, v); a4 = jnp.maximum(a4, v)
        v = w
        a5 = jnp.maximum(a5, v)
    s_ref[...] = s
    xt_ref[...] = xt
    t1[...], t2[...], t3[...], t4[...], t5[...] = a1, a2, a3, a4, a5

    @pl.when(j == n_cblk - 1)
    def _fin():
        z = jnp.sum(s_ref[...], axis=1, keepdims=True)
        xtv = jnp.sum(xt_ref[...], axis=1, keepdims=True)
        cand = jnp.concatenate(
            [t1[...], t2[...], t3[...], t4[...], t5[...]], axis=1)
        tops = []
        for _ in range(K):
            m = jnp.max(cand, axis=1, keepdims=True)
            cand = jnp.where(cand == m, NEG_INF, cand)
            tops.append(m)
        top_e = sum(jnp.exp(t) for t in tops)
        v5 = tops[-1]
        pos_p = jnp.exp(xtv) / z
        neq = K - (xtv >= v5).astype(jnp.float32)
        out_ref[...] = -(K * pos_p - top_e / z) / neq


def _cpo_tc(x, tgt, r_blk, c_blk, n_rows):
    n_cols = x.shape[1]
    n_cblk = pl.cdiv(n_cols, c_blk)
    grid = (n_rows // r_blk, n_cblk)
    sc = [pltpu.VMEM((r_blk, 128), jnp.float32) for _ in range(7)]
    return pl.pallas_call(
        functools.partial(_tc_block, c_blk=c_blk, n_cols=n_cols,
                          n_cblk=n_cblk),
        grid=grid,
        in_specs=[
            pl.BlockSpec((r_blk, c_blk), lambda i, j: (i, j)),
            pl.BlockSpec((r_blk, 1), lambda i, j: (i, 0)),
        ],
        out_specs=pl.BlockSpec((r_blk, 1), lambda i, j: (i, 0)),
        out_shape=jax.ShapeDtypeStruct((n_rows, 1), jnp.float32),
        scratch_shapes=sc,
        compiler_params=pltpu.CompilerParams(
            dimension_semantics=("arbitrary", "arbitrary")),
    )(x, tgt)


def kernel(logits, target):
    b, s, v = logits.shape
    assert (b * s, v) == (NROWS, VOCAB)
    x = logits.reshape(b * s, v)
    tgt = target.reshape(-1).astype(jnp.int32)
    nsc = b * s - RTC
    xsc = x[RTC:].reshape(nsc * v)
    tsc = jnp.arange(nsc, dtype=jnp.int32) * v + tgt[RTC:]

    sc_part = _cpo_sc(xsc, tsc)
    tc_rows = _cpo_tc(x, tgt.reshape(-1, 1), 256, 2048, RTC)
    return (jnp.sum(sc_part) + jnp.sum(tc_rows)) / (b * s)

# --- scband reference (transcript-rebuilt; emitter-appended) ---
"""Pipeline reference for scband-cpo-loss-11553462026766 (READ-ONLY COPY).

The authoritative reference and input builder live on the scoring server;
editing this copy changes nothing except your own understanding.
"""

import jax, jax.numpy as jnp
import numpy as np

K = 5

def setup_inputs(seed: int = 0) -> dict:
    key = jax.random.key(seed)
    k1, k2 = jax.random.split(key)
    logits = jax.random.normal(k1, (1, 2048, 100000), dtype=jnp.float32)
    target = jax.random.randint(k2, (1, 2048), 0, 100000, dtype=jnp.int64)
    return {"logits": logits, "target": target}

def reference(logits, target):
    batchsize, seqlen, vocab_size = logits.shape
    logits2 = logits.reshape(batchsize * seqlen, vocab_size)
    probs = jax.nn.softmax(logits2, axis=-1)
    tgt = target.reshape(-1, 1).astype(jnp.int32)
    pos_prob = jnp.take_along_axis(probs, tgt, axis=1)  # [N, 1]
    neg_prob, neg_idx = jax.lax.top_k(probs, K)  # [N, K]
    not_equals = tgt != neg_idx  # broadcast [N, K]
    not_equals_num = jnp.sum(not_equals, axis=-1)  # [N]
    minus_prob_sum = jnp.sum(pos_prob - neg_prob, axis=-1)  # [N]
    batch_loss = -minus_prob_sum / not_equals_num
    loss = batch_loss.mean()
    return loss

if __name__ == "__main__":
    import jax
    _d = setup_inputs()
    print(jax.jit(kernel)(*tuple(_d.values())))

</pallas_src>

<mosaic_0001>
#map = affine_map<(d0, d1) -> (0)>
#map1 = affine_map<(d0, d1) -> (0, 0)>
module attributes {stable_mosaic.version = 14 : i64} {
  func.func @_sc_body(%arg0: i32, %arg1: i32, %arg2: memref<51200000xf32, #tpu.memory_space<hbm>>, %arg3: memref<512xi32, #tpu.memory_space<hbm>>, %arg4: memref<32x16xf32, #tpu.memory_space<hbm>>, %arg5: memref<10000xf32, #tpu.memory_space<vmem>>, %arg6: memref<10000xf32, #tpu.memory_space<vmem>>, %arg7: memref<16xi32, #tpu.memory_space<vmem>>, %arg8: memref<16xf32, #tpu.memory_space<vmem>>, %arg9: memref<16xf32, #tpu.memory_space<vmem>>, %arg10: memref<16xf32, #tpu.memory_space<vmem>>, %arg11: memref<16xf32, #tpu.memory_space<vmem>>, %arg12: memref<400xf32, #tpu.memory_space<vmem>>, %arg13: memref<!tpu.dma_semaphore, #tpu.memory_space<semaphore_mem>>, %arg14: memref<!tpu.dma_semaphore, #tpu.memory_space<semaphore_mem>>, %arg15: memref<!tpu.dma_semaphore, #tpu.memory_space<semaphore_mem>>) attributes {dimension_semantics = [#tpu.dimension_semantics<core_parallel>, #tpu.dimension_semantics<subcore_parallel>], iteration_bounds = array<i64: 2, 16>, scalar_prefetch = 0 : i64, scratch_operands = 11 : i64, tpu.core_type = #tpu.core_type<sc_vector_subcore>, window_params = [{transform_indices = #map}, {transform_indices = #map}, {transform_indices = #map1}]} {
    %mul3A = arith.constant 2 : i32
    %mul3A_0 = arith.muli %arg1, %mul3A : i32
    %add3A = arith.addi %mul3A_0, %arg0 : i32
    %mul3A_1 = arith.constant 16 : i32
    %mul3A_2 = arith.muli %add3A, %mul3A_1 : i32
    %mul3A_3 = arith.constant 100000 : i32
    %mul3A_4 = arith.muli %mul3A_2, %mul3A_3 : i32
    %iota3A = tpu.iota {dimensions = array<i32: 0>} : vector<16xi32>
    %broadcast_in_dim3A = arith.constant 0xFF800000 : f32
    %broadcast_in_dim3A_5 = vector.broadcast %broadcast_in_dim3A : f32 to vector<16xf32>
    %broadcast_in_dim3A_6 = arith.constant 0.000000e+00 : f32
    %broadcast_in_dim3A_7 = vector.broadcast %broadcast_in_dim3A_6 : f32 to vector<16xf32>
    "tpu.region"() ({
      %run_scoped3A = tpu.sem_alloc : memref<!tpu.dma_semaphore, #tpu.memory_space<semaphore_mem>>
      %dma_start3A_32 = tpu.memref_slice %arg3[%mul3A_2] : memref<512xi32, #tpu.memory_space<hbm>> -> memref<16xi32, #tpu.memory_space<hbm>>
      %dma_start3A_33 = tpu.memref_slice %arg3[%mul3A_2] : memref<512xi32, #tpu.memory_space<hbm>> -> memref<16xi32, #tpu.memory_space<hbm>>
      tpu.enqueue_dma source(%dma_start3A_33 : memref<16xi32, #tpu.memory_space<hbm>>) target(%arg7 : memref<16xi32, #tpu.memory_space<vmem>>) target_semaphore(%run_scoped3A : memref<!tpu.dma_semaphore, #tpu.memory_space<semaphore_mem>>)
      %dma_wait3A_34 = tpu.memref_slice %arg3[%mul3A_2] : memref<512xi32, #tpu.memory_space<hbm>> -> memref<16xi32, #tpu.memory_space<hbm>>
      %dma_wait3A_35 = tpu.memref_slice %arg3[%mul3A_2] : memref<512xi32, #tpu.memory_space<hbm>> -> memref<16xi32, #tpu.memory_space<hbm>>
      tpu.wait_dma2 semaphore(%run_scoped3A : memref<!tpu.dma_semaphore, #tpu.memory_space<semaphore_mem>>) src(%dma_wait3A_35 : memref<16xi32, #tpu.memory_space<hbm>>) dst(%arg7 : memref<16xi32, #tpu.memory_space<vmem>>)
      tpu.yield
    }) : () -> ()
    %dma_start3A = arith.constant 0 : i32
    %dma_start3A_8 = tpu.memref_slice %arg2[%dma_start3A] : memref<51200000xf32, #tpu.memory_space<hbm>> -> memref<51200000xf32, #tpu.memory_space<hbm>>
    tpu.enqueue_indirect_dma source(%dma_start3A_8 : memref<51200000xf32, #tpu.memory_space<hbm>>) target(%arg8 : memref<16xf32, #tpu.memory_space<vmem>>) offsets(%arg7 : memref<16xi32, #tpu.memory_space<vmem>>) semaphore(%arg15 : memref<!tpu.dma_semaphore, #tpu.memory_space<semaphore_mem>>)
    %dma_wait3A = arith.constant 0 : i32
    %dma_wait3A_9 = tpu.memref_slice %arg2[%dma_wait3A] : memref<51200000xf32, #tpu.memory_space<hbm>> -> memref<51200000xf32, #tpu.memory_space<hbm>>
    tpu.wait_indirect_dma semaphore(%arg15 : memref<!tpu.dma_semaphore, #tpu.memory_space<semaphore_mem>>) src(%dma_wait3A_9 : memref<51200000xf32, #tpu.memory_space<hbm>>) dst(%arg8 : memref<16xf32, #tpu.memory_space<vmem>>)
    %dma_start3A_10 = tpu.memref_slice %arg2[%mul3A_4] : memref<51200000xf32, #tpu.memory_space<hbm>> -> memref<10000xf32, #tpu.memory_space<hbm>>
    %dma_start3A_11 = tpu.memref_slice %arg2[%mul3A_4] : memref<51200000xf32, #tpu.memory_space<hbm>> -> memref<10000xf32, #tpu.memory_space<hbm>>
    tpu.enqueue_dma source(%dma_start3A_11 : memref<10000xf32, #tpu.memory_space<hbm>>) target(%arg5 : memref<10000xf32, #tpu.memory_space<vmem>>) target_semaphore(%arg13 : memref<!tpu.dma_semaphore, #tpu.memory_space<semaphore_mem>>)
    %add3A_12 = arith.constant 10000 : i32
    %add3A_13 = arith.addi %mul3A_4, %add3A_12 : i32
    %dma_start3A_14 = tpu.memref_slice %arg2[%add3A_13] : memref<51200000xf32, #tpu.memory_space<hbm>> -> memref<10000xf32, #tpu.memory_space<hbm>>
    %dma_start3A_15 = tpu.memref_slice %arg2[%add3A_13] : memref<51200000xf32, #tpu.memory_space<hbm>> -> memref<10000xf32, #tpu.memory_space<hbm>>
    tpu.enqueue_dma source(%dma_start3A_15 : memref<10000xf32, #tpu.memory_space<hbm>>) target(%arg6 : memref<10000xf32, #tpu.memory_space<vmem>>) target_semaphore(%arg14 : memref<!tpu.dma_semaphore, #tpu.memory_space<semaphore_mem>>)
    %swap3A = arith.constant 0 : index
    %swap3A_16 = tpu.vector_load %arg9[%swap3A] {strides = array<i32>} : memref<16xf32, #tpu.memory_space<vmem>>, vector<16xf32>,
    %swap3A_17 = vector.shape_cast %swap3A_16 : vector<16xf32> to vector<16xf32>
    %swap3A_18 = vector.shape_cast %broadcast_in_dim3A_5 : vector<16xf32> to vector<16xf32>
    tpu.vector_store %arg9[%swap3A], %swap3A_18 {strides = array<i32>} : memref<16xf32, #tpu.memory_space<vmem>>, vector<16xf32>,
    %swap3A_19 = arith.constant 0 : index
    %swap3A_20 = tpu.vector_load %arg10[%swap3A_19] {strides = array<i32>} : memref<16xf32, #tpu.memory_space<vmem>>, vector<16xf32>,
    %swap3A_21 = vector.shape_cast %swap3A_20 : vector<16xf32> to vector<16xf32>
    %swap3A_22 = vector.shape_cast %broadcast_in_dim3A_5 : vector<16xf32> to vector<16xf32>
    tpu.vector_store %arg10[%swap3A_19], %swap3A_22 {strides = array<i32>} : memref<16xf32, #tpu.memory_space<vmem>>, vector<16xf32>,
    %scan3A = arith.constant 0 : i32
    %scan3A_23 = arith.constant 16 : i32
    %scan3A_24 = arith.addi %scan3A, %scan3A_23 : i32
    %scan3A_25 = arith.constant 1 : i32
    %scan3A_26 = scf.for %scan3A_32 = %scan3A to %scan3A_24 step %scan3A_25 iter_args(%scan3A_33 = %broadcast_in_dim3A_7) -> (vector<16xf32>)  : i32 {
      %scan3A_34 = arith.constant 0 : i32
      %scan3A_35 = arith.constant 5 : i32
      %scan3A_36 = arith.addi %scan3A_34, %scan3A_35 : i32
      %scan3A_37 = arith.constant 1 : i32
      %scan3A_38:5 = scf.for %scan3A_172 = %scan3A_34 to %scan3A_36 step %scan3A_37 iter_args(%scan3A_173 = %broadcast_in_dim3A_7, %scan3A_174 = %broadcast_in_dim3A_7, %scan3A_175 = %broadcast_in_dim3A_7, %scan3A_176 = %broadcast_in_dim3A_7, %scan3A_177 = %broadcast_in_dim3A_7) -> (vector<16xf32>, vector<16xf32>, vector<16xf32>, vector<16xf32>, vector<16xf32>)  : i32 {
        %mul3A_178 = arith.constant 10 : i32
        %mul3A_179 = arith.muli %scan3A_32, %mul3A_178 : i32
        %mul3A_180 = arith.constant 2 : i32
        %mul3A_181 = arith.muli %mul3A_180, %scan3A_172 : i32
        %add3A_182 = arith.addi %mul3A_179, %mul3A_181 : i32
        %dma_wait3A_183 = tpu.memref_slice %arg2[%mul3A_4] : memref<51200000xf32, #tpu.memory_space<hbm>> -> memref<10000xf32, #tpu.memory_space<hbm>>
        %dma_wait3A_184 = tpu.memref_slice %arg2[%mul3A_4] : memref<51200000xf32, #tpu.memory_space<hbm>> -> memref<10000xf32, #tpu.memory_space<hbm>>
        tpu.wait_dma2 semaphore(%arg13 : memref<!tpu.dma_semaphore, #tpu.memory_space<semaphore_mem>>) src(%dma_wait3A_184 : memref<10000xf32, #tpu.memory_space<hbm>>) dst(%arg5 : memref<10000xf32, #tpu.memory_space<vmem>>)
        %parallel_loop3A = arith.constant 0 : i32
        %parallel_loop3A_185 = arith.constant 25 : i32
        %parallel_loop3A_186 = arith.constant 1 : i32
        %parallel_loop3A_187:5 = scf.for %parallel_loop3A_478 = %parallel_loop3A to %parallel_loop3A_185 step %parallel_loop3A_186 iter_args(%parallel_loop3A_479 = %scan3A_173, %parallel_loop3A_480 = %scan3A_174, %parallel_loop3A_481 = %scan3A_175, %parallel_loop3A_482 = %scan3A_176, %parallel_loop3A_483 = %scan3A_177) -> (vector<16xf32>, vector<16xf32>, vector<16xf32>, vector<16xf32>, vector<16xf32>)  : i32 {
          %parallel_loop3A_484 = arith.constant 400 : i32
          %parallel_loop3A_485 = arith.muli %parallel_loop3A_478, %parallel_loop3A_484 : i32
          %parallel_loop3A_486 = arith.constant 0 : i32
          %parallel_loop3A_487 = arith.addi %parallel_loop3A_485, %parallel_loop3A_486 : i32
          %parallel_loop3A_488 = arith.index_cast %parallel_loop3A_487 : i32 to index
          %parallel_loop3A_489 = tpu.vector_load %arg5[%parallel_loop3A_488] {strides = array<i32>} : memref<10000xf32, #tpu.memory_space<vmem>>, vector<16xf32>,
          %parallel_loop3A_490 = vector.shape_cast %parallel_loop3A_489 : vector<16xf32> to vector<16xf32>
          %parallel_loop3A_491 = math.exp %parallel_loop3A_490 : vector<16xf32>
          %parallel_loop3A_492 = arith.addf %parallel_loop3A_479, %parallel_loop3A_491 : vector<16xf32>
          %parallel_loop3A_493 = arith.maximumf %broadcast_in_dim3A_5, %parallel_loop3A_490 : vector<16xf32>
          %parallel_loop3A_494 = arith.constant 16 : i32
          %parallel_loop3A_495 = arith.addi %parallel_loop3A_485, %parallel_loop3A_494 : i32
          %parallel_loop3A_496 = arith.index_cast %parallel_loop3A_495 : i32 to index
          %parallel_loop3A_497 = tpu.vector_load %arg5[%parallel_loop3A_496] {strides = array<i32>} : memref<10000xf32, #tpu.memory_space<vmem>>, vector<16xf32>,
          %parallel_loop3A_498 = vector.shape_cast %parallel_loop3A_497 : vector<16xf32> to vector<16xf32>
          %parallel_loop3A_499 = math.exp %parallel_loop3A_498 : vector<16xf32>
          %parallel_loop3A_500 = arith.addf %parallel_loop3A_480, %parallel_loop3A_499 : vector<16xf32>
          %parallel_loop3A_501 = arith.maximumf %broadcast_in_dim3A_5, %parallel_loop3A_498 : vector<16xf32>
          %parallel_loop3A_502 = arith.constant 32 : i32
          %parallel_loop3A_503 = arith.addi %parallel_loop3A_485, %parallel_loop3A_502 : i32
          %parallel_loop3A_504 = arith.index_cast %parallel_loop3A_503 : i32 to index
          %parallel_loop3A_505 = tpu.vector_load %arg5[%parallel_loop3A_504] {strides = array<i32>} : memref<10000xf32, #tpu.memory_space<vmem>>, vector<16xf32>,
          %parallel_loop3A_506 = vector.shape_cast %parallel_loop3A_505 : vector<16xf32> to vector<16xf32>
          %parallel_loop3A_507 = math.exp %parallel_loop3A_506 : vector<16xf32>
          %parallel_loop3A_508 = arith.addf %parallel_loop3A_481, %parallel_loop3A_507 : vector<16xf32>
          %parallel_loop3A_509 = arith.maximumf %broadcast_in_dim3A_5, %parallel_loop3A_506 : vector<16xf32>
          %parallel_loop3A_510 = arith.constant 48 : i32
          %parallel_loop3A_511 = arith.addi %parallel_loop3A_485, %parallel_loop3A_510 : i32
          %parallel_loop3A_512 = arith.index_cast %parallel_loop3A_511 : i32 to index
          %parallel_loop3A_513 = tpu.vector_load %arg5[%parallel_loop3A_512] {strides = array<i32>} : memref<10000xf32, #tpu.memory_space<vmem>>, vector<16xf32>,
          %parallel_loop3A_514 = vector.shape_cast %parallel_loop3A_513 : vector<16xf32> to vector<16xf32>
          %parallel_loop3A_515 = math.exp %parallel_loop3A_514 : vector<16xf32>
          %parallel_loop3A_516 = arith.addf %parallel_loop3A_482, %parallel_loop3A_515 : vector<16xf32>
          %parallel_loop3A_517 = arith.maximumf %broadcast_in_dim3A_5, %parallel_loop3A_514 : vector<16xf32>
          %parallel_loop3A_518 = arith.constant 64 : i32
          %parallel_loop3A_519 = arith.addi %parallel_loop3A_485, %parallel_loop3A_518 : i32
          %parallel_loop3A_520 = arith.index_cast %parallel_loop3A_519 : i32 to index
          %parallel_loop3A_521 = tpu.vector_load %arg5[%parallel_loop3A_520] {strides = array<i32>} : memref<10000xf32, #tpu.memory_space<vmem>>, vector<16xf32>,
          %parallel_loop3A_522 = vector.shape_cast %parallel_loop3A_521 : vector<16xf32> to vector<16xf32>
          %parallel_loop3A_523 = math.exp %parallel_loop3A_522 : vector<16xf32>
          %parallel_loop3A_524 = arith.addf %parallel_loop3A_483, %parallel_loop3A_523 : vector<16xf32>
          %parallel_loop3A_525 = arith.maximumf %broadcast_in_dim3A_5, %parallel_loop3A_522 : vector<16xf32>
          %parallel_loop3A_526 = arith.constant 80 : i32
          %parallel_loop3A_527 = arith.addi %parallel_loop3A_485, %parallel_loop3A_526 : i32
          %parallel_loop3A_528 = arith.index_cast %parallel_loop3A_527 : i32 to index
          %parallel_loop3A_529 = tpu.vector_load %arg5[%parallel_loop3A_528] {strides = array<i32>} : memref<10000xf32, #tpu.memory_space<vmem>>, vector<16xf32>,
          %parallel_loop3A_530 = vector.shape_cast %parallel_loop3A_529 : vector<16xf32> to vector<16xf32>
          %parallel_loop3A_531 = math.exp %parallel_loop3A_530 : vector<16xf32>
          %parallel_loop3A_532 = arith.addf %parallel_loop3A_492, %parallel_loop3A_531 : vector<16xf32>
          %parallel_loop3A_533 = arith.maximumf %parallel_loop3A_493, %parallel_loop3A_530 : vector<16xf32>
          %parallel_loop3A_534 = arith.constant 96 : i32
          %parallel_loop3A_535 = arith.addi %parallel_loop3A_485, %parallel_loop3A_534 : i32
          %parallel_loop3A_536 = arith.index_cast %parallel_loop3A_535 : i32 to index
          %parallel_loop3A_537 = tpu.vector_load %arg5[%parallel_loop3A_536] {strides = array<i32>} : memref<10000xf32, #tpu.memory_space<vmem>>, vector<16xf32>,
          %parallel_loop3A_538 = vector.shape_cast %parallel_loop3A_537 : vector<16xf32> to vector<16xf32>
          %parallel_loop3A_539 = math.exp %parallel_loop3A_538 : vector<16xf32>
          %parallel_loop3A_540 = arith.addf %parallel_loop3A_500, %parallel_loop3A_539 : vector<16xf32>
          %parallel_loop3A_541 = arith.maximumf %parallel_loop3A_501, %parallel_loop3A_538 : vector<16xf32>
          %parallel_loop3A_542 = arith.constant 112 : i32
          %parallel_loop3A_543 = arith.addi %parallel_loop3A_485, %parallel_loop3A_542 : i32
          %parallel_loop3A_544 = arith.index_cast %parallel_loop3A_543 : i32 to index
          %parallel_loop3A_545 = tpu.vector_load %arg5[%parallel_loop3A_544] {strides = array<i32>} : memref<10000xf32, #tpu.memory_space<vmem>>, vector<16xf32>,
          %parallel_loop3A_546 = vector.shape_cast %parallel_loop3A_545 : vector<16xf32> to vector<16xf32>
          %parallel_loop3A_547 = math.exp %parallel_loop3A_546 : vector<16xf32>
          %parallel_loop3A_548 = arith.addf %parallel_loop3A_508, %parallel_loop3A_547 : vector<16xf32>
          %parallel_loop3A_549 = arith.maximumf %parallel_loop3A_509, %parallel_loop3A_546 : vector<16xf32>
          %parallel_loop3A_550 = arith.constant 128 : i32
          %parallel_loop3A_551 = arith.addi %parallel_loop3A_485, %parallel_loop3A_550 : i32
          %parallel_loop3A_552 = arith.index_cast %parallel_loop3A_551 : i32 to index
          %parallel_loop3A_553 = tpu.vector_load %arg5[%parallel_loop3A_552] {strides = array<i32>} : memref<10000xf32, #tpu.memory_space<vmem>>, vector<16xf32>,
          %parallel_loop3A_554 = vector.shape_cast %parallel_loop3A_553 : vector<16xf32> to vector<16xf32>
          %parallel_loop3A_555 = math.exp %parallel_loop3A_554 : vector<16xf32>
          %parallel_loop3A_556 = arith.addf %parallel_loop3A_516, %parallel_loop3A_555 : vector<16xf32>
          %parallel_loop3A_557 = arith.maximumf %parallel_loop3A_517, %parallel_loop3A_554 : vector<16xf32>
          %parallel_loop3A_558 = arith.constant 144 : i32
          %parallel_loop3A_559 = arith.addi %parallel_loop3A_485, %parallel_loop3A_558 : i32
          %parallel_loop3A_560 = arith.index_cast %parallel_loop3A_559 : i32 to index
          %parallel_loop3A_561 = tpu.vector_load %arg5[%parallel_loop3A_560] {strides = array<i32>} : memref<10000xf32, #tpu.memory_space<vmem>>, vector<16xf32>,
          %parallel_loop3A_562 = vector.shape_cast %parallel_loop3A_561 : vector<16xf32> to vector<16xf32>
          %parallel_loop3A_563 = math.exp %parallel_loop3A_562 : vector<16xf32>
          %parallel_loop3A_564 = arith.addf %parallel_loop3A_524, %parallel_loop3A_563 : vector<16xf32>
          %parallel_loop3A_565 = arith.maximumf %parallel_loop3A_525, %parallel_loop3A_562 : vector<16xf32>
          %parallel_loop3A_566 = arith.constant 160 : i32
          %parallel_loop3A_567 = arith.addi %parallel_loop3A_485, %parallel_loop3A_566 : i32
          %parallel_loop3A_568 = arith.index_cast %parallel_loop3A_567 : i32 to index
          %parallel_loop3A_569 = tpu.vector_load %arg5[%parallel_loop3A_568] {strides = array<i32>} : memref<10000xf32, #tpu.memory_space<vmem>>, vector<16xf32>,
          %parallel_loop3A_570 = vector.shape_cast %parallel_loop3A_569 : vector<16xf32> to vector<16xf32>
          %parallel_loop3A_571 = math.exp %parallel_loop3A_570 : vector<16xf32>
          %parallel_loop3A_572 = arith.addf %parallel_loop3A_532, %parallel_loop3A_571 : vector<16xf32>
          %parallel_loop3A_573 = arith.maximumf %parallel_loop3A_533, %parallel_loop3A_570 : vector<16xf32>
          %parallel_loop3A_574 = arith.constant 176 : i32
          %parallel_loop3A_575 = arith.addi %parallel_loop3A_485, %parallel_loop3A_574 : i32
          %parallel_loop3A_576 = arith.index_cast %parallel_loop3A_575 : i32 to index
          %parallel_loop3A_577 = tpu.vector_load %arg5[%parallel_loop3A_576] {strides = array<i32>} : memref<10000xf32, #tpu.memory_space<vmem>>, vector<16xf32>,
          %parallel_loop3A_578 = vector.shape_cast %parallel_loop3A_577 : vector<16xf32> to vector<16xf32>
          %parallel_loop3A_579 = math.exp %parallel_loop3A_578 : vector<16xf32>
          %parallel_loop3A_580 = arith.addf %parallel_loop3A_540, %parallel_loop3A_579 : vector<16xf32>
          %parallel_loop3A_581 = arith.maximumf %parallel_loop3A_541, %parallel_loop3A_578 : vector<16xf32>
          %parallel_loop3A_582 = arith.constant 192 : i32
          %parallel_loop3A_583 = arith.addi %parallel_loop3A_485, %parallel_loop3A_582 : i32
          %parallel_loop3A_584 = arith.index_cast %parallel_loop3A_583 : i32 to index
          %parallel_loop3A_585 = tpu.vector_load %arg5[%parallel_loop3A_584] {strides = array<i32>} : memref<10000xf32, #tpu.memory_space<vmem>>, vector<16xf32>,
          %parallel_loop3A_586 = vector.shape_cast %parallel_loop3A_585 : vector<16xf32> to vector<16xf32>
          %parallel_loop3A_587 = math.exp %parallel_loop3A_586 : vector<16xf32>
          %parallel_loop3A_588 = arith.addf %parallel_loop3A_548, %parallel_loop3A_587 : vector<16xf32>
          %parallel_loop3A_589 = arith.maximumf %parallel_loop3A_549, %parallel_loop3A_586 : vector<16xf32>
          %parallel_loop3A_590 = arith.constant 208 : i32
          %parallel_loop3A_591 = arith.addi %parallel_loop3A_485, %parallel_loop3A_590 : i32
          %parallel_loop3A_592 = arith.index_cast %parallel_loop3A_591 : i32 to index
          %parallel_loop3A_593 = tpu.vector_load %arg5[%parallel_loop3A_592] {strides = array<i32>} : memref<10000xf32, #tpu.memory_space<vmem>>, vector<16xf32>,
          %parallel_loop3A_594 = vector.shape_cast %parallel_loop3A_593 : vector<16xf32> to vector<16xf32>
          %parallel_loop3A_595 = math.exp %parallel_loop3A_594 : vector<16xf32>
          %parallel_loop3A_596 = arith.addf %parallel_loop3A_556, %parallel_loop3A_595 : vector<16xf32>
          %parallel_loop3A_597 = arith.maximumf %parallel_loop3A_557, %parallel_loop3A_594 : vector<16xf32>
          %parallel_loop3A_598 = arith.constant 224 : i32
          %parallel_loop3A_599 = arith.addi %parallel_loop3A_485, %parallel_loop3A_598 : i32
          %parallel_loop3A_600 = arith.index_cast %parallel_loop3A_599 : i32 to index
          %parallel_loop3A_601 = tpu.vector_load %arg5[%parallel_loop3A_600] {strides = array<i32>} : memref<10000xf32, #tpu.memory_space<vmem>>, vector<16xf32>,
          %parallel_loop3A_602 = vector.shape_cast %parallel_loop3A_601 : vector<16xf32> to vector<16xf32>
          %parallel_loop3A_603 = math.exp %parallel_loop3A_602 : vector<16xf32>
          %parallel_loop3A_604 = arith.addf %parallel_loop3A_564, %parallel_loop3A_603 : vector<16xf32>
          %parallel_loop3A_605 = arith.maximumf %parallel_loop3A_565, %parallel_loop3A_602 : vector<16xf32>
          %parallel_loop3A_606 = arith.constant 240 : i32
          %parallel_loop3A_607 = arith.addi %parallel_loop3A_485, %parallel_loop3A_606 : i32
          %parallel_loop3A_608 = arith.index_cast %parallel_loop3A_607 : i32 to index
          %parallel_loop3A_609 = tpu.vector_load %arg5[%parallel_loop3A_608] {strides = array<i32>} : memref<10000xf32, #tpu.memory_space<vmem>>, vector<16xf32>,
          %parallel_loop3A_610 = vector.shape_cast %parallel_loop3A_609 : vector<16xf32> to vector<16xf32>
          %parallel_loop3A_611 = math.exp %parallel_loop3A_610 : vector<16xf32>
          %parallel_loop3A_612 = arith.addf %parallel_loop3A_572, %parallel_loop3A_611 : vector<16xf32>
          %parallel_loop3A_613 = arith.maximumf %parallel_loop3A_573, %parallel_loop3A_610 : vector<16xf32>
          %parallel_loop3A_614 = arith.constant 256 : i32
          %parallel_loop3A_615 = arith.addi %parallel_loop3A_485, %parallel_loop3A_614 : i32
          %parallel_loop3A_616 = arith.index_cast %parallel_loop3A_615 : i32 to index
          %parallel_loop3A_617 = tpu.vector_load %arg5[%parallel_loop3A_616] {strides = array<i32>} : memref<10000xf32, #tpu.memory_space<vmem>>, vector<16xf32>,
          %parallel_loop3A_618 = vector.shape_cast %parallel_loop3A_617 : vector<16xf32> to vector<16xf32>
          %parallel_loop3A_619 = math.exp %parallel_loop3A_618 : vector<16xf32>
          %parallel_loop3A_620 = arith.addf %parallel_loop3A_580, %parallel_loop3A_619 : vector<16xf32>
          %parallel_loop3A_621 = arith.maximumf %parallel_loop3A_581, %parallel_loop3A_618 : vector<16xf32>
          %parallel_loop3A_622 = arith.constant 272 : i32
          %parallel_loop3A_623 = arith.addi %parallel_loop3A_485, %parallel_loop3A_622 : i32
          %parallel_loop3A_624 = arith.index_cast %parallel_loop3A_623 : i32 to index
          %parallel_loop3A_625 = tpu.vector_load %arg5[%parallel_loop3A_624] {strides = array<i32>} : memref<10000xf32, #tpu.memory_space<vmem>>, vector<16xf32>,
          %parallel_loop3A_626 = vector.shape_cast %parallel_loop3A_625 : vector<16xf32> to vector<16xf32>
          %parallel_loop3A_627 = math.exp %parallel_loop3A_626 : vector<16xf32>
          %parallel_loop3A_628 = arith.addf %parallel_loop3A_588, %parallel_loop3A_627 : vector<16xf32>
          %parallel_loop3A_629 = arith.maximumf %parallel_loop3A_589, %parallel_loop3A_626 : vector<16xf32>
          %parallel_loop3A_630 = arith.constant 288 : i32
          %parallel_loop3A_631 = arith.addi %parallel_loop3A_485, %parallel_loop3A_630 : i32
          %parallel_loop3A_632 = arith.index_cast %parallel_loop3A_631 : i32 to index
          %parallel_loop3A_633 = tpu.vector_load %arg5[%parallel_loop3A_632] {strides = array<i32>} : memref<10000xf32, #tpu.memory_space<vmem>>, vector<16xf32>,
          %parallel_loop3A_634 = vector.shape_cast %parallel_loop3A_633 : vector<16xf32> to vector<16xf32>
          %parallel_loop3A_635 = math.exp %parallel_loop3A_634 : vector<16xf32>
          %parallel_loop3A_636 = arith.addf %parallel_loop3A_596, %parallel_loop3A_635 : vector<16xf32>
          %parallel_loop3A_637 = arith.maximumf %parallel_loop3A_597, %parallel_loop3A_634 : vector<16xf32>
          %parallel_loop3A_638 = arith.constant 304 : i32
          %parallel_loop3A_639 = arith.addi %parallel_loop3A_485, %parallel_loop3A_638 : i32
          %parallel_loop3A_640 = arith.index_cast %parallel_loop3A_639 : i32 to index
          %parallel_loop3A_641 = tpu.vector_load %arg5[%parallel_loop3A_640] {strides = array<i32>} : memref<10000xf32, #tpu.memory_space<vmem>>, vector<16xf32>,
          %parallel_loop3A_642 = vector.shape_cast %parallel_loop3A_641 : vector<16xf32> to vector<16xf32>
          %parallel_loop3A_643 = math.exp %parallel_loop3A_642 : vector<16xf32>
          %parallel_loop3A_644 = arith.addf %parallel_loop3A_604, %parallel_loop3A_643 : vector<16xf32>
          %parallel_loop3A_645 = arith.maximumf %parallel_loop3A_605, %parallel_loop3A_642 : vector<16xf32>
          %parallel_loop3A_646 = arith.constant 320 : i32
          %parallel_loop3A_647 = arith.addi %parallel_loop3A_485, %parallel_loop3A_646 : i32
          %parallel_loop3A_648 = arith.index_cast %parallel_loop3A_647 : i32 to index
          %parallel_loop3A_649 = tpu.vector_load %arg5[%parallel_loop3A_648] {strides = array<i32>} : memref<10000xf32, #tpu.memory_space<vmem>>, vector<16xf32>,
          %parallel_loop3A_650 = vector.shape_cast %parallel_loop3A_649 : vector<16xf32> to vector<16xf32>
          %parallel_loop3A_651 = math.exp %parallel_loop3A_650 : vector<16xf32>
          %parallel_loop3A_652 = arith.addf %parallel_loop3A_612, %parallel_loop3A_651 : vector<16xf32>
          %parallel_loop3A_653 = arith.maximumf %parallel_loop3A_613, %parallel_loop3A_650 : vector<16xf32>
          %parallel_loop3A_654 = arith.constant 336 : i32
          %parallel_loop3A_655 = arith.addi %parallel_loop3A_485, %parallel_loop3A_654 : i32
          %parallel_loop3A_656 = arith.index_cast %parallel_loop3A_655 : i32 to index
          %parallel_loop3A_657 = tpu.vector_load %arg5[%parallel_loop3A_656] {strides = array<i32>} : memref<10000xf32, #tpu.memory_space<vmem>>, vector<16xf32>,
          %parallel_loop3A_658 = vector.shape_cast %parallel_loop3A_657 : vector<16xf32> to vector<16xf32>
          %parallel_loop3A_659 = math.exp %parallel_loop3A_658 : vector<16xf32>
          %parallel_loop3A_660 = arith.addf %parallel_loop3A_620, %parallel_loop3A_659 : vector<16xf32>
          %parallel_loop3A_661 = arith.maximumf %parallel_loop3A_621, %parallel_loop3A_658 : vector<16xf32>
          %parallel_loop3A_662 = arith.constant 352 : i32
          %parallel_loop3A_663 = arith.addi %parallel_loop3A_485, %parallel_loop3A_662 : i32
          %parallel_loop3A_664 = arith.index_cast %parallel_loop3A_663 : i32 to index
          %parallel_loop3A_665 = tpu.vector_load %arg5[%parallel_loop3A_664] {strides = array<i32>} : memref<10000xf32, #tpu.memory_space<vmem>>, vector<16xf32>,
          %parallel_loop3A_666 = vector.shape_cast %parallel_loop3A_665 : vector<16xf32> to vector<16xf32>
          %parallel_loop3A_667 = math.exp %parallel_loop3A_666 : vector<16xf32>
          %parallel_loop3A_668 = arith.addf %parallel_loop3A_628, %parallel_loop3A_667 : vector<16xf32>
          %parallel_loop3A_669 = arith.maximumf %parallel_loop3A_629, %parallel_loop3A_666 : vector<16xf32>
          %parallel_loop3A_670 = arith.constant 368 : i32
          %parallel_loop3A_671 = arith.addi %parallel_loop3A_485, %parallel_loop3A_670 : i32
          %parallel_loop3A_672 = arith.index_cast %parallel_loop3A_671 : i32 to index
          %parallel_loop3A_673 = tpu.vector_load %arg5[%parallel_loop3A_672] {strides = array<i32>} : memref<10000xf32, #tpu.memory_space<vmem>>, vector<16xf32>,
          %parallel_loop3A_674 = vector.shape_cast %parallel_loop3A_673 : vector<16xf32> to vector<16xf32>
          %parallel_loop3A_675 = math.exp %parallel_loop3A_674 : vector<16xf32>
          %parallel_loop3A_676 = arith.addf %parallel_loop3A_636, %parallel_loop3A_675 : vector<16xf32>
          %parallel_loop3A_677 = arith.maximumf %parallel_loop3A_637, %parallel_loop3A_674 : vector<16xf32>
          %parallel_loop3A_678 = arith.constant 384 : i32
          %parallel_loop3A_679 = arith.addi %parallel_loop3A_485, %parallel_loop3A_678 : i32
          %parallel_loop3A_680 = arith.index_cast %parallel_loop3A_679 : i32 to index
          %parallel_loop3A_681 = tpu.vector_load %arg5[%parallel_loop3A_680] {strides = array<i32>} : memref<10000xf32, #tpu.memory_space<vmem>>, vector<16xf32>,
          %parallel_loop3A_682 = vector.shape_cast %parallel_loop3A_681 : vector<16xf32> to vector<16xf32>
          %parallel_loop3A_683 = math.exp %parallel_loop3A_682 : vector<16xf32>
          %parallel_loop3A_684 = arith.addf %parallel_loop3A_644, %parallel_loop3A_683 : vector<16xf32>
          %parallel_loop3A_685 = arith.maximumf %parallel_loop3A_645, %parallel_loop3A_682 : vector<16xf32>
          %parallel_loop3A_686 = arith.maximumf %parallel_loop3A_653, %parallel_loop3A_661 : vector<16xf32>
          %parallel_loop3A_687 = arith.maximumf %parallel_loop3A_669, %parallel_loop3A_677 : vector<16xf32>
          %parallel_loop3A_688 = arith.maximumf %parallel_loop3A_686, %parallel_loop3A_687 : vector<16xf32>
          %parallel_loop3A_689 = arith.maximumf %parallel_loop3A_688, %parallel_loop3A_685 : vector<16xf32>
          %parallel_loop3A_690 = arith.constant 16 : i32
          %parallel_loop3A_691 = arith.muli %parallel_loop3A_478, %parallel_loop3A_690 : i32
          %parallel_loop3A_692 = arith.index_cast %parallel_loop3A_691 : i32 to index
          %parallel_loop3A_693 = tpu.vector_load %arg12[%parallel_loop3A_692] {strides = array<i32>} : memref<400xf32, #tpu.memory_space<vmem>>, vector<16xf32>,
          %parallel_loop3A_694 = vector.shape_cast %parallel_loop3A_693 : vector<16xf32> to vector<16xf32>
          %parallel_loop3A_695 = vector.shape_cast %parallel_loop3A_689 : vector<16xf32> to vector<16xf32>
          tpu.vector_store %arg12[%parallel_loop3A_692], %parallel_loop3A_695 {strides = array<i32>} : memref<400xf32, #tpu.memory_space<vmem>>, vector<16xf32>,
          scf.yield %parallel_loop3A_652, %parallel_loop3A_660, %parallel_loop3A_668, %parallel_loop3A_676, %parallel_loop3A_684 : vector<16xf32>, vector<16xf32>, vector<16xf32>, vector<16xf32>, vector<16xf32>
        } {sc.loop_unroll_factor = 1 : i64, sc.parallel_access}
        %get3A_188 = arith.constant 0 : index
        %get3A_189 = tpu.vector_load %arg12[%get3A_188] {strides = array<i32>} : memref<400xf32, #tpu.memory_space<vmem>>, vector<16xf32>,
        %get3A_190 = vector.shape_cast %get3A_189 : vector<16xf32> to vector<16xf32>
        %get3A_191 = arith.constant 16 : index
        %get3A_192 = tpu.vector_load %arg12[%get3A_191] {strides = array<i32>} : memref<400xf32, #tpu.memory_space<vmem>>, vector<16xf32>,
        %get3A_193 = vector.shape_cast %get3A_192 : vector<16xf32> to vector<16xf32>
        %max3A = arith.maximumf %get3A_190, %get3A_193 : vector<16xf32>
        %get3A_194 = arith.constant 32 : index
        %get3A_195 = tpu.vector_load %arg12[%get3A_194] {strides = array<i32>} : memref<400xf32, #tpu.memory_space<vmem>>, vector<16xf32>,
        %get3A_196 = vector.shape_cast %get3A_195 : vector<16xf32> to vector<16xf32>
        %max3A_197 = arith.maximumf %max3A, %get3A_196 : vector<16xf32>
        %get3A_198 = arith.constant 48 : index
        %get3A_199 = tpu.vector_load %arg12[%get3A_198] {strides = array<i32>} : memref<400xf32, #tpu.memory_space<vmem>>, vector<16xf32>,
        %get3A_200 = vector.shape_cast %get3A_199 : vector<16xf32> to vector<16xf32>
        %max3A_201 = arith.maximumf %max3A_197, %get3A_200 : vector<16xf32>
        %get3A_202 = arith.constant 64 : index
        %get3A_203 = tpu.vector_load %arg12[%get3A_202] {strides = array<i32>} : memref<400xf32, #tpu.memory_space<vmem>>, vector<16xf32>,
        %get3A_204 = vector.shape_cast %get3A_203 : vector<16xf32> to vector<16xf32>
        %max3A_205 = arith.maximumf %max3A_201, %get3A_204 : vector<16xf32>
        %get3A_206 = arith.constant 80 : index
        %get3A_207 = tpu.vector_load %arg12[%get3A_206] {strides = array<i32>} : memref<400xf32, #tpu.memory_space<vmem>>, vector<16xf32>,
        %get3A_208 = vector.shape_cast %get3A_207 : vector<16xf32> to vector<16xf32>
        %max3A_209 = arith.maximumf %max3A_205, %get3A_208 : vector<16xf32>
        %get3A_210 = arith.constant 96 : index
        %get3A_211 = tpu.vector_load %arg12[%get3A_210] {strides = array<i32>} : memref<400xf32, #tpu.memory_space<vmem>>, vector<16xf32>,
        %get3A_212 = vector.shape_cast %get3A_211 : vector<16xf32> to vector<16xf32>
        %max3A_213 = arith.maximumf %max3A_209, %get3A_212 : vector<16xf32>
        %get3A_214 = arith.constant 112 : index
        %get3A_215 = tpu.vector_load %arg12[%get3A_214] {strides = array<i32>} : memref<400xf32, #tpu.memory_space<vmem>>, vector<16xf32>,
        %get3A_216 = vector.shape_cast %get3A_215 : vector<16xf32> to vector<16xf32>
        %max3A_217 = arith.maximumf %max3A_213, %get3A_216 : vector<16xf32>
        %get3A_218 = arith.constant 128 : index
        %get3A_219 = tpu.vector_load %arg12[%get3A_218] {strides = array<i32>} : memref<400xf32, #tpu.memory_space<vmem>>, vector<16xf32>,
        %get3A_220 = vector.shape_cast %get3A_219 : vector<16xf32> to vector<16xf32>
        %max3A_221 = arith.maximumf %max3A_217, %get3A_220 : vector<16xf32>
        %get3A_222 = arith.constant 144 : index
        %get3A_223 = tpu.vector_load %arg12[%get3A_222] {strides = array<i32>} : memref<400xf32, #tpu.memory_space<vmem>>, vector<16xf32>,
        %get3A_224 = vector.shape_cast %get3A_223 : vector<16xf32> to vector<16xf32>
        %max3A_225 = arith.maximumf %max3A_221, %get3A_224 : vector<16xf32>
        %get3A_226 = arith.constant 160 : index
        %get3A_227 = tpu.vector_load %arg12[%get3A_226] {strides = array<i32>} : memref<400xf32, #tpu.memory_space<vmem>>, vector<16xf32>,
        %get3A_228 = vector.shape_cast %get3A_227 : vector<16xf32> to vector<16xf32>
        %max3A_229 = arith.maximumf %max3A_225, %get3A_228 : vector<16xf32>
        %get3A_230 = arith.constant 176 : index
        %get3A_231 = tpu.vector_load %arg12[%get3A_230] {strides = array<i32>} : memref<400xf32, #tpu.memory_space<vmem>>, vector<16xf32>,
        %get3A_232 = vector.shape_cast %get3A_231 : vector<16xf32> to vector<16xf32>
        %max3A_233 = arith.maximumf %max3A_229, %get3A_232 : vector<16xf32>
        %get3A_234 = arith.constant 192 : index
        %get3A_235 = tpu.vector_load %arg12[%get3A_234] {strides = array<i32>} : memref<400xf32, #tpu.memory_space<vmem>>, vector<16xf32>,
        %get3A_236 = vector.shape_cast %get3A_235 : vector<16xf32> to vector<16xf32>
        %max3A_237 = arith.maximumf %max3A_233, %get3A_236 : vector<16xf32>
        %get3A_238 = arith.constant 208 : index
        %get3A_239 = tpu.vector_load %arg12[%get3A_238] {strides = array<i32>} : memref<400xf32, #tpu.memory_space<vmem>>, vector<16xf32>,
        %get3A_240 = vector.shape_cast %get3A_239 : vector<16xf32> to vector<16xf32>
        %max3A_241 = arith.maximumf %max3A_237, %get3A_240 : vector<16xf32>
        %get3A_242 = arith.constant 224 : index
        %get3A_243 = tpu.vector_load %arg12[%get3A_242] {strides = array<i32>} : memref<400xf32, #tpu.memory_space<vmem>>, vector<16xf32>,
        %get3A_244 = vector.shape_cast %get3A_243 : vector<16xf32> to vector<16xf32>
        %max3A_245 = arith.maximumf %max3A_241, %get3A_244 : vector<16xf32>
        %get3A_246 = arith.constant 240 : index
        %get3A_247 = tpu.vector_load %arg12[%get3A_246] {strides = array<i32>} : memref<400xf32, #tpu.memory_space<vmem>>, vector<16xf32>,
        %get3A_248 = vector.shape_cast %get3A_247 : vector<16xf32> to vector<16xf32>
        %max3A_249 = arith.maximumf %max3A_245, %get3A_248 : vector<16xf32>
        %get3A_250 = arith.constant 256 : index
        %get3A_251 = tpu.vector_load %arg12[%get3A_250] {strides = array<i32>} : memref<400xf32, #tpu.memory_space<vmem>>, vector<16xf32>,
        %get3A_252 = vector.shape_cast %get3A_251 : vector<16xf32> to vector<16xf32>
        %max3A_253 = arith.maximumf %max3A_249, %get3A_252 : vector<16xf32>
        %get3A_254 = arith.constant 272 : index
        %get3A_255 = tpu.vector_load %arg12[%get3A_254] {strides = array<i32>} : memref<400xf32, #tpu.memory_space<vmem>>, vector<16xf32>,
        %get3A_256 = vector.shape_cast %get3A_255 : vector<16xf32> to vector<16xf32>
        %max3A_257 = arith.maximumf %max3A_253, %get3A_256 : vector<16xf32>
        %get3A_258 = arith.constant 288 : index
        %get3A_259 = tpu.vector_load %arg12[%get3A_258] {strides = array<i32>} : memref<400xf32, #tpu.memory_space<vmem>>, vector<16xf32>,
        %get3A_260 = vector.shape_cast %get3A_259 : vector<16xf32> to vector<16xf32>
        %max3A_261 = arith.maximumf %max3A_257, %get3A_260 : vector<16xf32>
        %get3A_262 = arith.constant 304 : index
        %get3A_263 = tpu.vector_load %arg12[%get3A_262] {strides = array<i32>} : memref<400xf32, #tpu.memory_space<vmem>>, vector<16xf32>,
        %get3A_264 = vector.shape_cast %get3A_263 : vector<16xf32> to vector<16xf32>
        %max3A_265 = arith.maximumf %max3A_261, %get3A_264 : vector<16xf32>
        %get3A_266 = arith.constant 320 : index
        %get3A_267 = tpu.vector_load %arg12[%get3A_266] {strides = array<i32>} : memref<400xf32, #tpu.memory_space<vmem>>, vector<16xf32>,
        %get3A_268 = vector.shape_cast %get3A_267 : vector<16xf32> to vector<16xf32>
        %max3A_269 = arith.maximumf %max3A_265, %get3A_268 : vector<16xf32>
        %get3A_270 = arith.constant 336 : index
        %get3A_271 = tpu.vector_load %arg12[%get3A_270] {strides = array<i32>} : memref<400xf32, #tpu.memory_space<vmem>>, vector<16xf32>,
        %get3A_272 = vector.shape_cast %get3A_271 : vector<16xf32> to vector<16xf32>
        %max3A_273 = arith.maximumf %max3A_269, %get3A_272 : vector<16xf32>
        %get3A_274 = arith.constant 352 : index
        %get3A_275 = tpu.vector_load %arg12[%get3A_274] {strides = array<i32>} : memref<400xf32, #tpu.memory_space<vmem>>, vector<16xf32>,
        %get3A_276 = vector.shape_cast %get3A_275 : vector<16xf32> to vector<16xf32>
        %max3A_277 = arith.maximumf %max3A_273, %get3A_276 : vector<16xf32>
        %get3A_278 = arith.constant 368 : index
        %get3A_279 = tpu.vector_load %arg12[%get3A_278] {strides = array<i32>} : memref<400xf32, #tpu.memory_space<vmem>>, vector<16xf32>,
        %get3A_280 = vector.shape_cast %get3A_279 : vector<16xf32> to vector<16xf32>
        %max3A_281 = arith.maximumf %max3A_277, %get3A_280 : vector<16xf32>
        %get3A_282 = arith.constant 384 : index
        %get3A_283 = tpu.vector_load %arg12[%get3A_282] {strides = array<i32>} : memref<400xf32, #tpu.memory_space<vmem>>, vector<16xf32>,
        %get3A_284 = vector.shape_cast %get3A_283 : vector<16xf32> to vector<16xf32>
        %max3A_285 = arith.maximumf %max3A_281, %get3A_284 : vector<16xf32>
        %xor3A_286 = arith.constant 1 : i32
        %xor3A_287 = vector.broadcast %xor3A_286 : i32 to vector<16xi32>
        %xor3A_288 = arith.xori %iota3A, %xor3A_287 : vector<16xi32>
        %reshape3A_289 = vector.shape_cast %xor3A_288 : vector<16xi32> to vector<16x1xi32>
        %gather3A_290 = vector.shape_cast %reshape3A_289 : vector<16x1xi32> to vector<16xi32>
        %gather3A_291 = tpu.dynamic_gather %max3A_285[%gather3A_290] in [0] : vector<16xf32>, vector<16xi32> -> vector<16xf32>
        %max3A_292 = arith.maximumf %max3A_285, %gather3A_291 : vector<16xf32>
        %xor3A_293 = arith.constant 2 : i32
        %xor3A_294 = vector.broadcast %xor3A_293 : i32 to vector<16xi32>
        %xor3A_295 = arith.xori %iota3A, %xor3A_294 : vector<16xi32>
        %reshape3A_296 = vector.shape_cast %xor3A_295 : vector<16xi32> to vector<16x1xi32>
        %gather3A_297 = vector.shape_cast %reshape3A_296 : vector<16x1xi32> to vector<16xi32>
        %gather3A_298 = tpu.dynamic_gather %max3A_292[%gather3A_297] in [0] : vector<16xf32>, vector<16xi32> -> vector<16xf32>
        %max3A_299 = arith.maximumf %max3A_292, %gather3A_298 : vector<16xf32>
        %xor3A_300 = arith.constant 4 : i32
        %xor3A_301 = vector.broadcast %xor3A_300 : i32 to vector<16xi32>
        %xor3A_302 = arith.xori %iota3A, %xor3A_301 : vector<16xi32>
        %reshape3A_303 = vector.shape_cast %xor3A_302 : vector<16xi32> to vector<16x1xi32>
        %gather3A_304 = vector.shape_cast %reshape3A_303 : vector<16x1xi32> to vector<16xi32>
        %gather3A_305 = tpu.dynamic_gather %max3A_299[%gather3A_304] in [0] : vector<16xf32>, vector<16xi32> -> vector<16xf32>
        %max3A_306 = arith.maximumf %max3A_299, %gather3A_305 : vector<16xf32>
        %xor3A_307 = arith.constant 8 : i32
        %xor3A_308 = vector.broadcast %xor3A_307 : i32 to vector<16xi32>
        %xor3A_309 = arith.xori %iota3A, %xor3A_308 : vector<16xi32>
        %reshape3A_310 = vector.shape_cast %xor3A_309 : vector<16xi32> to vector<16x1xi32>
        %gather3A_311 = vector.shape_cast %reshape3A_310 : vector<16x1xi32> to vector<16xi32>
        %gather3A_312 = tpu.dynamic_gather %max3A_306[%gather3A_311] in [0] : vector<16xf32>, vector<16xi32> -> vector<16xf32>
        %max3A_313 = arith.maximumf %max3A_306, %gather3A_312 : vector<16xf32>
        %slice3A = vector.extract_strided_slice %max3A_313 {offsets = [0], sizes = [1], strides = [1]} : vector<16xf32> to vector<1xf32>
        %squeeze3A = vector.extract %slice3A[0] : f32 from vector<1xf32>
        %get3A_314 = arith.constant 0 : index
        %get3A_315 = tpu.vector_load %arg10[%get3A_314] {strides = array<i32>} : memref<16xf32, #tpu.memory_space<vmem>>, vector<16xf32>,
        %get3A_316 = vector.shape_cast %get3A_315 : vector<16xf32> to vector<16xf32>
        %slice3A_317 = vector.extract_strided_slice %get3A_316 {offsets = [0], sizes = [1], strides = [1]} : vector<16xf32> to vector<1xf32>
        %squeeze3A_318 = vector.extract %slice3A_317[0] : f32 from vector<1xf32>
        %gt3A = arith.cmpf ogt, %squeeze3A, %squeeze3A_318 : f32
        %convert_element_type3A = arith.extui %gt3A : i1 to i32
        %cond3A = arith.constant 0 : i32
        %cond3A_319 = arith.cmpi ne, %convert_element_type3A, %cond3A : i32
        scf.if %cond3A_319 {
          %scan3A_478 = arith.constant 0 : i32
          %scan3A_479 = arith.constant 0 : i32
          %scan3A_480 = arith.constant 25 : i32
          %scan3A_481 = arith.addi %scan3A_479, %scan3A_480 : i32
          %scan3A_482 = arith.constant 1 : i32
          scf.for %scan3A_484 = %scan3A_479 to %scan3A_481 step %scan3A_482  : i32 {
            %mul3A_485 = arith.constant 16 : i32
            %mul3A_486 = arith.muli %scan3A_484, %mul3A_485 : i32
            %get3A_487 = arith.index_cast %mul3A_486 : i32 to index
            %get3A_488 = tpu.vector_load %arg12[%get3A_487] {strides = array<i32>} : memref<400xf32, #tpu.memory_space<vmem>>, vector<16xf32>,
            %get3A_489 = vector.shape_cast %get3A_488 : vector<16xf32> to vector<16xf32>
            %xor3A_490 = arith.constant 1 : i32
            %xor3A_491 = vector.broadcast %xor3A_490 : i32 to vector<16xi32>
            %xor3A_492 = arith.xori %iota3A, %xor3A_491 : vector<16xi32>
            %reshape3A_493 = vector.shape_cast %xor3A_492 : vector<16xi32> to vector<16x1xi32>
            %gather3A_494 = vector.shape_cast %reshape3A_493 : vector<16x1xi32> to vector<16xi32>
            %gather3A_495 = tpu.dynamic_gather %get3A_489[%gather3A_494] in [0] : vector<16xf32>, vector<16xi32> -> vector<16xf32>
            %max3A_496 = arith.maximumf %get3A_489, %gather3A_495 : vector<16xf32>
            %xor3A_497 = arith.constant 2 : i32
            %xor3A_498 = vector.broadcast %xor3A_497 : i32 to vector<16xi32>
            %xor3A_499 = arith.xori %iota3A, %xor3A_498 : vector<16xi32>
            %reshape3A_500 = vector.shape_cast %xor3A_499 : vector<16xi32> to vector<16x1xi32>
            %gather3A_501 = vector.shape_cast %reshape3A_500 : vector<16x1xi32> to vector<16xi32>
            %gather3A_502 = tpu.dynamic_gather %max3A_496[%gather3A_501] in [0] : vector<16xf32>, vector<16xi32> -> vector<16xf32>
            %max3A_503 = arith.maximumf %max3A_496, %gather3A_502 : vector<16xf32>
            %xor3A_504 = arith.constant 4 : i32
            %xor3A_505 = vector.broadcast %xor3A_504 : i32 to vector<16xi32>
            %xor3A_506 = arith.xori %iota3A, %xor3A_505 : vector<16xi32>
            %reshape3A_507 = vector.shape_cast %xor3A_506 : vector<16xi32> to vector<16x1xi32>
            %gather3A_508 = vector.shape_cast %reshape3A_507 : vector<16x1xi32> to vector<16xi32>
            %gather3A_509 = tpu.dynamic_gather %max3A_503[%gather3A_508] in [0] : vector<16xf32>, vector<16xi32> -> vector<16xf32>
            %max3A_510 = arith.maximumf %max3A_503, %gather3A_509 : vector<16xf32>
            %xor3A_511 = arith.constant 8 : i32
            %xor3A_512 = vector.broadcast %xor3A_511 : i32 to vector<16xi32>
            %xor3A_513 = arith.xori %iota3A, %xor3A_512 : vector<16xi32>
            %reshape3A_514 = vector.shape_cast %xor3A_513 : vector<16xi32> to vector<16x1xi32>
            %gather3A_515 = vector.shape_cast %reshape3A_514 : vector<16x1xi32> to vector<16xi32>
            %gather3A_516 = tpu.dynamic_gather %max3A_510[%gather3A_515] in [0] : vector<16xf32>, vector<16xi32> -> vector<16xf32>
            %max3A_517 = arith.maximumf %max3A_510, %gather3A_516 : vector<16xf32>
            %slice3A_518 = vector.extract_strided_slice %max3A_517 {offsets = [0], sizes = [1], strides = [1]} : vector<16xf32> to vector<1xf32>
            %squeeze3A_519 = vector.extract %slice3A_518[0] : f32 from vector<1xf32>
            %get3A_520 = arith.constant 0 : index
            %get3A_521 = tpu.vector_load %arg10[%get3A_520] {strides = array<i32>} : memref<16xf32, #tpu.memory_space<vmem>>, vector<16xf32>,
            %get3A_522 = vector.shape_cast %get3A_521 : vector<16xf32> to vector<16xf32>
            %slice3A_523 = vector.extract_strided_slice %get3A_522 {offsets = [0], sizes = [1], strides = [1]} : vector<16xf32> to vector<1xf32>
            %squeeze3A_524 = vector.extract %slice3A_523[0] : f32 from vector<1xf32>
            %gt3A_525 = arith.cmpf ogt, %squeeze3A_519, %squeeze3A_524 : f32
            %convert_element_type3A_526 = arith.extui %gt3A_525 : i1 to i32
            %cond3A_527 = arith.constant 0 : i32
            %cond3A_528 = arith.cmpi ne, %convert_element_type3A_526, %cond3A_527 : i32
            scf.if %cond3A_528 {
              %scan3A_529 = arith.constant 0 : i32
              %scan3A_530 = arith.constant 0 : i32
              %scan3A_531 = arith.constant 25 : i32
              %scan3A_532 = arith.addi %scan3A_530, %scan3A_531 : i32
              %scan3A_533 = arith.constant 1 : i32
              scf.for %scan3A_535 = %scan3A_530 to %scan3A_532 step %scan3A_533  : i32 {
                %mul3A_536 = arith.constant 400 : i32
                %mul3A_537 = arith.muli %scan3A_484, %mul3A_536 : i32
                %mul3A_538 = arith.constant 16 : i32
                %mul3A_539 = arith.muli %scan3A_535, %mul3A_538 : i32
                %add3A_540 = arith.addi %mul3A_537, %mul3A_539 : i32
                %get3A_541 = arith.index_cast %add3A_540 : i32 to index
                %get3A_542 = tpu.vector_load %arg5[%get3A_541] {strides = array<i32>} : memref<10000xf32, #tpu.memory_space<vmem>>, vector<16xf32>,
                %get3A_543 = vector.shape_cast %get3A_542 : vector<16xf32> to vector<16xf32>
                %xor3A_544 = arith.constant 1 : i32
                %xor3A_545 = vector.broadcast %xor3A_544 : i32 to vector<16xi32>
                %xor3A_546 = arith.xori %iota3A, %xor3A_545 : vector<16xi32>
                %reshape3A_547 = vector.shape_cast %xor3A_546 : vector<16xi32> to vector<16x1xi32>
                %gather3A_548 = vector.shape_cast %reshape3A_547 : vector<16x1xi32> to vector<16xi32>
                %gather3A_549 = tpu.dynamic_gather %get3A_543[%gather3A_548] in [0] : vector<16xf32>, vector<16xi32> -> vector<16xf32>
                %max3A_550 = arith.maximumf %get3A_543, %gather3A_549 : vector<16xf32>
                %xor3A_551 = arith.constant 2 : i32
                %xor3A_552 = vector.broadcast %xor3A_551 : i32 to vector<16xi32>
                %xor3A_553 = arith.xori %iota3A, %xor3A_552 : vector<16xi32>
                %reshape3A_554 = vector.shape_cast %xor3A_553 : vector<16xi32> to vector<16x1xi32>
                %gather3A_555 = vector.shape_cast %reshape3A_554 : vector<16x1xi32> to vector<16xi32>
                %gather3A_556 = tpu.dynamic_gather %max3A_550[%gather3A_555] in [0] : vector<16xf32>, vector<16xi32> -> vector<16xf32>
                %max3A_557 = arith.maximumf %max3A_550, %gather3A_556 : vector<16xf32>
                %xor3A_558 = arith.constant 4 : i32
                %xor3A_559 = vector.broadcast %xor3A_558 : i32 to vector<16xi32>
                %xor3A_560 = arith.xori %iota3A, %xor3A_559 : vector<16xi32>
                %reshape3A_561 = vector.shape_cast %xor3A_560 : vector<16xi32> to vector<16x1xi32>
                %gather3A_562 = vector.shape_cast %reshape3A_561 : vector<16x1xi32> to vector<16xi32>
                %gather3A_563 = tpu.dynamic_gather %max3A_557[%gather3A_562] in [0] : vector<16xf32>, vector<16xi32> -> vector<16xf32>
                %max3A_564 = arith.maximumf %max3A_557, %gather3A_563 : vector<16xf32>
                %xor3A_565 = arith.constant 8 : i32
                %xor3A_566 = vector.broadcast %xor3A_565 : i32 to vector<16xi32>
                %xor3A_567 = arith.xori %iota3A, %xor3A_566 : vector<16xi32>
                %reshape3A_568 = vector.shape_cast %xor3A_567 : vector<16xi32> to vector<16x1xi32>
                %gather3A_569 = vector.shape_cast %reshape3A_568 : vector<16x1xi32> to vector<16xi32>
                %gather3A_570 = tpu.dynamic_gather %max3A_564[%gather3A_569] in [0] : vector<16xf32>, vector<16xi32> -> vector<16xf32>
                %max3A_571 = arith.maximumf %max3A_564, %gather3A_570 : vector<16xf32>
                %slice3A_572 = vector.extract_strided_slice %max3A_571 {offsets = [0], sizes = [1], strides = [1]} : vector<16xf32> to vector<1xf32>
                %squeeze3A_573 = vector.extract %slice3A_572[0] : f32 from vector<1xf32>
                %get3A_574 = arith.constant 0 : index
                %get3A_575 = tpu.vector_load %arg10[%get3A_574] {strides = array<i32>} : memref<16xf32, #tpu.memory_space<vmem>>, vector<16xf32>,
                %get3A_576 = vector.shape_cast %get3A_575 : vector<16xf32> to vector<16xf32>
                %slice3A_577 = vector.extract_strided_slice %get3A_576 {offsets = [0], sizes = [1], strides = [1]} : vector<16xf32> to vector<1xf32>
                %squeeze3A_578 = vector.extract %slice3A_577[0] : f32 from vector<1xf32>
                %gt3A_579 = arith.cmpf ogt, %squeeze3A_573, %squeeze3A_578 : f32
                %convert_element_type3A_580 = arith.extui %gt3A_579 : i1 to i32
                %cond3A_581 = arith.constant 0 : i32
                %cond3A_582 = arith.cmpi ne, %convert_element_type3A_580, %cond3A_581 : i32
                scf.if %cond3A_582 {
                  %get3A_583 = arith.constant 0 : index
                  %get3A_584 = tpu.vector_load %arg9[%get3A_583] {strides = array<i32>} : memref<16xf32, #tpu.memory_space<vmem>>, vector<16xf32>,
                  %get3A_585 = vector.shape_cast %get3A_584 : vector<16xf32> to vector<16xf32>
                  %xor3A_586 = arith.constant 1 : i32
                  %xor3A_587 = vector.broadcast %xor3A_586 : i32 to vector<16xi32>
                  %xor3A_588 = arith.xori %iota3A, %xor3A_587 : vector<16xi32>
                  %reshape3A_589 = vector.shape_cast %xor3A_588 : vector<16xi32> to vector<16x1xi32>
                  %gather3A_590 = vector.shape_cast %reshape3A_589 : vector<16x1xi32> to vector<16xi32>
                  %gather3A_591 = tpu.dynamic_gather %get3A_585[%gather3A_590] in [0] : vector<16xf32>, vector<16xi32> -> vector<16xf32>
                  %max3A_592 = arith.maximumf %get3A_585, %gather3A_591 : vector<16xf32>
                  %xor3A_593 = arith.constant 2 : i32
                  %xor3A_594 = vector.broadcast %xor3A_593 : i32 to vector<16xi32>
                  %xor3A_595 = arith.xori %iota3A, %xor3A_594 : vector<16xi32>
                  %reshape3A_596 = vector.shape_cast %xor3A_595 : vector<16xi32> to vector<16x1xi32>
                  %gather3A_597 = vector.shape_cast %reshape3A_596 : vector<16x1xi32> to vector<16xi32>
                  %gather3A_598 = tpu.dynamic_gather %max3A_592[%gather3A_597] in [0] : vector<16xf32>, vector<16xi32> -> vector<16xf32>
                  %max3A_599 = arith.maximumf %max3A_592, %gather3A_598 : vector<16xf32>
                  %xor3A_600 = arith.constant 4 : i32
                  %xor3A_601 = vector.broadcast %xor3A_600 : i32 to vector<16xi32>
                  %xor3A_602 = arith.xori %iota3A, %xor3A_601 : vector<16xi32>
                  %reshape3A_603 = vector.shape_cast %xor3A_602 : vector<16xi32> to vector<16x1xi32>
                  %gather3A_604 = vector.shape_cast %reshape3A_603 : vector<16x1xi32> to vector<16xi32>
                  %gather3A_605 = tpu.dynamic_gather %max3A_599[%gather3A_604] in [0] : vector<16xf32>, vector<16xi32> -> vector<16xf32>
                  %max3A_606 = arith.maximumf %max3A_599, %gather3A_605 : vector<16xf32>
                  %xor3A_607 = arith.constant 8 : i32
                  %xor3A_608 = vector.broadcast %xor3A_607 : i32 to vector<16xi32>
                  %xor3A_609 = arith.xori %iota3A, %xor3A_608 : vector<16xi32>
                  %reshape3A_610 = vector.shape_cast %xor3A_609 : vector<16xi32> to vector<16x1xi32>
                  %gather3A_611 = vector.shape_cast %reshape3A_610 : vector<16x1xi32> to vector<16xi32>
                  %gather3A_612 = tpu.dynamic_gather %max3A_606[%gather3A_611] in [0] : vector<16xf32>, vector<16xi32> -> vector<16xf32>
                  %max3A_613 = arith.maximumf %max3A_606, %gather3A_612 : vector<16xf32>
                  %xor3A_614 = arith.constant 1 : i32
                  %xor3A_615 = vector.broadcast %xor3A_614 : i32 to vector<16xi32>
                  %xor3A_616 = arith.xori %iota3A, %xor3A_615 : vector<16xi32>
                  %reshape3A_617 = vector.shape_cast %xor3A_616 : vector<16xi32> to vector<16x1xi32>
                  %gather3A_618 = vector.shape_cast %reshape3A_617 : vector<16x1xi32> to vector<16xi32>
                  %gather3A_619 = tpu.dynamic_gather %get3A_543[%gather3A_618] in [0] : vector<16xf32>, vector<16xi32> -> vector<16xf32>
                  %max3A_620 = arith.maximumf %get3A_543, %gather3A_619 : vector<16xf32>
                  %xor3A_621 = arith.constant 2 : i32
                  %xor3A_622 = vector.broadcast %xor3A_621 : i32 to vector<16xi32>
                  %xor3A_623 = arith.xori %iota3A, %xor3A_622 : vector<16xi32>
                  %reshape3A_624 = vector.shape_cast %xor3A_623 : vector<16xi32> to vector<16x1xi32>
                  %gather3A_625 = vector.shape_cast %reshape3A_624 : vector<16x1xi32> to vector<16xi32>
                  %gather3A_626 = tpu.dynamic_gather %max3A_620[%gather3A_625] in [0] : vector<16xf32>, vector<16xi32> -> vector<16xf32>
                  %max3A_627 = arith.maximumf %max3A_620, %gather3A_626 : vector<16xf32>
                  %xor3A_628 = arith.constant 4 : i32
                  %xor3A_629 = vector.broadcast %xor3A_628 : i32 to vector<16xi32>
                  %xor3A_630 = arith.xori %iota3A, %xor3A_629 : vector<16xi32>
                  %reshape3A_631 = vector.shape_cast %xor3A_630 : vector<16xi32> to vector<16x1xi32>
                  %gather3A_632 = vector.shape_cast %reshape3A_631 : vector<16x1xi32> to vector<16xi32>
                  %gather3A_633 = tpu.dynamic_gather %max3A_627[%gather3A_632] in [0] : vector<16xf32>, vector<16xi32> -> vector<16xf32>
                  %max3A_634 = arith.maximumf %max3A_627, %gather3A_633 : vector<16xf32>
                  %xor3A_635 = arith.constant 8 : i32
                  %xor3A_636 = vector.broadcast %xor3A_635 : i32 to vector<16xi32>
                  %xor3A_637 = arith.xori %iota3A, %xor3A_636 : vector<16xi32>
                  %reshape3A_638 = vector.shape_cast %xor3A_637 : vector<16xi32> to vector<16x1xi32>
                  %gather3A_639 = vector.shape_cast %reshape3A_638 : vector<16x1xi32> to vector<16xi32>
                  %gather3A_640 = tpu.dynamic_gather %max3A_634[%gather3A_639] in [0] : vector<16xf32>, vector<16xi32> -> vector<16xf32>
                  %max3A_641 = arith.maximumf %max3A_634, %gather3A_640 : vector<16xf32>
                  %max3A_642 = arith.maximumf %max3A_613, %max3A_641 : vector<16xf32>
                  %eq3A_643 = arith.constant 0 : i32
                  %eq3A_644 = vector.broadcast %eq3A_643 : i32 to vector<16xi32>
                  %eq3A_645 = arith.cmpi eq, %iota3A, %eq3A_644 : vector<16xi32>
                  %select_n3A_646 = arith.select %eq3A_645, %max3A_642, %broadcast_in_dim3A_5 : vector<16xi1>, vector<16xf32>
                  %eq3A_647 = arith.cmpf oeq, %get3A_585, %max3A_642 : vector<16xf32>
                  %select_n3A_648 = arith.select %eq3A_647, %broadcast_in_dim3A_5, %get3A_585 : vector<16xi1>, vector<16xf32>
                  %eq3A_649 = arith.cmpf oeq, %get3A_543, %max3A_642 : vector<16xf32>
                  %select_n3A_650 = arith.select %eq3A_649, %broadcast_in_dim3A_5, %get3A_543 : vector<16xi1>, vector<16xf32>
                  %xor3A_651 = arith.constant 1 : i32
                  %xor3A_652 = vector.broadcast %xor3A_651 : i32 to vector<16xi32>
                  %xor3A_653 = arith.xori %iota3A, %xor3A_652 : vector<16xi32>
                  %reshape3A_654 = vector.shape_cast %xor3A_653 : vector<16xi32> to vector<16x1xi32>
                  %gather3A_655 = vector.shape_cast %reshape3A_654 : vector<16x1xi32> to vector<16xi32>
                  %gather3A_656 = tpu.dynamic_gather %select_n3A_648[%gather3A_655] in [0] : vector<16xf32>, vector<16xi32> -> vector<16xf32>
                  %max3A_657 = arith.maximumf %select_n3A_648, %gather3A_656 : vector<16xf32>
                  %xor3A_658 = arith.constant 2 : i32
                  %xor3A_659 = vector.broadcast %xor3A_658 : i32 to vector<16xi32>
                  %xor3A_660 = arith.xori %iota3A, %xor3A_659 : vector<16xi32>
                  %reshape3A_661 = vector.shape_cast %xor3A_660 : vector<16xi32> to vector<16x1xi32>
                  %gather3A_662 = vector.shape_cast %reshape3A_661 : vector<16x1xi32> to vector<16xi32>
                  %gather3A_663 = tpu.dynamic_gather %max3A_657[%gather3A_662] in [0] : vector<16xf32>, vector<16xi32> -> vector<16xf32>
                  %max3A_664 = arith.maximumf %max3A_657, %gather3A_663 : vector<16xf32>
                  %xor3A_665 = arith.constant 4 : i32
                  %xor3A_666 = vector.broadcast %xor3A_665 : i32 to vector<16xi32>
                  %xor3A_667 = arith.xori %iota3A, %xor3A_666 : vector<16xi32>
                  %reshape3A_668 = vector.shape_cast %xor3A_667 : vector<16xi32> to vector<16x1xi32>
                  %gather3A_669 = vector.shape_cast %reshape3A_668 : vector<16x1xi32> to vector<16xi32>
                  %gather3A_670 = tpu.dynamic_gather %max3A_664[%gather3A_669] in [0] : vector<16xf32>, vector<16xi32> -> vector<16xf32>
                  %max3A_671 = arith.maximumf %max3A_664, %gather3A_670 : vector<16xf32>
                  %xor3A_672 = arith.constant 8 : i32
                  %xor3A_673 = vector.broadcast %xor3A_672 : i32 to vector<16xi32>
                  %xor3A_674 = arith.xori %iota3A, %xor3A_673 : vector<16xi32>
                  %reshape3A_675 = vector.shape_cast %xor3A_674 : vector<16xi32> to vector<16x1xi32>
                  %gather3A_676 = vector.shape_cast %reshape3A_675 : vector<16x1xi32> to vector<16xi32>
                  %gather3A_677 = tpu.dynamic_gather %max3A_671[%gather3A_676] in [0] : vector<16xf32>, vector<16xi32> -> vector<16xf32>
                  %max3A_678 = arith.maximumf %max3A_671, %gather3A_677 : vector<16xf32>
                  %xor3A_679 = arith.constant 1 : i32
                  %xor3A_680 = vector.broadcast %xor3A_679 : i32 to vector<16xi32>
                  %xor3A_681 = arith.xori %iota3A, %xor3A_680 : vector<16xi32>
                  %reshape3A_682 = vector.shape_cast %xor3A_681 : vector<16xi32> to vector<16x1xi32>
                  %gather3A_683 = vector.shape_cast %reshape3A_682 : vector<16x1xi32> to vector<16xi32>
                  %gather3A_684 = tpu.dynamic_gather %select_n3A_650[%gather3A_683] in [0] : vector<16xf32>, vector<16xi32> -> vector<16xf32>
                  %max3A_685 = arith.maximumf %select_n3A_650, %gather3A_684 : vector<16xf32>
                  %xor3A_686 = arith.constant 2 : i32
                  %xor3A_687 = vector.broadcast %xor3A_686 : i32 to vector<16xi32>
                  %xor3A_688 = arith.xori %iota3A, %xor3A_687 : vector<16xi32>
                  %reshape3A_689 = vector.shape_cast %xor3A_688 : vector<16xi32> to vector<16x1xi32>
                  %gather3A_690 = vector.shape_cast %reshape3A_689 : vector<16x1xi32> to vector<16xi32>
                  %gather3A_691 = tpu.dynamic_gather %max3A_685[%gather3A_690] in [0] : vector<16xf32>, vector<16xi32> -> vector<16xf32>
                  %max3A_692 = arith.maximumf %max3A_685, %gather3A_691 : vector<16xf32>
                  %xor3A_693 = arith.constant 4 : i32
                  %xor3A_694 = vector.broadcast %xor3A_693 : i32 to vector<16xi32>
                  %xor3A_695 = arith.xori %iota3A, %xor3A_694 : vector<16xi32>
                  %reshape3A_696 = vector.shape_cast %xor3A_695 : vector<16xi32> to vector<16x1xi32>
                  %gather3A_697 = vector.shape_cast %reshape3A_696 : vector<16x1xi32> to vector<16xi32>
                  %gather3A_698 = tpu.dynamic_gather %max3A_692[%gather3A_697] in [0] : vector<16xf32>, vector<16xi32> -> vector<16xf32>
                  %max3A_699 = arith.maximumf %max3A_692, %gather3A_698 : vector<16xf32>
                  %xor3A_700 = arith.constant 8 : i32
                  %xor3A_701 = vector.broadcast %xor3A_700 : i32 to vector<16xi32>
                  %xor3A_702 = arith.xori %iota3A, %xor3A_701 : vector<16xi32>
                  %reshape3A_703 = vector.shape_cast %xor3A_702 : vector<16xi32> to vector<16x1xi32>
                  %gather3A_704 = vector.shape_cast %reshape3A_703 : vector<16x1xi32> to vector<16xi32>
                  %gather3A_705 = tpu.dynamic_gather %max3A_699[%gather3A_704] in [0] : vector<16xf32>, vector<16xi32> -> vector<16xf32>
                  %max3A_706 = arith.maximumf %max3A_699, %gather3A_705 : vector<16xf32>
                  %max3A_707 = arith.maximumf %max3A_678, %max3A_706 : vector<16xf32>
                  %eq3A_708 = arith.constant 1 : i32
                  %eq3A_709 = vector.broadcast %eq3A_708 : i32 to vector<16xi32>
                  %eq3A_710 = arith.cmpi eq, %iota3A, %eq3A_709 : vector<16xi32>
                  %select_n3A_711 = arith.select %eq3A_710, %max3A_707, %select_n3A_646 : vector<16xi1>, vector<16xf32>
                  %eq3A_712 = arith.cmpf oeq, %select_n3A_648, %max3A_707 : vector<16xf32>
                  %select_n3A_713 = arith.select %eq3A_712, %broadcast_in_dim3A_5, %select_n3A_648 : vector<16xi1>, vector<16xf32>
                  %eq3A_714 = arith.cmpf oeq, %select_n3A_650, %max3A_707 : vector<16xf32>
                  %select_n3A_715 = arith.select %eq3A_714, %broadcast_in_dim3A_5, %select_n3A_650 : vector<16xi1>, vector<16xf32>
                  %xor3A_716 = arith.constant 1 : i32
                  %xor3A_717 = vector.broadcast %xor3A_716 : i32 to vector<16xi32>
                  %xor3A_718 = arith.xori %iota3A, %xor3A_717 : vector<16xi32>
                  %reshape3A_719 = vector.shape_cast %xor3A_718 : vector<16xi32> to vector<16x1xi32>
                  %gather3A_720 = vector.shape_cast %reshape3A_719 : vector<16x1xi32> to vector<16xi32>
                  %gather3A_721 = tpu.dynamic_gather %select_n3A_713[%gather3A_720] in [0] : vector<16xf32>, vector<16xi32> -> vector<16xf32>
                  %max3A_722 = arith.maximumf %select_n3A_713, %gather3A_721 : vector<16xf32>
                  %xor3A_723 = arith.constant 2 : i32
                  %xor3A_724 = vector.broadcast %xor3A_723 : i32 to vector<16xi32>
                  %xor3A_725 = arith.xori %iota3A, %xor3A_724 : vector<16xi32>
                  %reshape3A_726 = vector.shape_cast %xor3A_725 : vector<16xi32> to vector<16x1xi32>
                  %gather3A_727 = vector.shape_cast %reshape3A_726 : vector<16x1xi32> to vector<16xi32>
                  %gather3A_728 = tpu.dynamic_gather %max3A_722[%gather3A_727] in [0] : vector<16xf32>, vector<16xi32> -> vector<16xf32>
                  %max3A_729 = arith.maximumf %max3A_722, %gather3A_728 : vector<16xf32>
                  %xor3A_730 = arith.constant 4 : i32
                  %xor3A_731 = vector.broadcast %xor3A_730 : i32 to vector<16xi32>
                  %xor3A_732 = arith.xori %iota3A, %xor3A_731 : vector<16xi32>
                  %reshape3A_733 = vector.shape_cast %xor3A_732 : vector<16xi32> to vector<16x1xi32>
                  %gather3A_734 = vector.shape_cast %reshape3A_733 : vector<16x1xi32> to vector<16xi32>
                  %gather3A_735 = tpu.dynamic_gather %max3A_729[%gather3A_734] in [0] : vector<16xf32>, vector<16xi32> -> vector<16xf32>
                  %max3A_736 = arith.maximumf %max3A_729, %gather3A_735 : vector<16xf32>
                  %xor3A_737 = arith.constant 8 : i32
                  %xor3A_738 = vector.broadcast %xor3A_737 : i32 to vector<16xi32>
                  %xor3A_739 = arith.xori %iota3A, %xor3A_738 : vector<16xi32>
                  %reshape3A_740 = vector.shape_cast %xor3A_739 : vector<16xi32> to vector<16x1xi32>
                  %gather3A_741 = vector.shape_cast %reshape3A_740 : vector<16x1xi32> to vector<16xi32>
                  %gather3A_742 = tpu.dynamic_gather %max3A_736[%gather3A_741] in [0] : vector<16xf32>, vector<16xi32> -> vector<16xf32>
                  %max3A_743 = arith.maximumf %max3A_736, %gather3A_742 : vector<16xf32>
                  %xor3A_744 = arith.constant 1 : i32
                  %xor3A_745 = vector.broadcast %xor3A_744 : i32 to vector<16xi32>
                  %xor3A_746 = arith.xori %iota3A, %xor3A_745 : vector<16xi32>
                  %reshape3A_747 = vector.shape_cast %xor3A_746 : vector<16xi32> to vector<16x1xi32>
                  %gather3A_748 = vector.shape_cast %reshape3A_747 : vector<16x1xi32> to vector<16xi32>
                  %gather3A_749 = tpu.dynamic_gather %select_n3A_715[%gather3A_748] in [0] : vector<16xf32>, vector<16xi32> -> vector<16xf32>
                  %max3A_750 = arith.maximumf %select_n3A_715, %gather3A_749 : vector<16xf32>
                  %xor3A_751 = arith.constant 2 : i32
                  %xor3A_752 = vector.broadcast %xor3A_751 : i32 to vector<16xi32>
                  %xor3A_753 = arith.xori %iota3A, %xor3A_752 : vector<16xi32>
                  %reshape3A_754 = vector.shape_cast %xor3A_753 : vector<16xi32> to vector<16x1xi32>
                  %gather3A_755 = vector.shape_cast %reshape3A_754 : vector<16x1xi32> to vector<16xi32>
                  %gather3A_756 = tpu.dynamic_gather %max3A_750[%gather3A_755] in [0] : vector<16xf32>, vector<16xi32> -> vector<16xf32>
                  %max3A_757 = arith.maximumf %max3A_750, %gather3A_756 : vector<16xf32>
                  %xor3A_758 = arith.constant 4 : i32
                  %xor3A_759 = vector.broadcast %xor3A_758 : i32 to vector<16xi32>
                  %xor3A_760 = arith.xori %iota3A, %xor3A_759 : vector<16xi32>
                  %reshape3A_761 = vector.shape_cast %xor3A_760 : vector<16xi32> to vector<16x1xi32>
                  %gather3A_762 = vector.shape_cast %reshape3A_761 : vector<16x1xi32> to vector<16xi32>
                  %gather3A_763 = tpu.dynamic_gather %max3A_757[%gather3A_762] in [0] : vector<16xf32>, vector<16xi32> -> vector<16xf32>
                  %max3A_764 = arith.maximumf %max3A_757, %gather3A_763 : vector<16xf32>
                  %xor3A_765 = arith.constant 8 : i32
                  %xor3A_766 = vector.broadcast %xor3A_765 : i32 to vector<16xi32>
                  %xor3A_767 = arith.xori %iota3A, %xor3A_766 : vector<16xi32>
                  %reshape3A_768 = vector.shape_cast %xor3A_767 : vector<16xi32> to vector<16x1xi32>
                  %gather3A_769 = vector.shape_cast %reshape3A_768 : vector<16x1xi32> to vector<16xi32>
                  %gather3A_770 = tpu.dynamic_gather %max3A_764[%gather3A_769] in [0] : vector<16xf32>, vector<16xi32> -> vector<16xf32>
                  %max3A_771 = arith.maximumf %max3A_764, %gather3A_770 : vector<16xf32>
                  %max3A_772 = arith.maximumf %max3A_743, %max3A_771 : vector<16xf32>
                  %eq3A_773 = arith.constant 2 : i32
                  %eq3A_774 = vector.broadcast %eq3A_773 : i32 to vector<16xi32>
                  %eq3A_775 = arith.cmpi eq, %iota3A, %eq3A_774 : vector<16xi32>
                  %select_n3A_776 = arith.select %eq3A_775, %max3A_772, %select_n3A_711 : vector<16xi1>, vector<16xf32>
                  %eq3A_777 = arith.cmpf oeq, %select_n3A_713, %max3A_772 : vector<16xf32>
                  %select_n3A_778 = arith.select %eq3A_777, %broadcast_in_dim3A_5, %select_n3A_713 : vector<16xi1>, vector<16xf32>
                  %eq3A_779 = arith.cmpf oeq, %select_n3A_715, %max3A_772 : vector<16xf32>
                  %select_n3A_780 = arith.select %eq3A_779, %broadcast_in_dim3A_5, %select_n3A_715 : vector<16xi1>, vector<16xf32>
                  %xor3A_781 = arith.constant 1 : i32
                  %xor3A_782 = vector.broadcast %xor3A_781 : i32 to vector<16xi32>
                  %xor3A_783 = arith.xori %iota3A, %xor3A_782 : vector<16xi32>
                  %reshape3A_784 = vector.shape_cast %xor3A_783 : vector<16xi32> to vector<16x1xi32>
                  %gather3A_785 = vector.shape_cast %reshape3A_784 : vector<16x1xi32> to vector<16xi32>
                  %gather3A_786 = tpu.dynamic_gather %select_n3A_778[%gather3A_785] in [0] : vector<16xf32>, vector<16xi32> -> vector<16xf32>
                  %max3A_787 = arith.maximumf %select_n3A_778, %gather3A_786 : vector<16xf32>
                  %xor3A_788 = arith.constant 2 : i32
                  %xor3A_789 = vector.broadcast %xor3A_788 : i32 to vector<16xi32>
                  %xor3A_790 = arith.xori %iota3A, %xor3A_789 : vector<16xi32>
                  %reshape3A_791 = vector.shape_cast %xor3A_790 : vector<16xi32> to vector<16x1xi32>
                  %gather3A_792 = vector.shape_cast %reshape3A_791 : vector<16x1xi32> to vector<16xi32>
                  %gather3A_793 = tpu.dynamic_gather %max3A_787[%gather3A_792] in [0] : vector<16xf32>, vector<16xi32> -> vector<16xf32>
                  %max3A_794 = arith.maximumf %max3A_787, %gather3A_793 : vector<16xf32>
                  %xor3A_795 = arith.constant 4 : i32
                  %xor3A_796 = vector.broadcast %xor3A_795 : i32 to vector<16xi32>
                  %xor3A_797 = arith.xori %iota3A, %xor3A_796 : vector<16xi32>
                  %reshape3A_798 = vector.shape_cast %xor3A_797 : vector<16xi32> to vector<16x1xi32>
                  %gather3A_799 = vector.shape_cast %reshape3A_798 : vector<16x1xi32> to vector<16xi32>
                  %gather3A_800 = tpu.dynamic_gather %max3A_794[%gather3A_799] in [0] : vector<16xf32>, vector<16xi32> -> vector<16xf32>
                  %max3A_801 = arith.maximumf %max3A_794, %gather3A_800 : vector<16xf32>
                  %xor3A_802 = arith.constant 8 : i32
                  %xor3A_803 = vector.broadcast %xor3A_802 : i32 to vector<16xi32>
                  %xor3A_804 = arith.xori %iota3A, %xor3A_803 : vector<16xi32>
                  %reshape3A_805 = vector.shape_cast %xor3A_804 : vector<16xi32> to vector<16x1xi32>
                  %gather3A_806 = vector.shape_cast %reshape3A_805 : vector<16x1xi32> to vector<16xi32>
                  %gather3A_807 = tpu.dynamic_gather %max3A_801[%gather3A_806] in [0] : vector<16xf32>, vector<16xi32> -> vector<16xf32>
                  %max3A_808 = arith.maximumf %max3A_801, %gather3A_807 : vector<16xf32>
                  %xor3A_809 = arith.constant 1 : i32
                  %xor3A_810 = vector.broadcast %xor3A_809 : i32 to vector<16xi32>
                  %xor3A_811 = arith.xori %iota3A, %xor3A_810 : vector<16xi32>
                  %reshape3A_812 = vector.shape_cast %xor3A_811 : vector<16xi32> to vector<16x1xi32>
                  %gather3A_813 = vector.shape_cast %reshape3A_812 : vector<16x1xi32> to vector<16xi32>
                  %gather3A_814 = tpu.dynamic_gather %select_n3A_780[%gather3A_813] in [0] : vector<16xf32>, vector<16xi32> -> vector<16xf32>
                  %max3A_815 = arith.maximumf %select_n3A_780, %gather3A_814 : vector<16xf32>
                  %xor3A_816 = arith.constant 2 : i32
                  %xor3A_817 = vector.broadcast %xor3A_816 : i32 to vector<16xi32>
                  %xor3A_818 = arith.xori %iota3A, %xor3A_817 : vector<16xi32>
                  %reshape3A_819 = vector.shape_cast %xor3A_818 : vector<16xi32> to vector<16x1xi32>
                  %gather3A_820 = vector.shape_cast %reshape3A_819 : vector<16x1xi32> to vector<16xi32>
                  %gather3A_821 = tpu.dynamic_gather %max3A_815[%gather3A_820] in [0] : vector<16xf32>, vector<16xi32> -> vector<16xf32>
                  %max3A_822 = arith.maximumf %max3A_815, %gather3A_821 : vector<16xf32>
                  %xor3A_823 = arith.constant 4 : i32
                  %xor3A_824 = vector.broadcast %xor3A_823 : i32 to vector<16xi32>
                  %xor3A_825 = arith.xori %iota3A, %xor3A_824 : vector<16xi32>
                  %reshape3A_826 = vector.shape_cast %xor3A_825 : vector<16xi32> to vector<16x1xi32>
                  %gather3A_827 = vector.shape_cast %reshape3A_826 : vector<16x1xi32> to vector<16xi32>
                  %gather3A_828 = tpu.dynamic_gather %max3A_822[%gather3A_827] in [0] : vector<16xf32>, vector<16xi32> -> vector<16xf32>
                  %max3A_829 = arith.maximumf %max3A_822, %gather3A_828 : vector<16xf32>
                  %xor3A_830 = arith.constant 8 : i32
                  %xor3A_831 = vector.broadcast %xor3A_830 : i32 to vector<16xi32>
                  %xor3A_832 = arith.xori %iota3A, %xor3A_831 : vector<16xi32>
                  %reshape3A_833 = vector.shape_cast %xor3A_832 : vector<16xi32> to vector<16x1xi32>
                  %gather3A_834 = vector.shape_cast %reshape3A_833 : vector<16x1xi32> to vector<16xi32>
                  %gather3A_835 = tpu.dynamic_gather %max3A_829[%gather3A_834] in [0] : vector<16xf32>, vector<16xi32> -> vector<16xf32>
                  %max3A_836 = arith.maximumf %max3A_829, %gather3A_835 : vector<16xf32>
                  %max3A_837 = arith.maximumf %max3A_808, %max3A_836 : vector<16xf32>
                  %eq3A_838 = arith.constant 3 : i32
                  %eq3A_839 = vector.broadcast %eq3A_838 : i32 to vector<16xi32>
                  %eq3A_840 = arith.cmpi eq, %iota3A, %eq3A_839 : vector<16xi32>
                  %select_n3A_841 = arith.select %eq3A_840, %max3A_837, %select_n3A_776 : vector<16xi1>, vector<16xf32>
                  %eq3A_842 = arith.cmpf oeq, %select_n3A_778, %max3A_837 : vector<16xf32>
                  %select_n3A_843 = arith.select %eq3A_842, %broadcast_in_dim3A_5, %select_n3A_778 : vector<16xi1>, vector<16xf32>
                  %eq3A_844 = arith.cmpf oeq, %select_n3A_780, %max3A_837 : vector<16xf32>
                  %select_n3A_845 = arith.select %eq3A_844, %broadcast_in_dim3A_5, %select_n3A_780 : vector<16xi1>, vector<16xf32>
                  %xor3A_846 = arith.constant 1 : i32
                  %xor3A_847 = vector.broadcast %xor3A_846 : i32 to vector<16xi32>
                  %xor3A_848 = arith.xori %iota3A, %xor3A_847 : vector<16xi32>
                  %reshape3A_849 = vector.shape_cast %xor3A_848 : vector<16xi32> to vector<16x1xi32>
                  %gather3A_850 = vector.shape_cast %reshape3A_849 : vector<16x1xi32> to vector<16xi32>
                  %gather3A_851 = tpu.dynamic_gather %select_n3A_843[%gather3A_850] in [0] : vector<16xf32>, vector<16xi32> -> vector<16xf32>
                  %max3A_852 = arith.maximumf %select_n3A_843, %gather3A_851 : vector<16xf32>
                  %xor3A_853 = arith.constant 2 : i32
                  %xor3A_854 = vector.broadcast %xor3A_853 : i32 to vector<16xi32>
                  %xor3A_855 = arith.xori %iota3A, %xor3A_854 : vector<16xi32>
                  %reshape3A_856 = vector.shape_cast %xor3A_855 : vector<16xi32> to vector<16x1xi32>
                  %gather3A_857 = vector.shape_cast %reshape3A_856 : vector<16x1xi32> to vector<16xi32>
                  %gather3A_858 = tpu.dynamic_gather %max3A_852[%gather3A_857] in [0] : vector<16xf32>, vector<16xi32> -> vector<16xf32>
                  %max3A_859 = arith.maximumf %max3A_852, %gather3A_858 : vector<16xf32>
                  %xor3A_860 = arith.constant 4 : i32
                  %xor3A_861 = vector.broadcast %xor3A_860 : i32 to vector<16xi32>
                  %xor3A_862 = arith.xori %iota3A, %xor3A_861 : vector<16xi32>
                  %reshape3A_863 = vector.shape_cast %xor3A_862 : vector<16xi32> to vector<16x1xi32>
                  %gather3A_864 = vector.shape_cast %reshape3A_863 : vector<16x1xi32> to vector<16xi32>
                  %gather3A_865 = tpu.dynamic_gather %max3A_859[%gather3A_864] in [0] : vector<16xf32>, vector<16xi32> -> vector<16xf32>
                  %max3A_866 = arith.maximumf %max3A_859, %gather3A_865 : vector<16xf32>
                  %xor3A_867 = arith.constant 8 : i32
                  %xor3A_868 = vector.broadcast %xor3A_867 : i32 to vector<16xi32>
                  %xor3A_869 = arith.xori %iota3A, %xor3A_868 : vector<16xi32>
                  %reshape3A_870 = vector.shape_cast %xor3A_869 : vector<16xi32> to vector<16x1xi32>
                  %gather3A_871 = vector.shape_cast %reshape3A_870 : vector<16x1xi32> to vector<16xi32>
                  %gather3A_872 = tpu.dynamic_gather %max3A_866[%gather3A_871] in [0] : vector<16xf32>, vector<16xi32> -> vector<16xf32>
                  %max3A_873 = arith.maximumf %max3A_866, %gather3A_872 : vector<16xf32>
                  %xor3A_874 = arith.constant 1 : i32
                  %xor3A_875 = vector.broadcast %xor3A_874 : i32 to vector<16xi32>
                  %xor3A_876 = arith.xori %iota3A, %xor3A_875 : vector<16xi32>
                  %reshape3A_877 = vector.shape_cast %xor3A_876 : vector<16xi32> to vector<16x1xi32>
                  %gather3A_878 = vector.shape_cast %reshape3A_877 : vector<16x1xi32> to vector<16xi32>
                  %gather3A_879 = tpu.dynamic_gather %select_n3A_845[%gather3A_878] in [0] : vector<16xf32>, vector<16xi32> -> vector<16xf32>
                  %max3A_880 = arith.maximumf %select_n3A_845, %gather3A_879 : vector<16xf32>
                  %xor3A_881 = arith.constant 2 : i32
                  %xor3A_882 = vector.broadcast %xor3A_881 : i32 to vector<16xi32>
                  %xor3A_883 = arith.xori %iota3A, %xor3A_882 : vector<16xi32>
                  %reshape3A_884 = vector.shape_cast %xor3A_883 : vector<16xi32> to vector<16x1xi32>
                  %gather3A_885 = vector.shape_cast %reshape3A_884 : vector<16x1xi32> to vector<16xi32>
                  %gather3A_886 = tpu.dynamic_gather %max3A_880[%gather3A_885] in [0] : vector<16xf32>, vector<16xi32> -> vector<16xf32>
                  %max3A_887 = arith.maximumf %max3A_880, %gather3A_886 : vector<16xf32>
                  %xor3A_888 = arith.constant 4 : i32
                  %xor3A_889 = vector.broadcast %xor3A_888 : i32 to vector<16xi32>
                  %xor3A_890 = arith.xori %iota3A, %xor3A_889 : vector<16xi32>
                  %reshape3A_891 = vector.shape_cast %xor3A_890 : vector<16xi32> to vector<16x1xi32>
                  %gather3A_892 = vector.shape_cast %reshape3A_891 : vector<16x1xi32> to vector<16xi32>
                  %gather3A_893 = tpu.dynamic_gather %max3A_887[%gather3A_892] in [0] : vector<16xf32>, vector<16xi32> -> vector<16xf32>
                  %max3A_894 = arith.maximumf %max3A_887, %gather3A_893 : vector<16xf32>
                  %xor3A_895 = arith.constant 8 : i32
                  %xor3A_896 = vector.broadcast %xor3A_895 : i32 to vector<16xi32>
                  %xor3A_897 = arith.xori %iota3A, %xor3A_896 : vector<16xi32>
                  %reshape3A_898 = vector.shape_cast %xor3A_897 : vector<16xi32> to vector<16x1xi32>
                  %gather3A_899 = vector.shape_cast %reshape3A_898 : vector<16x1xi32> to vector<16xi32>
                  %gather3A_900 = tpu.dynamic_gather %max3A_894[%gather3A_899] in [0] : vector<16xf32>, vector<16xi32> -> vector<16xf32>
                  %max3A_901 = arith.maximumf %max3A_894, %gather3A_900 : vector<16xf32>
                  %max3A_902 = arith.maximumf %max3A_873, %max3A_901 : vector<16xf32>
                  %eq3A_903 = arith.constant 4 : i32
                  %eq3A_904 = vector.broadcast %eq3A_903 : i32 to vector<16xi32>
                  %eq3A_905 = arith.cmpi eq, %iota3A, %eq3A_904 : vector<16xi32>
                  %select_n3A_906 = arith.select %eq3A_905, %max3A_902, %select_n3A_841 : vector<16xi1>, vector<16xf32>
                  %eq3A_907 = arith.cmpf oeq, %select_n3A_843, %max3A_902 : vector<16xf32>
                  %select_n3A_908 = arith.select %eq3A_907, %broadcast_in_dim3A_5, %select_n3A_843 : vector<16xi1>, vector<16xf32>
                  %eq3A_909 = arith.cmpf oeq, %select_n3A_845, %max3A_902 : vector<16xf32>
                  %select_n3A_910 = arith.select %eq3A_909, %broadcast_in_dim3A_5, %select_n3A_845 : vector<16xi1>, vector<16xf32>
                  %swap3A_911 = arith.constant 0 : index
                  %swap3A_912 = tpu.vector_load %arg9[%swap3A_911] {strides = array<i32>} : memref<16xf32, #tpu.memory_space<vmem>>, vector<16xf32>,
                  %swap3A_913 = vector.shape_cast %swap3A_912 : vector<16xf32> to vector<16xf32>
                  %swap3A_914 = vector.shape_cast %select_n3A_906 : vector<16xf32> to vector<16xf32>
                  tpu.vector_store %arg9[%swap3A_911], %swap3A_914 {strides = array<i32>} : memref<16xf32, #tpu.memory_space<vmem>>, vector<16xf32>,
                  %swap3A_915 = arith.constant 0 : index
                  %swap3A_916 = tpu.vector_load %arg10[%swap3A_915] {strides = array<i32>} : memref<16xf32, #tpu.memory_space<vmem>>, vector<16xf32>,
                  %swap3A_917 = vector.shape_cast %swap3A_916 : vector<16xf32> to vector<16xf32>
                  %swap3A_918 = vector.shape_cast %max3A_902 : vector<16xf32> to vector<16xf32>
                  tpu.vector_store %arg10[%swap3A_915], %swap3A_918 {strides = array<i32>} : memref<16xf32, #tpu.memory_space<vmem>>, vector<16xf32>,
                } else {
                }
              }
              %scan3A_534 = arith.constant 25 : i32
            } else {
            }
          }
          %scan3A_483 = arith.constant 25 : i32
        } else {
        }
        %add3A_320 = arith.constant 2 : i32
        %add3A_321 = arith.addi %add3A_182, %add3A_320 : i32
        %lt3A_322 = arith.constant 160 : i32
        %lt3A_323 = arith.cmpi slt, %add3A_321, %lt3A_322 : i32
        %convert_element_type3A_324 = arith.extui %lt3A_323 : i1 to i32
        %cond3A_325 = arith.constant 0 : i32
        %cond3A_326 = arith.cmpi ne, %convert_element_type3A_324, %cond3A_325 : i32
        scf.if %cond3A_326 {
          %add3A_478 = arith.constant 2 : i32
          %add3A_479 = arith.addi %add3A_182, %add3A_478 : i32
          %mul3A_480 = arith.constant 10000 : i32
          %mul3A_481 = arith.muli %add3A_479, %mul3A_480 : i32
          %add3A_482 = arith.addi %mul3A_4, %mul3A_481 : i32
          %dma_start3A_483 = tpu.memref_slice %arg2[%add3A_482] : memref<51200000xf32, #tpu.memory_space<hbm>> -> memref<10000xf32, #tpu.memory_space<hbm>>
          %dma_start3A_484 = tpu.memref_slice %arg2[%add3A_482] : memref<51200000xf32, #tpu.memory_space<hbm>> -> memref<10000xf32, #tpu.memory_space<hbm>>
          tpu.enqueue_dma source(%dma_start3A_484 : memref<10000xf32, #tpu.memory_space<hbm>>) target(%arg5 : memref<10000xf32, #tpu.memory_space<vmem>>) target_semaphore(%arg13 : memref<!tpu.dma_semaphore, #tpu.memory_space<semaphore_mem>>)
        } else {
        }
        %dma_wait3A_327 = tpu.memref_slice %arg2[%mul3A_4] : memref<51200000xf32, #tpu.memory_space<hbm>> -> memref<10000xf32, #tpu.memory_space<hbm>>
        %dma_wait3A_328 = tpu.memref_slice %arg2[%mul3A_4] : memref<51200000xf32, #tpu.memory_space<hbm>> -> memref<10000xf32, #tpu.memory_space<hbm>>
        tpu.wait_dma2 semaphore(%arg14 : memref<!tpu.dma_semaphore, #tpu.memory_space<semaphore_mem>>) src(%dma_wait3A_328 : memref<10000xf32, #tpu.memory_space<hbm>>) dst(%arg6 : memref<10000xf32, #tpu.memory_space<vmem>>)
        %parallel_loop3A_329 = arith.constant 0 : i32
        %parallel_loop3A_330 = arith.constant 25 : i32
        %parallel_loop3A_331 = arith.constant 1 : i32
        %parallel_loop3A_332:5 = scf.for %parallel_loop3A_478 = %parallel_loop3A_329 to %parallel_loop3A_330 step %parallel_loop3A_331 iter_args(%parallel_loop3A_479 = %parallel_loop3A_187#0, %parallel_loop3A_480 = %parallel_loop3A_187#1, %parallel_loop3A_481 = %parallel_loop3A_187#2, %parallel_loop3A_482 = %parallel_loop3A_187#3, %parallel_loop3A_483 = %parallel_loop3A_187#4) -> (vector<16xf32>, vector<16xf32>, vector<16xf32>, vector<16xf32>, vector<16xf32>)  : i32 {
          %parallel_loop3A_484 = arith.constant 400 : i32
          %parallel_loop3A_485 = arith.muli %parallel_loop3A_478, %parallel_loop3A_484 : i32
          %parallel_loop3A_486 = arith.constant 0 : i32
          %parallel_loop3A_487 = arith.addi %parallel_loop3A_485, %parallel_loop3A_486 : i32
          %parallel_loop3A_488 = arith.index_cast %parallel_loop3A_487 : i32 to index
          %parallel_loop3A_489 = tpu.vector_load %arg6[%parallel_loop3A_488] {strides = array<i32>} : memref<10000xf32, #tpu.memory_space<vmem>>, vector<16xf32>,
          %parallel_loop3A_490 = vector.shape_cast %parallel_loop3A_489 : vector<16xf32> to vector<16xf32>
          %parallel_loop3A_491 = math.exp %parallel_loop3A_490 : vector<16xf32>
          %parallel_loop3A_492 = arith.addf %parallel_loop3A_479, %parallel_loop3A_491 : vector<16xf32>
          %parallel_loop3A_493 = arith.maximumf %broadcast_in_dim3A_5, %parallel_loop3A_490 : vector<16xf32>
          %parallel_loop3A_494 = arith.constant 16 : i32
          %parallel_loop3A_495 = arith.addi %parallel_loop3A_485, %parallel_loop3A_494 : i32
          %parallel_loop3A_496 = arith.index_cast %parallel_loop3A_495 : i32 to index
          %parallel_loop3A_497 = tpu.vector_load %arg6[%parallel_loop3A_496] {strides = array<i32>} : memref<10000xf32, #tpu.memory_space<vmem>>, vector<16xf32>,
          %parallel_loop3A_498 = vector.shape_cast %parallel_loop3A_497 : vector<16xf32> to vector<16xf32>
          %parallel_loop3A_499 = math.exp %parallel_loop3A_498 : vector<16xf32>
          %parallel_loop3A_500 = arith.addf %parallel_loop3A_480, %parallel_loop3A_499 : vector<16xf32>
          %parallel_loop3A_501 = arith.maximumf %broadcast_in_dim3A_5, %parallel_loop3A_498 : vector<16xf32>
          %parallel_loop3A_502 = arith.constant 32 : i32
          %parallel_loop3A_503 = arith.addi %parallel_loop3A_485, %parallel_loop3A_502 : i32
          %parallel_loop3A_504 = arith.index_cast %parallel_loop3A_503 : i32 to index
          %parallel_loop3A_505 = tpu.vector_load %arg6[%parallel_loop3A_504] {strides = array<i32>} : memref<10000xf32, #tpu.memory_space<vmem>>, vector<16xf32>,
          %parallel_loop3A_506 = vector.shape_cast %parallel_loop3A_505 : vector<16xf32> to vector<16xf32>
          %parallel_loop3A_507 = math.exp %parallel_loop3A_506 : vector<16xf32>
          %parallel_loop3A_508 = arith.addf %parallel_loop3A_481, %parallel_loop3A_507 : vector<16xf32>
          %parallel_loop3A_509 = arith.maximumf %broadcast_in_dim3A_5, %parallel_loop3A_506 : vector<16xf32>
          %parallel_loop3A_510 = arith.constant 48 : i32
          %parallel_loop3A_511 = arith.addi %parallel_loop3A_485, %parallel_loop3A_510 : i32
          %parallel_loop3A_512 = arith.index_cast %parallel_loop3A_511 : i32 to index
          %parallel_loop3A_513 = tpu.vector_load %arg6[%parallel_loop3A_512] {strides = array<i32>} : memref<10000xf32, #tpu.memory_space<vmem>>, vector<16xf32>,
          %parallel_loop3A_514 = vector.shape_cast %parallel_loop3A_513 : vector<16xf32> to vector<16xf32>
          %parallel_loop3A_515 = math.exp %parallel_loop3A_514 : vector<16xf32>
          %parallel_loop3A_516 = arith.addf %parallel_loop3A_482, %parallel_loop3A_515 : vector<16xf32>
          %parallel_loop3A_517 = arith.maximumf %broadcast_in_dim3A_5, %parallel_loop3A_514 : vector<16xf32>
          %parallel_loop3A_518 = arith.constant 64 : i32
          %parallel_loop3A_519 = arith.addi %parallel_loop3A_485, %parallel_loop3A_518 : i32
          %parallel_loop3A_520 = arith.index_cast %parallel_loop3A_519 : i32 to index
          %parallel_loop3A_521 = tpu.vector_load %arg6[%parallel_loop3A_520] {strides = array<i32>} : memref<10000xf32, #tpu.memory_space<vmem>>, vector<16xf32>,
          %parallel_loop3A_522 = vector.shape_cast %parallel_loop3A_521 : vector<16xf32> to vector<16xf32>
          %parallel_loop3A_523 = math.exp %parallel_loop3A_522 : vector<16xf32>
          %parallel_loop3A_524 = arith.addf %parallel_loop3A_483, %parallel_loop3A_523 : vector<16xf32>
          %parallel_loop3A_525 = arith.maximumf %broadcast_in_dim3A_5, %parallel_loop3A_522 : vector<16xf32>
          %parallel_loop3A_526 = arith.constant 80 : i32
          %parallel_loop3A_527 = arith.addi %parallel_loop3A_485, %parallel_loop3A_526 : i32
          %parallel_loop3A_528 = arith.index_cast %parallel_loop3A_527 : i32 to index
          %parallel_loop3A_529 = tpu.vector_load %arg6[%parallel_loop3A_528] {strides = array<i32>} : memref<10000xf32, #tpu.memory_space<vmem>>, vector<16xf32>,
          %parallel_loop3A_530 = vector.shape_cast %parallel_loop3A_529 : vector<16xf32> to vector<16xf32>
          %parallel_loop3A_531 = math.exp %parallel_loop3A_530 : vector<16xf32>
          %parallel_loop3A_532 = arith.addf %parallel_loop3A_492, %parallel_loop3A_531 : vector<16xf32>
          %parallel_loop3A_533 = arith.maximumf %parallel_loop3A_493, %parallel_loop3A_530 : vector<16xf32>
          %parallel_loop3A_534 = arith.constant 96 : i32
          %parallel_loop3A_535 = arith.addi %parallel_loop3A_485, %parallel_loop3A_534 : i32
          %parallel_loop3A_536 = arith.index_cast %parallel_loop3A_535 : i32 to index
          %parallel_loop3A_537 = tpu.vector_load %arg6[%parallel_loop3A_536] {strides = array<i32>} : memref<10000xf32, #tpu.memory_space<vmem>>, vector<16xf32>,
          %parallel_loop3A_538 = vector.shape_cast %parallel_loop3A_537 : vector<16xf32> to vector<16xf32>
          %parallel_loop3A_539 = math.exp %parallel_loop3A_538 : vector<16xf32>
          %parallel_loop3A_540 = arith.addf %parallel_loop3A_500, %parallel_loop3A_539 : vector<16xf32>
          %parallel_loop3A_541 = arith.maximumf %parallel_loop3A_501, %parallel_loop3A_538 : vector<16xf32>
          %parallel_loop3A_542 = arith.constant 112 : i32
          %parallel_loop3A_543 = arith.addi %parallel_loop3A_485, %parallel_loop3A_542 : i32
          %parallel_loop3A_544 = arith.index_cast %parallel_loop3A_543 : i32 to index
          %parallel_loop3A_545 = tpu.vector_load %arg6[%parallel_loop3A_544] {strides = array<i32>} : memref<10000xf32, #tpu.memory_space<vmem>>, vector<16xf32>,
          %parallel_loop3A_546 = vector.shape_cast %parallel_loop3A_545 : vector<16xf32> to vector<16xf32>
          %parallel_loop3A_547 = math.exp %parallel_loop3A_546 : vector<16xf32>
          %parallel_loop3A_548 = arith.addf %parallel_loop3A_508, %parallel_loop3A_547 : vector<16xf32>
          %parallel_loop3A_549 = arith.maximumf %parallel_loop3A_509, %parallel_loop3A_546 : vector<16xf32>
          %parallel_loop3A_550 = arith.constant 128 : i32
          %parallel_loop3A_551 = arith.addi %parallel_loop3A_485, %parallel_loop3A_550 : i32
          %parallel_loop3A_552 = arith.index_cast %parallel_loop3A_551 : i32 to index
          %parallel_loop3A_553 = tpu.vector_load %arg6[%parallel_loop3A_552] {strides = array<i32>} : memref<10000xf32, #tpu.memory_space<vmem>>, vector<16xf32>,
          %parallel_loop3A_554 = vector.shape_cast %parallel_loop3A_553 : vector<16xf32> to vector<16xf32>
          %parallel_loop3A_555 = math.exp %parallel_loop3A_554 : vector<16xf32>
          %parallel_loop3A_556 = arith.addf %parallel_loop3A_516, %parallel_loop3A_555 : vector<16xf32>
          %parallel_loop3A_557 = arith.maximumf %parallel_loop3A_517, %parallel_loop3A_554 : vector<16xf32>
          %parallel_loop3A_558 = arith.constant 144 : i32
          %parallel_loop3A_559 = arith.addi %parallel_loop3A_485, %parallel_loop3A_558 : i32
          %parallel_loop3A_560 = arith.index_cast %parallel_loop3A_559 : i32 to index
          %parallel_loop3A_561 = tpu.vector_load %arg6[%parallel_loop3A_560] {strides = array<i32>} : memref<10000xf32, #tpu.memory_space<vmem>>, vector<16xf32>,
          %parallel_loop3A_562 = vector.shape_cast %parallel_loop3A_561 : vector<16xf32> to vector<16xf32>
          %parallel_loop3A_563 = math.exp %parallel_loop3A_562 : vector<16xf32>
          %parallel_loop3A_564 = arith.addf %parallel_loop3A_524, %parallel_loop3A_563 : vector<16xf32>
          %parallel_loop3A_565 = arith.maximumf %parallel_loop3A_525, %parallel_loop3A_562 : vector<16xf32>
          %parallel_loop3A_566 = arith.constant 160 : i32
          %parallel_loop3A_567 = arith.addi %parallel_loop3A_485, %parallel_loop3A_566 : i32
          %parallel_loop3A_568 = arith.index_cast %parallel_loop3A_567 : i32 to index
          %parallel_loop3A_569 = tpu.vector_load %arg6[%parallel_loop3A_568] {strides = array<i32>} : memref<10000xf32, #tpu.memory_space<vmem>>, vector<16xf32>,
          %parallel_loop3A_570 = vector.shape_cast %parallel_loop3A_569 : vector<16xf32> to vector<16xf32>
          %parallel_loop3A_571 = math.exp %parallel_loop3A_570 : vector<16xf32>
          %parallel_loop3A_572 = arith.addf %parallel_loop3A_532, %parallel_loop3A_571 : vector<16xf32>
          %parallel_loop3A_573 = arith.maximumf %parallel_loop3A_533, %parallel_loop3A_570 : vector<16xf32>
          %parallel_loop3A_574 = arith.constant 176 : i32
          %parallel_loop3A_575 = arith.addi %parallel_loop3A_485, %parallel_loop3A_574 : i32
          %parallel_loop3A_576 = arith.index_cast %parallel_loop3A_575 : i32 to index
          %parallel_loop3A_577 = tpu.vector_load %arg6[%parallel_loop3A_576] {strides = array<i32>} : memref<10000xf32, #tpu.memory_space<vmem>>, vector<16xf32>,
          %parallel_loop3A_578 = vector.shape_cast %parallel_loop3A_577 : vector<16xf32> to vector<16xf32>
          %parallel_loop3A_579 = math.exp %parallel_loop3A_578 : vector<16xf32>
          %parallel_loop3A_580 = arith.addf %parallel_loop3A_540, %parallel_loop3A_579 : vector<16xf32>
          %parallel_loop3A_581 = arith.maximumf %parallel_loop3A_541, %parallel_loop3A_578 : vector<16xf32>
          %parallel_loop3A_582 = arith.constant 192 : i32
          %parallel_loop3A_583 = arith.addi %parallel_loop3A_485, %parallel_loop3A_582 : i32
          %parallel_loop3A_584 = arith.index_cast %parallel_loop3A_583 : i32 to index
          %parallel_loop3A_585 = tpu.vector_load %arg6[%parallel_loop3A_584] {strides = array<i32>} : memref<10000xf32, #tpu.memory_space<vmem>>, vector<16xf32>,
          %parallel_loop3A_586 = vector.shape_cast %parallel_loop3A_585 : vector<16xf32> to vector<16xf32>
          %parallel_loop3A_587 = math.exp %parallel_loop3A_586 : vector<16xf32>
          %parallel_loop3A_588 = arith.addf %parallel_loop3A_548, %parallel_loop3A_587 : vector<16xf32>
          %parallel_loop3A_589 = arith.maximumf %parallel_loop3A_549, %parallel_loop3A_586 : vector<16xf32>
          %parallel_loop3A_590 = arith.constant 208 : i32
          %parallel_loop3A_591 = arith.addi %parallel_loop3A_485, %parallel_loop3A_590 : i32
          %parallel_loop3A_592 = arith.index_cast %parallel_loop3A_591 : i32 to index
          %parallel_loop3A_593 = tpu.vector_load %arg6[%parallel_loop3A_592] {strides = array<i32>} : memref<10000xf32, #tpu.memory_space<vmem>>, vector<16xf32>,
          %parallel_loop3A_594 = vector.shape_cast %parallel_loop3A_593 : vector<16xf32> to vector<16xf32>
          %parallel_loop3A_595 = math.exp %parallel_loop3A_594 : vector<16xf32>
          %parallel_loop3A_596 = arith.addf %parallel_loop3A_556, %parallel_loop3A_595 : vector<16xf32>
          %parallel_loop3A_597 = arith.maximumf %parallel_loop3A_557, %parallel_loop3A_594 : vector<16xf32>
          %parallel_loop3A_598 = arith.constant 224 : i32
          %parallel_loop3A_599 = arith.addi %parallel_loop3A_485, %parallel_loop3A_598 : i32
          %parallel_loop3A_600 = arith.index_cast %parallel_loop3A_599 : i32 to index
          %parallel_loop3A_601 = tpu.vector_load %arg6[%parallel_loop3A_600] {strides = array<i32>} : memref<10000xf32, #tpu.memory_space<vmem>>, vector<16xf32>,
          %parallel_loop3A_602 = vector.shape_cast %parallel_loop3A_601 : vector<16xf32> to vector<16xf32>
          %parallel_loop3A_603 = math.exp %parallel_loop3A_602 : vector<16xf32>
          %parallel_loop3A_604 = arith.addf %parallel_loop3A_564, %parallel_loop3A_603 : vector<16xf32>
          %parallel_loop3A_605 = arith.maximumf %parallel_loop3A_565, %parallel_loop3A_602 : vector<16xf32>
          %parallel_loop3A_606 = arith.constant 240 : i32
          %parallel_loop3A_607 = arith.addi %parallel_loop3A_485, %parallel_loop3A_606 : i32
          %parallel_loop3A_608 = arith.index_cast %parallel_loop3A_607 : i32 to index
          %parallel_loop3A_609 = tpu.vector_load %arg6[%parallel_loop3A_608] {strides = array<i32>} : memref<10000xf32, #tpu.memory_space<vmem>>, vector<16xf32>,
          %parallel_loop3A_610 = vector.shape_cast %parallel_loop3A_609 : vector<16xf32> to vector<16xf32>
          %parallel_loop3A_611 = math.exp %parallel_loop3A_610 : vector<16xf32>
          %parallel_loop3A_612 = arith.addf %parallel_loop3A_572, %parallel_loop3A_611 : vector<16xf32>
          %parallel_loop3A_613 = arith.maximumf %parallel_loop3A_573, %parallel_loop3A_610 : vector<16xf32>
          %parallel_loop3A_614 = arith.constant 256 : i32
          %parallel_loop3A_615 = arith.addi %parallel_loop3A_485, %parallel_loop3A_614 : i32
          %parallel_loop3A_616 = arith.index_cast %parallel_loop3A_615 : i32 to index
          %parallel_loop3A_617 = tpu.vector_load %arg6[%parallel_loop3A_616] {strides = array<i32>} : memref<10000xf32, #tpu.memory_space<vmem>>, vector<16xf32>,
          %parallel_loop3A_618 = vector.shape_cast %parallel_loop3A_617 : vector<16xf32> to vector<16xf32>
          %parallel_loop3A_619 = math.exp %parallel_loop3A_618 : vector<16xf32>
          %parallel_loop3A_620 = arith.addf %parallel_loop3A_580, %parallel_loop3A_619 : vector<16xf32>
          %parallel_loop3A_621 = arith.maximumf %parallel_loop3A_581, %parallel_loop3A_618 : vector<16xf32>
          %parallel_loop3A_622 = arith.constant 272 : i32
          %parallel_loop3A_623 = arith.addi %parallel_loop3A_485, %parallel_loop3A_622 : i32
          %parallel_loop3A_624 = arith.index_cast %parallel_loop3A_623 : i32 to index
          %parallel_loop3A_625 = tpu.vector_load %arg6[%parallel_loop3A_624] {strides = array<i32>} : memref<10000xf32, #tpu.memory_space<vmem>>, vector<16xf32>,
          %parallel_loop3A_626 = vector.shape_cast %parallel_loop3A_625 : vector<16xf32> to vector<16xf32>
          %parallel_loop3A_627 = math.exp %parallel_loop3A_626 : vector<16xf32>
          %parallel_loop3A_628 = arith.addf %parallel_loop3A_588, %parallel_loop3A_627 : vector<16xf32>
          %parallel_loop3A_629 = arith.maximumf %parallel_loop3A_589, %parallel_loop3A_626 : vector<16xf32>
          %parallel_loop3A_630 = arith.constant 288 : i32
          %parallel_loop3A_631 = arith.addi %parallel_loop3A_485, %parallel_loop3A_630 : i32
          %parallel_loop3A_632 = arith.index_cast %parallel_loop3A_631 : i32 to index
          %parallel_loop3A_633 = tpu.vector_load %arg6[%parallel_loop3A_632] {strides = array<i32>} : memref<10000xf32, #tpu.memory_space<vmem>>, vector<16xf32>,
          %parallel_loop3A_634 = vector.shape_cast %parallel_loop3A_633 : vector<16xf32> to vector<16xf32>
          %parallel_loop3A_635 = math.exp %parallel_loop3A_634 : vector<16xf32>
          %parallel_loop3A_636 = arith.addf %parallel_loop3A_596, %parallel_loop3A_635 : vector<16xf32>
          %parallel_loop3A_637 = arith.maximumf %parallel_loop3A_597, %parallel_loop3A_634 : vector<16xf32>
          %parallel_loop3A_638 = arith.constant 304 : i32
          %parallel_loop3A_639 = arith.addi %parallel_loop3A_485, %parallel_loop3A_638 : i32
          %parallel_loop3A_640 = arith.index_cast %parallel_loop3A_639 : i32 to index
          %parallel_loop3A_641 = tpu.vector_load %arg6[%parallel_loop3A_640] {strides = array<i32>} : memref<10000xf32, #tpu.memory_space<vmem>>, vector<16xf32>,
          %parallel_loop3A_642 = vector.shape_cast %parallel_loop3A_641 : vector<16xf32> to vector<16xf32>
          %parallel_loop3A_643 = math.exp %parallel_loop3A_642 : vector<16xf32>
          %parallel_loop3A_644 = arith.addf %parallel_loop3A_604, %parallel_loop3A_643 : vector<16xf32>
          %parallel_loop3A_645 = arith.maximumf %parallel_loop3A_605, %parallel_loop3A_642 : vector<16xf32>
          %parallel_loop3A_646 = arith.constant 320 : i32
          %parallel_loop3A_647 = arith.addi %parallel_loop3A_485, %parallel_loop3A_646 : i32
          %parallel_loop3A_648 = arith.index_cast %parallel_loop3A_647 : i32 to index
          %parallel_loop3A_649 = tpu.vector_load %arg6[%parallel_loop3A_648] {strides = array<i32>} : memref<10000xf32, #tpu.memory_space<vmem>>, vector<16xf32>,
          %parallel_loop3A_650 = vector.shape_cast %parallel_loop3A_649 : vector<16xf32> to vector<16xf32>
          %parallel_loop3A_651 = math.exp %parallel_loop3A_650 : vector<16xf32>
          %parallel_loop3A_652 = arith.addf %parallel_loop3A_612, %parallel_loop3A_651 : vector<16xf32>
          %parallel_loop3A_653 = arith.maximumf %parallel_loop3A_613, %parallel_loop3A_650 : vector<16xf32>
          %parallel_loop3A_654 = arith.constant 336 : i32
          %parallel_loop3A_655 = arith.addi %parallel_loop3A_485, %parallel_loop3A_654 : i32
          %parallel_loop3A_656 = arith.index_cast %parallel_loop3A_655 : i32 to index
          %parallel_loop3A_657 = tpu.vector_load %arg6[%parallel_loop3A_656] {strides = array<i32>} : memref<10000xf32, #tpu.memory_space<vmem>>, vector<16xf32>,
          %parallel_loop3A_658 = vector.shape_cast %parallel_loop3A_657 : vector<16xf32> to vector<16xf32>
          %parallel_loop3A_659 = math.exp %parallel_loop3A_658 : vector<16xf32>
          %parallel_loop3A_660 = arith.addf %parallel_loop3A_620, %parallel_loop3A_659 : vector<16xf32>
          %parallel_loop3A_661 = arith.maximumf %parallel_loop3A_621, %parallel_loop3A_658 : vector<16xf32>
          %parallel_loop3A_662 = arith.constant 352 : i32
          %parallel_loop3A_663 = arith.addi %parallel_loop3A_485, %parallel_loop3A_662 : i32
          %parallel_loop3A_664 = arith.index_cast %parallel_loop3A_663 : i32 to index
          %parallel_loop3A_665 = tpu.vector_load %arg6[%parallel_loop3A_664] {strides = array<i32>} : memref<10000xf32, #tpu.memory_space<vmem>>, vector<16xf32>,
          %parallel_loop3A_666 = vector.shape_cast %parallel_loop3A_665 : vector<16xf32> to vector<16xf32>
          %parallel_loop3A_667 = math.exp %parallel_loop3A_666 : vector<16xf32>
          %parallel_loop3A_668 = arith.addf %parallel_loop3A_628, %parallel_loop3A_667 : vector<16xf32>
          %parallel_loop3A_669 = arith.maximumf %parallel_loop3A_629, %parallel_loop3A_666 : vector<16xf32>
          %parallel_loop3A_670 = arith.constant 368 : i32
          %parallel_loop3A_671 = arith.addi %parallel_loop3A_485, %parallel_loop3A_670 : i32
          %parallel_loop3A_672 = arith.index_cast %parallel_loop3A_671 : i32 to index
          %parallel_loop3A_673 = tpu.vector_load %arg6[%parallel_loop3A_672] {strides = array<i32>} : memref<10000xf32, #tpu.memory_space<vmem>>, vector<16xf32>,
          %parallel_loop3A_674 = vector.shape_cast %parallel_loop3A_673 : vector<16xf32> to vector<16xf32>
          %parallel_loop3A_675 = math.exp %parallel_loop3A_674 : vector<16xf32>
          %parallel_loop3A_676 = arith.addf %parallel_loop3A_636, %parallel_loop3A_675 : vector<16xf32>
          %parallel_loop3A_677 = arith.maximumf %parallel_loop3A_637, %parallel_loop3A_674 : vector<16xf32>
          %parallel_loop3A_678 = arith.constant 384 : i32
          %parallel_loop3A_679 = arith.addi %parallel_loop3A_485, %parallel_loop3A_678 : i32
          %parallel_loop3A_680 = arith.index_cast %parallel_loop3A_679 : i32 to index
          %parallel_loop3A_681 = tpu.vector_load %arg6[%parallel_loop3A_680] {strides = array<i32>} : memref<10000xf32, #tpu.memory_space<vmem>>, vector<16xf32>,
          %parallel_loop3A_682 = vector.shape_cast %parallel_loop3A_681 : vector<16xf32> to vector<16xf32>
          %parallel_loop3A_683 = math.exp %parallel_loop3A_682 : vector<16xf32>
          %parallel_loop3A_684 = arith.addf %parallel_loop3A_644, %parallel_loop3A_683 : vector<16xf32>
          %parallel_loop3A_685 = arith.maximumf %parallel_loop3A_645, %parallel_loop3A_682 : vector<16xf32>
          %parallel_loop3A_686 = arith.maximumf %parallel_loop3A_653, %parallel_loop3A_661 : vector<16xf32>
          %parallel_loop3A_687 = arith.maximumf %parallel_loop3A_669, %parallel_loop3A_677 : vector<16xf32>
          %parallel_loop3A_688 = arith.maximumf %parallel_loop3A_686, %parallel_loop3A_687 : vector<16xf32>
          %parallel_loop3A_689 = arith.maximumf %parallel_loop3A_688, %parallel_loop3A_685 : vector<16xf32>
          %parallel_loop3A_690 = arith.constant 16 : i32
          %parallel_loop3A_691 = arith.muli %parallel_loop3A_478, %parallel_loop3A_690 : i32
          %parallel_loop3A_692 = arith.index_cast %parallel_loop3A_691 : i32 to index
          %parallel_loop3A_693 = tpu.vector_load %arg12[%parallel_loop3A_692] {strides = array<i32>} : memref<400xf32, #tpu.memory_space<vmem>>, vector<16xf32>,
          %parallel_loop3A_694 = vector.shape_cast %parallel_loop3A_693 : vector<16xf32> to vector<16xf32>
          %parallel_loop3A_695 = vector.shape_cast %parallel_loop3A_689 : vector<16xf32> to vector<16xf32>
          tpu.vector_store %arg12[%parallel_loop3A_692], %parallel_loop3A_695 {strides = array<i32>} : memref<400xf32, #tpu.memory_space<vmem>>, vector<16xf32>,
          scf.yield %parallel_loop3A_652, %parallel_loop3A_660, %parallel_loop3A_668, %parallel_loop3A_676, %parallel_loop3A_684 : vector<16xf32>, vector<16xf32>, vector<16xf32>, vector<16xf32>, vector<16xf32>
        } {sc.loop_unroll_factor = 1 : i64, sc.parallel_access}
        %get3A_333 = arith.constant 0 : index
        %get3A_334 = tpu.vector_load %arg12[%get3A_333] {strides = array<i32>} : memref<400xf32, #tpu.memory_space<vmem>>, vector<16xf32>,
        %get3A_335 = vector.shape_cast %get3A_334 : vector<16xf32> to vector<16xf32>
        %get3A_336 = arith.constant 16 : index
        %get3A_337 = tpu.vector_load %arg12[%get3A_336] {strides = array<i32>} : memref<400xf32, #tpu.memory_space<vmem>>, vector<16xf32>,
        %get3A_338 = vector.shape_cast %get3A_337 : vector<16xf32> to vector<16xf32>
        %max3A_339 = arith.maximumf %get3A_335, %get3A_338 : vector<16xf32>
        %get3A_340 = arith.constant 32 : index
        %get3A_341 = tpu.vector_load %arg12[%get3A_340] {strides = array<i32>} : memref<400xf32, #tpu.memory_space<vmem>>, vector<16xf32>,
        %get3A_342 = vector.shape_cast %get3A_341 : vector<16xf32> to vector<16xf32>
        %max3A_343 = arith.maximumf %max3A_339, %get3A_342 : vector<16xf32>
        %get3A_344 = arith.constant 48 : index
        %get3A_345 = tpu.vector_load %arg12[%get3A_344] {strides = array<i32>} : memref<400xf32, #tpu.memory_space<vmem>>, vector<16xf32>,
        %get3A_346 = vector.shape_cast %get3A_345 : vector<16xf32> to vector<16xf32>
        %max3A_347 = arith.maximumf %max3A_343, %get3A_346 : vector<16xf32>
        %get3A_348 = arith.constant 64 : index
        %get3A_349 = tpu.vector_load %arg12[%get3A_348] {strides = array<i32>} : memref<400xf32, #tpu.memory_space<vmem>>, vector<16xf32>,
        %get3A_350 = vector.shape_cast %get3A_349 : vector<16xf32> to vector<16xf32>
        %max3A_351 = arith.maximumf %max3A_347, %get3A_350 : vector<16xf32>
        %get3A_352 = arith.constant 80 : index
        %get3A_353 = tpu.vector_load %arg12[%get3A_352] {strides = array<i32>} : memref<400xf32, #tpu.memory_space<vmem>>, vector<16xf32>,
        %get3A_354 = vector.shape_cast %get3A_353 : vector<16xf32> to vector<16xf32>
        %max3A_355 = arith.maximumf %max3A_351, %get3A_354 : vector<16xf32>
        %get3A_356 = arith.constant 96 : index
        %get3A_357 = tpu.vector_load %arg12[%get3A_356] {strides = array<i32>} : memref<400xf32, #tpu.memory_space<vmem>>, vector<16xf32>,
        %get3A_358 = vector.shape_cast %get3A_357 : vector<16xf32> to vector<16xf32>
        %max3A_359 = arith.maximumf %max3A_355, %get3A_358 : vector<16xf32>
        %get3A_360 = arith.constant 112 : index
        %get3A_361 = tpu.vector_load %arg12[%get3A_360] {strides = array<i32>} : memref<400xf32, #tpu.memory_space<vmem>>, vector<16xf32>,
        %get3A_362 = vector.shape_cast %get3A_361 : vector<16xf32> to vector<16xf32>
        %max3A_363 = arith.maximumf %max3A_359, %get3A_362 : vector<16xf32>
        %get3A_364 = arith.constant 128 : index
        %get3A_365 = tpu.vector_load %arg12[%get3A_364] {strides = array<i32>} : memref<400xf32, #tpu.memory_space<vmem>>, vector<16xf32>,
        %get3A_366 = vector.shape_cast %get3A_365 : vector<16xf32> to vector<16xf32>
        %max3A_367 = arith.maximumf %max3A_363, %get3A_366 : vector<16xf32>
        %get3A_368 = arith.constant 144 : index
        %get3A_369 = tpu.vector_load %arg12[%get3A_368] {strides = array<i32>} : memref<400xf32, #tpu.memory_space<vmem>>, vector<16xf32>,
        %get3A_370 = vector.shape_cast %get3A_369 : vector<16xf32> to vector<16xf32>
        %max3A_371 = arith.maximumf %max3A_367, %get3A_370 : vector<16xf32>
        %get3A_372 = arith.constant 160 : index
        %get3A_373 = tpu.vector_load %arg12[%get3A_372] {strides = array<i32>} : memref<400xf32, #tpu.memory_space<vmem>>, vector<16xf32>,
        %get3A_374 = vector.shape_cast %get3A_373 : vector<16xf32> to vector<16xf32>
        %max3A_375 = arith.maximumf %max3A_371, %get3A_374 : vector<16xf32>
        %get3A_376 = arith.constant 176 : index
        %get3A_377 = tpu.vector_load %arg12[%get3A_376] {strides = array<i32>} : memref<400xf32, #tpu.memory_space<vmem>>, vector<16xf32>,
        %get3A_378 = vector.shape_cast %get3A_377 : vector<16xf32> to vector<16xf32>
        %max3A_379 = arith.maximumf %max3A_375, %get3A_378 : vector<16xf32>
        %get3A_380 = arith.constant 192 : index
        %get3A_381 = tpu.vector_load %arg12[%get3A_380] {strides = array<i32>} : memref<400xf32, #tpu.memory_space<vmem>>, vector<16xf32>,
        %get3A_382 = vector.shape_cast %get3A_381 : vector<16xf32> to vector<16xf32>
        %max3A_383 = arith.maximumf %max3A_379, %get3A_382 : vector<16xf32>
        %get3A_384 = arith.constant 208 : index
        %get3A_385 = tpu.vector_load %arg12[%get3A_384] {strides = array<i32>} : memref<400xf32, #tpu.memory_space<vmem>>, vector<16xf32>,
        %get3A_386 = vector.shape_cast %get3A_385 : vector<16xf32> to vector<16xf32>
        %max3A_387 = arith.maximumf %max3A_383, %get3A_386 : vector<16xf32>
        %get3A_388 = arith.constant 224 : index
        %get3A_389 = tpu.vector_load %arg12[%get3A_388] {strides = array<i32>} : memref<400xf32, #tpu.memory_space<vmem>>, vector<16xf32>,
        %get3A_390 = vector.shape_cast %get3A_389 : vector<16xf32> to vector<16xf32>
        %max3A_391 = arith.maximumf %max3A_387, %get3A_390 : vector<16xf32>
        %get3A_392 = arith.constant 240 : index
        %get3A_393 = tpu.vector_load %arg12[%get3A_392] {strides = array<i32>} : memref<400xf32, #tpu.memory_space<vmem>>, vector<16xf32>,
        %get3A_394 = vector.shape_cast %get3A_393 : vector<16xf32> to vector<16xf32>
        %max3A_395 = arith.maximumf %max3A_391, %get3A_394 : vector<16xf32>
        %get3A_396 = arith.constant 256 : index
        %get3A_397 = tpu.vector_load %arg12[%get3A_396] {strides = array<i32>} : memref<400xf32, #tpu.memory_space<vmem>>, vector<16xf32>,
        %get3A_398 = vector.shape_cast %get3A_397 : vector<16xf32> to vector<16xf32>
        %max3A_399 = arith.maximumf %max3A_395, %get3A_398 : vector<16xf32>
        %get3A_400 = arith.constant 272 : index
        %get3A_401 = tpu.vector_load %arg12[%get3A_400] {strides = array<i32>} : memref<400xf32, #tpu.memory_space<vmem>>, vector<16xf32>,
        %get3A_402 = vector.shape_cast %get3A_401 : vector<16xf32> to vector<16xf32>
        %max3A_403 = arith.maximumf %max3A_399, %get3A_402 : vector<16xf32>
        %get3A_404 = arith.constant 288 : index
        %get3A_405 = tpu.vector_load %arg12[%get3A_404] {strides = array<i32>} : memref<400xf32, #tpu.memory_space<vmem>>, vector<16xf32>,
        %get3A_406 = vector.shape_cast %get3A_405 : vector<16xf32> to vector<16xf32>
        %max3A_407 = arith.maximumf %max3A_403, %get3A_406 : vector<16xf32>
        %get3A_408 = arith.constant 304 : index
        %get3A_409 = tpu.vector_load %arg12[%get3A_408] {strides = array<i32>} : memref<400xf32, #tpu.memory_space<vmem>>, vector<16xf32>,
        %get3A_410 = vector.shape_cast %get3A_409 : vector<16xf32> to vector<16xf32>
        %max3A_411 = arith.maximumf %max3A_407, %get3A_410 : vector<16xf32>
        %get3A_412 = arith.constant 320 : index
        %get3A_413 = tpu.vector_load %arg12[%get3A_412] {strides = array<i32>} : memref<400xf32, #tpu.memory_space<vmem>>, vector<16xf32>,
        %get3A_414 = vector.shape_cast %get3A_413 : vector<16xf32> to vector<16xf32>
        %max3A_415 = arith.maximumf %max3A_411, %get3A_414 : vector<16xf32>
        %get3A_416 = arith.constant 336 : index
        %get3A_417 = tpu.vector_load %arg12[%get3A_416] {strides = array<i32>} : memref<400xf32, #tpu.memory_space<vmem>>, vector<16xf32>,
        %get3A_418 = vector.shape_cast %get3A_417 : vector<16xf32> to vector<16xf32>
        %max3A_419 = arith.maximumf %max3A_415, %get3A_418 : vector<16xf32>
        %get3A_420 = arith.constant 352 : index
        %get3A_421 = tpu.vector_load %arg12[%get3A_420] {strides = array<i32>} : memref<400xf32, #tpu.memory_space<vmem>>, vector<16xf32>,
        %get3A_422 = vector.shape_cast %get3A_421 : vector<16xf32> to vector<16xf32>
        %max3A_423 = arith.maximumf %max3A_419, %get3A_422 : vector<16xf32>
        %get3A_424 = arith.constant 368 : index
        %get3A_425 = tpu.vector_load %arg12[%get3A_424] {strides = array<i32>} : memref<400xf32, #tpu.memory_space<vmem>>, vector<16xf32>,
        %get3A_426 = vector.shape_cast %get3A_425 : vector<16xf32> to vector<16xf32>
        %max3A_427 = arith.maximumf %max3A_423, %get3A_426 : vector<16xf32>
        %get3A_428 = arith.constant 384 : index
        %get3A_429 = tpu.vector_load %arg12[%get3A_428] {strides = array<i32>} : memref<400xf32, #tpu.memory_space<vmem>>, vector<16xf32>,
        %get3A_430 = vector.shape_cast %get3A_429 : vector<16xf32> to vector<16xf32>
        %max3A_431 = arith.maximumf %max3A_427, %get3A_430 : vector<16xf32>
        %xor3A_432 = arith.constant 1 : i32
        %xor3A_433 = vector.broadcast %xor3A_432 : i32 to vector<16xi32>
        %xor3A_434 = arith.xori %iota3A, %xor3A_433 : vector<16xi32>
        %reshape3A_435 = vector.shape_cast %xor3A_434 : vector<16xi32> to vector<16x1xi32>
        %gather3A_436 = vector.shape_cast %reshape3A_435 : vector<16x1xi32> to vector<16xi32>
        %gather3A_437 = tpu.dynamic_gather %max3A_431[%gather3A_436] in [0] : vector<16xf32>, vector<16xi32> -> vector<16xf32>
        %max3A_438 = arith.maximumf %max3A_431, %gather3A_437 : vector<16xf32>
        %xor3A_439 = arith.constant 2 : i32
        %xor3A_440 = vector.broadcast %xor3A_439 : i32 to vector<16xi32>
        %xor3A_441 = arith.xori %iota3A, %xor3A_440 : vector<16xi32>
        %reshape3A_442 = vector.shape_cast %xor3A_441 : vector<16xi32> to vector<16x1xi32>
        %gather3A_443 = vector.shape_cast %reshape3A_442 : vector<16x1xi32> to vector<16xi32>
        %gather3A_444 = tpu.dynamic_gather %max3A_438[%gather3A_443] in [0] : vector<16xf32>, vector<16xi32> -> vector<16xf32>
        %max3A_445 = arith.maximumf %max3A_438, %gather3A_444 : vector<16xf32>
        %xor3A_446 = arith.constant 4 : i32
        %xor3A_447 = vector.broadcast %xor3A_446 : i32 to vector<16xi32>
        %xor3A_448 = arith.xori %iota3A, %xor3A_447 : vector<16xi32>
        %reshape3A_449 = vector.shape_cast %xor3A_448 : vector<16xi32> to vector<16x1xi32>
        %gather3A_450 = vector.shape_cast %reshape3A_449 : vector<16x1xi32> to vector<16xi32>
        %gather3A_451 = tpu.dynamic_gather %max3A_445[%gather3A_450] in [0] : vector<16xf32>, vector<16xi32> -> vector<16xf32>
        %max3A_452 = arith.maximumf %max3A_445, %gather3A_451 : vector<16xf32>
        %xor3A_453 = arith.constant 8 : i32
        %xor3A_454 = vector.broadcast %xor3A_453 : i32 to vector<16xi32>
        %xor3A_455 = arith.xori %iota3A, %xor3A_454 : vector<16xi32>
        %reshape3A_456 = vector.shape_cast %xor3A_455 : vector<16xi32> to vector<16x1xi32>
        %gather3A_457 = vector.shape_cast %reshape3A_456 : vector<16x1xi32> to vector<16xi32>
        %gather3A_458 = tpu.dynamic_gather %max3A_452[%gather3A_457] in [0] : vector<16xf32>, vector<16xi32> -> vector<16xf32>
        %max3A_459 = arith.maximumf %max3A_452, %gather3A_458 : vector<16xf32>
        %slice3A_460 = vector.extract_strided_slice %max3A_459 {offsets = [0], sizes = [1], strides = [1]} : vector<16xf32> to vector<1xf32>
        %squeeze3A_461 = vector.extract %slice3A_460[0] : f32 from vector<1xf32>
        %get3A_462 = arith.constant 0 : index
        %get3A_463 = tpu.vector_load %arg10[%get3A_462] {strides = array<i32>} : memref<16xf32, #tpu.memory_space<vmem>>, vector<16xf32>,
        %get3A_464 = vector.shape_cast %get3A_463 : vector<16xf32> to vector<16xf32>
        %slice3A_465 = vector.extract_strided_slice %get3A_464 {offsets = [0], sizes = [1], strides = [1]} : vector<16xf32> to vector<1xf32>
        %squeeze3A_466 = vector.extract %slice3A_465[0] : f32 from vector<1xf32>
        %gt3A_467 = arith.cmpf ogt, %squeeze3A_461, %squeeze3A_466 : f32
        %convert_element_type3A_468 = arith.extui %gt3A_467 : i1 to i32
        %cond3A_469 = arith.constant 0 : i32
        %cond3A_470 = arith.cmpi ne, %convert_element_type3A_468, %cond3A_469 : i32
        scf.if %cond3A_470 {
          %scan3A_478 = arith.constant 0 : i32
          %scan3A_479 = arith.constant 0 : i32
          %scan3A_480 = arith.constant 25 : i32
          %scan3A_481 = arith.addi %scan3A_479, %scan3A_480 : i32
          %scan3A_482 = arith.constant 1 : i32
          scf.for %scan3A_484 = %scan3A_479 to %scan3A_481 step %scan3A_482  : i32 {
            %mul3A_485 = arith.constant 16 : i32
            %mul3A_486 = arith.muli %scan3A_484, %mul3A_485 : i32
            %get3A_487 = arith.index_cast %mul3A_486 : i32 to index
            %get3A_488 = tpu.vector_load %arg12[%get3A_487] {strides = array<i32>} : memref<400xf32, #tpu.memory_space<vmem>>, vector<16xf32>,
            %get3A_489 = vector.shape_cast %get3A_488 : vector<16xf32> to vector<16xf32>
            %xor3A_490 = arith.constant 1 : i32
            %xor3A_491 = vector.broadcast %xor3A_490 : i32 to vector<16xi32>
            %xor3A_492 = arith.xori %iota3A, %xor3A_491 : vector<16xi32>
            %reshape3A_493 = vector.shape_cast %xor3A_492 : vector<16xi32> to vector<16x1xi32>
            %gather3A_494 = vector.shape_cast %reshape3A_493 : vector<16x1xi32> to vector<16xi32>
            %gather3A_495 = tpu.dynamic_gather %get3A_489[%gather3A_494] in [0] : vector<16xf32>, vector<16xi32> -> vector<16xf32>
            %max3A_496 = arith.maximumf %get3A_489, %gather3A_495 : vector<16xf32>
            %xor3A_497 = arith.constant 2 : i32
            %xor3A_498 = vector.broadcast %xor3A_497 : i32 to vector<16xi32>
            %xor3A_499 = arith.xori %iota3A, %xor3A_498 : vector<16xi32>
            %reshape3A_500 = vector.shape_cast %xor3A_499 : vector<16xi32> to vector<16x1xi32>
            %gather3A_501 = vector.shape_cast %reshape3A_500 : vector<16x1xi32> to vector<16xi32>
            %gather3A_502 = tpu.dynamic_gather %max3A_496[%gather3A_501] in [0] : vector<16xf32>, vector<16xi32> -> vector<16xf32>
            %max3A_503 = arith.maximumf %max3A_496, %gather3A_502 : vector<16xf32>
            %xor3A_504 = arith.constant 4 : i32
            %xor3A_505 = vector.broadcast %xor3A_504 : i32 to vector<16xi32>
            %xor3A_506 = arith.xori %iota3A, %xor3A_505 : vector<16xi32>
            %reshape3A_507 = vector.shape_cast %xor3A_506 : vector<16xi32> to vector<16x1xi32>
            %gather3A_508 = vector.shape_cast %reshape3A_507 : vector<16x1xi32> to vector<16xi32>
            %gather3A_509 = tpu.dynamic_gather %max3A_503[%gather3A_508] in [0] : vector<16xf32>, vector<16xi32> -> vector<16xf32>
            %max3A_510 = arith.maximumf %max3A_503, %gather3A_509 : vector<16xf32>
            %xor3A_511 = arith.constant 8 : i32
            %xor3A_512 = vector.broadcast %xor3A_511 : i32 to vector<16xi32>
            %xor3A_513 = arith.xori %iota3A, %xor3A_512 : vector<16xi32>
            %reshape3A_514 = vector.shape_cast %xor3A_513 : vector<16xi32> to vector<16x1xi32>
            %gather3A_515 = vector.shape_cast %reshape3A_514 : vector<16x1xi32> to vector<16xi32>
            %gather3A_516 = tpu.dynamic_gather %max3A_510[%gather3A_515] in [0] : vector<16xf32>, vector<16xi32> -> vector<16xf32>
            %max3A_517 = arith.maximumf %max3A_510, %gather3A_516 : vector<16xf32>
            %slice3A_518 = vector.extract_strided_slice %max3A_517 {offsets = [0], sizes = [1], strides = [1]} : vector<16xf32> to vector<1xf32>
            %squeeze3A_519 = vector.extract %slice3A_518[0] : f32 from vector<1xf32>
            %get3A_520 = arith.constant 0 : index
            %get3A_521 = tpu.vector_load %arg10[%get3A_520] {strides = array<i32>} : memref<16xf32, #tpu.memory_space<vmem>>, vector<16xf32>,
            %get3A_522 = vector.shape_cast %get3A_521 : vector<16xf32> to vector<16xf32>
            %slice3A_523 = vector.extract_strided_slice %get3A_522 {offsets = [0], sizes = [1], strides = [1]} : vector<16xf32> to vector<1xf32>
            %squeeze3A_524 = vector.extract %slice3A_523[0] : f32 from vector<1xf32>
            %gt3A_525 = arith.cmpf ogt, %squeeze3A_519, %squeeze3A_524 : f32
            %convert_element_type3A_526 = arith.extui %gt3A_525 : i1 to i32
            %cond3A_527 = arith.constant 0 : i32
            %cond3A_528 = arith.cmpi ne, %convert_element_type3A_526, %cond3A_527 : i32
            scf.if %cond3A_528 {
              %scan3A_529 = arith.constant 0 : i32
              %scan3A_530 = arith.constant 0 : i32
              %scan3A_531 = arith.constant 25 : i32
              %scan3A_532 = arith.addi %scan3A_530, %scan3A_531 : i32
              %scan3A_533 = arith.constant 1 : i32
              scf.for %scan3A_535 = %scan3A_530 to %scan3A_532 step %scan3A_533  : i32 {
                %mul3A_536 = arith.constant 400 : i32
                %mul3A_537 = arith.muli %scan3A_484, %mul3A_536 : i32
                %mul3A_538 = arith.constant 16 : i32
                %mul3A_539 = arith.muli %scan3A_535, %mul3A_538 : i32
                %add3A_540 = arith.addi %mul3A_537, %mul3A_539 : i32
                %get3A_541 = arith.index_cast %add3A_540 : i32 to index
                %get3A_542 = tpu.vector_load %arg6[%get3A_541] {strides = array<i32>} : memref<10000xf32, #tpu.memory_space<vmem>>, vector<16xf32>,
                %get3A_543 = vector.shape_cast %get3A_542 : vector<16xf32> to vector<16xf32>
                %xor3A_544 = arith.constant 1 : i32
                %xor3A_545 = vector.broadcast %xor3A_544 : i32 to vector<16xi32>
                %xor3A_546 = arith.xori %iota3A, %xor3A_545 : vector<16xi32>
                %reshape3A_547 = vector.shape_cast %xor3A_546 : vector<16xi32> to vector<16x1xi32>
                %gather3A_548 = vector.shape_cast %reshape3A_547 : vector<16x1xi32> to vector<16xi32>
                %gather3A_549 = tpu.dynamic_gather %get3A_543[%gather3A_548] in [0] : vector<16xf32>, vector<16xi32> -> vector<16xf32>
                %max3A_550 = arith.maximumf %get3A_543, %gather3A_549 : vector<16xf32>
                %xor3A_551 = arith.constant 2 : i32
                %xor3A_552 = vector.broadcast %xor3A_551 : i32 to vector<16xi32>
                %xor3A_553 = arith.xori %iota3A, %xor3A_552 : vector<16xi32>
                %reshape3A_554 = vector.shape_cast %xor3A_553 : vector<16xi32> to vector<16x1xi32>
                %gather3A_555 = vector.shape_cast %reshape3A_554 : vector<16x1xi32> to vector<16xi32>
                %gather3A_556 = tpu.dynamic_gather %max3A_550[%gather3A_555] in [0] : vector<16xf32>, vector<16xi32> -> vector<16xf32>
                %max3A_557 = arith.maximumf %max3A_550, %gather3A_556 : vector<16xf32>
                %xor3A_558 = arith.constant 4 : i32
                %xor3A_559 = vector.broadcast %xor3A_558 : i32 to vector<16xi32>
                %xor3A_560 = arith.xori %iota3A, %xor3A_559 : vector<16xi32>
                %reshape3A_561 = vector.shape_cast %xor3A_560 : vector<16xi32> to vector<16x1xi32>
                %gather3A_562 = vector.shape_cast %reshape3A_561 : vector<16x1xi32> to vector<16xi32>
                %gather3A_563 = tpu.dynamic_gather %max3A_557[%gather3A_562] in [0] : vector<16xf32>, vector<16xi32> -> vector<16xf32>
                %max3A_564 = arith.maximumf %max3A_557, %gather3A_563 : vector<16xf32>
                %xor3A_565 = arith.constant 8 : i32
                %xor3A_566 = vector.broadcast %xor3A_565 : i32 to vector<16xi32>
                %xor3A_567 = arith.xori %iota3A, %xor3A_566 : vector<16xi32>
                %reshape3A_568 = vector.shape_cast %xor3A_567 : vector<16xi32> to vector<16x1xi32>
                %gather3A_569 = vector.shape_cast %reshape3A_568 : vector<16x1xi32> to vector<16xi32>
                %gather3A_570 = tpu.dynamic_gather %max3A_564[%gather3A_569] in [0] : vector<16xf32>, vector<16xi32> -> vector<16xf32>
                %max3A_571 = arith.maximumf %max3A_564, %gather3A_570 : vector<16xf32>
                %slice3A_572 = vector.extract_strided_slice %max3A_571 {offsets = [0], sizes = [1], strides = [1]} : vector<16xf32> to vector<1xf32>
                %squeeze3A_573 = vector.extract %slice3A_572[0] : f32 from vector<1xf32>
                %get3A_574 = arith.constant 0 : index
                %get3A_575 = tpu.vector_load %arg10[%get3A_574] {strides = array<i32>} : memref<16xf32, #tpu.memory_space<vmem>>, vector<16xf32>,
                %get3A_576 = vector.shape_cast %get3A_575 : vector<16xf32> to vector<16xf32>
                %slice3A_577 = vector.extract_strided_slice %get3A_576 {offsets = [0], sizes = [1], strides = [1]} : vector<16xf32> to vector<1xf32>
                %squeeze3A_578 = vector.extract %slice3A_577[0] : f32 from vector<1xf32>
                %gt3A_579 = arith.cmpf ogt, %squeeze3A_573, %squeeze3A_578 : f32
                %convert_element_type3A_580 = arith.extui %gt3A_579 : i1 to i32
                %cond3A_581 = arith.constant 0 : i32
                %cond3A_582 = arith.cmpi ne, %convert_element_type3A_580, %cond3A_581 : i32
                scf.if %cond3A_582 {
                  %get3A_583 = arith.constant 0 : index
                  %get3A_584 = tpu.vector_load %arg9[%get3A_583] {strides = array<i32>} : memref<16xf32, #tpu.memory_space<vmem>>, vector<16xf32>,
                  %get3A_585 = vector.shape_cast %get3A_584 : vector<16xf32> to vector<16xf32>
                  %xor3A_586 = arith.constant 1 : i32
                  %xor3A_587 = vector.broadcast %xor3A_586 : i32 to vector<16xi32>
                  %xor3A_588 = arith.xori %iota3A, %xor3A_587 : vector<16xi32>
                  %reshape3A_589 = vector.shape_cast %xor3A_588 : vector<16xi32> to vector<16x1xi32>
                  %gather3A_590 = vector.shape_cast %reshape3A_589 : vector<16x1xi32> to vector<16xi32>
                  %gather3A_591 = tpu.dynamic_gather %get3A_585[%gather3A_590] in [0] : vector<16xf32>, vector<16xi32> -> vector<16xf32>
                  %max3A_592 = arith.maximumf %get3A_585, %gather3A_591 : vector<16xf32>
                  %xor3A_593 = arith.constant 2 : i32
                  %xor3A_594 = vector.broadcast %xor3A_593 : i32 to vector<16xi32>
                  %xor3A_595 = arith.xori %iota3A, %xor3A_594 : vector<16xi32>
                  %reshape3A_596 = vector.shape_cast %xor3A_595 : vector<16xi32> to vector<16x1xi32>
                  %gather3A_597 = vector.shape_cast %reshape3A_596 : vector<16x1xi32> to vector<16xi32>
                  %gather3A_598 = tpu.dynamic_gather %max3A_592[%gather3A_597] in [0] : vector<16xf32>, vector<16xi32> -> vector<16xf32>
                  %max3A_599 = arith.maximumf %max3A_592, %gather3A_598 : vector<16xf32>
                  %xor3A_600 = arith.constant 4 : i32
                  %xor3A_601 = vector.broadcast %xor3A_600 : i32 to vector<16xi32>
                  %xor3A_602 = arith.xori %iota3A, %xor3A_601 : vector<16xi32>
                  %reshape3A_603 = vector.shape_cast %xor3A_602 : vector<16xi32> to vector<16x1xi32>
                  %gather3A_604 = vector.shape_cast %reshape3A_603 : vector<16x1xi32> to vector<16xi32>
                  %gather3A_605 = tpu.dynamic_gather %max3A_599[%gather3A_604] in [0] : vector<16xf32>, vector<16xi32> -> vector<16xf32>
                  %max3A_606 = arith.maximumf %max3A_599, %gather3A_605 : vector<16xf32>
                  %xor3A_607 = arith.constant 8 : i32
                  %xor3A_608 = vector.broadcast %xor3A_607 : i32 to vector<16xi32>
                  %xor3A_609 = arith.xori %iota3A, %xor3A_608 : vector<16xi32>
                  %reshape3A_610 = vector.shape_cast %xor3A_609 : vector<16xi32> to vector<16x1xi32>
                  %gather3A_611 = vector.shape_cast %reshape3A_610 : vector<16x1xi32> to vector<16xi32>
                  %gather3A_612 = tpu.dynamic_gather %max3A_606[%gather3A_611] in [0] : vector<16xf32>, vector<16xi32> -> vector<16xf32>
                  %max3A_613 = arith.maximumf %max3A_606, %gather3A_612 : vector<16xf32>
                  %xor3A_614 = arith.constant 1 : i32
                  %xor3A_615 = vector.broadcast %xor3A_614 : i32 to vector<16xi32>
                  %xor3A_616 = arith.xori %iota3A, %xor3A_615 : vector<16xi32>
                  %reshape3A_617 = vector.shape_cast %xor3A_616 : vector<16xi32> to vector<16x1xi32>
                  %gather3A_618 = vector.shape_cast %reshape3A_617 : vector<16x1xi32> to vector<16xi32>
                  %gather3A_619 = tpu.dynamic_gather %get3A_543[%gather3A_618] in [0] : vector<16xf32>, vector<16xi32> -> vector<16xf32>
                  %max3A_620 = arith.maximumf %get3A_543, %gather3A_619 : vector<16xf32>
                  %xor3A_621 = arith.constant 2 : i32
                  %xor3A_622 = vector.broadcast %xor3A_621 : i32 to vector<16xi32>
                  %xor3A_623 = arith.xori %iota3A, %xor3A_622 : vector<16xi32>
                  %reshape3A_624 = vector.shape_cast %xor3A_623 : vector<16xi32> to vector<16x1xi32>
                  %gather3A_625 = vector.shape_cast %reshape3A_624 : vector<16x1xi32> to vector<16xi32>
                  %gather3A_626 = tpu.dynamic_gather %max3A_620[%gather3A_625] in [0] : vector<16xf32>, vector<16xi32> -> vector<16xf32>
                  %max3A_627 = arith.maximumf %max3A_620, %gather3A_626 : vector<16xf32>
                  %xor3A_628 = arith.constant 4 : i32
                  %xor3A_629 = vector.broadcast %xor3A_628 : i32 to vector<16xi32>
                  %xor3A_630 = arith.xori %iota3A, %xor3A_629 : vector<16xi32>
                  %reshape3A_631 = vector.shape_cast %xor3A_630 : vector<16xi32> to vector<16x1xi32>
                  %gather3A_632 = vector.shape_cast %reshape3A_631 : vector<16x1xi32> to vector<16xi32>
                  %gather3A_633 = tpu.dynamic_gather %max3A_627[%gather3A_632] in [0] : vector<16xf32>, vector<16xi32> -> vector<16xf32>
                  %max3A_634 = arith.maximumf %max3A_627, %gather3A_633 : vector<16xf32>
                  %xor3A_635 = arith.constant 8 : i32
                  %xor3A_636 = vector.broadcast %xor3A_635 : i32 to vector<16xi32>
                  %xor3A_637 = arith.xori %iota3A, %xor3A_636 : vector<16xi32>
                  %reshape3A_638 = vector.shape_cast %xor3A_637 : vector<16xi32> to vector<16x1xi32>
                  %gather3A_639 = vector.shape_cast %reshape3A_638 : vector<16x1xi32> to vector<16xi32>
                  %gather3A_640 = tpu.dynamic_gather %max3A_634[%gather3A_639] in [0] : vector<16xf32>, vector<16xi32> -> vector<16xf32>
                  %max3A_641 = arith.maximumf %max3A_634, %gather3A_640 : vector<16xf32>
                  %max3A_642 = arith.maximumf %max3A_613, %max3A_641 : vector<16xf32>
                  %eq3A_643 = arith.constant 0 : i32
                  %eq3A_644 = vector.broadcast %eq3A_643 : i32 to vector<16xi32>
                  %eq3A_645 = arith.cmpi eq, %iota3A, %eq3A_644 : vector<16xi32>
                  %select_n3A_646 = arith.select %eq3A_645, %max3A_642, %broadcast_in_dim3A_5 : vector<16xi1>, vector<16xf32>
                  %eq3A_647 = arith.cmpf oeq, %get3A_585, %max3A_642 : vector<16xf32>
                  %select_n3A_648 = arith.select %eq3A_647, %broadcast_in_dim3A_5, %get3A_585 : vector<16xi1>, vector<16xf32>
                  %eq3A_649 = arith.cmpf oeq, %get3A_543, %max3A_642 : vector<16xf32>
                  %select_n3A_650 = arith.select %eq3A_649, %broadcast_in_dim3A_5, %get3A_543 : vector<16xi1>, vector<16xf32>
                  %xor3A_651 = arith.constant 1 : i32
                  %xor3A_652 = vector.broadcast %xor3A_651 : i32 to vector<16xi32>
                  %xor3A_653 = arith.xori %iota3A, %xor3A_652 : vector<16xi32>
                  %reshape3A_654 = vector.shape_cast %xor3A_653 : vector<16xi32> to vector<16x1xi32>
                  %gather3A_655 = vector.shape_cast %reshape3A_654 : vector<16x1xi32> to vector<16xi32>
                  %gather3A_656 = tpu.dynamic_gather %select_n3A_648[%gather3A_655] in [0] : vector<16xf32>, vector<16xi32> -> vector<16xf32>
                  %max3A_657 = arith.maximumf %select_n3A_648, %gather3A_656 : vector<16xf32>
                  %xor3A_658 = arith.constant 2 : i32
                  %xor3A_659 = vector.broadcast %xor3A_658 : i32 to vector<16xi32>
                  %xor3A_660 = arith.xori %iota3A, %xor3A_659 : vector<16xi32>
                  %reshape3A_661 = vector.shape_cast %xor3A_660 : vector<16xi32> to vector<16x1xi32>
                  %gather3A_662 = vector.shape_cast %reshape3A_661 : vector<16x1xi32> to vector<16xi32>
                  %gather3A_663 = tpu.dynamic_gather %max3A_657[%gather3A_662] in [0] : vector<16xf32>, vector<16xi32> -> vector<16xf32>
                  %max3A_664 = arith.maximumf %max3A_657, %gather3A_663 : vector<16xf32>
                  %xor3A_665 = arith.constant 4 : i32
                  %xor3A_666 = vector.broadcast %xor3A_665 : i32 to vector<16xi32>
                  %xor3A_667 = arith.xori %iota3A, %xor3A_666 : vector<16xi32>
                  %reshape3A_668 = vector.shape_cast %xor3A_667 : vector<16xi32> to vector<16x1xi32>
                  %gather3A_669 = vector.shape_cast %reshape3A_668 : vector<16x1xi32> to vector<16xi32>
                  %gather3A_670 = tpu.dynamic_gather %max3A_664[%gather3A_669] in [0] : vector<16xf32>, vector<16xi32> -> vector<16xf32>
                  %max3A_671 = arith.maximumf %max3A_664, %gather3A_670 : vector<16xf32>
                  %xor3A_672 = arith.constant 8 : i32
                  %xor3A_673 = vector.broadcast %xor3A_672 : i32 to vector<16xi32>
                  %xor3A_674 = arith.xori %iota3A, %xor3A_673 : vector<16xi32>
                  %reshape3A_675 = vector.shape_cast %xor3A_674 : vector<16xi32> to vector<16x1xi32>
                  %gather3A_676 = vector.shape_cast %reshape3A_675 : vector<16x1xi32> to vector<16xi32>
                  %gather3A_677 = tpu.dynamic_gather %max3A_671[%gather3A_676] in [0] : vector<16xf32>, vector<16xi32> -> vector<16xf32>
                  %max3A_678 = arith.maximumf %max3A_671, %gather3A_677 : vector<16xf32>
                  %xor3A_679 = arith.constant 1 : i32
                  %xor3A_680 = vector.broadcast %xor3A_679 : i32 to vector<16xi32>
                  %xor3A_681 = arith.xori %iota3A, %xor3A_680 : vector<16xi32>
                  %reshape3A_682 = vector.shape_cast %xor3A_681 : vector<16xi32> to vector<16x1xi32>
                  %gather3A_683 = vector.shape_cast %reshape3A_682 : vector<16x1xi32> to vector<16xi32>
                  %gather3A_684 = tpu.dynamic_gather %select_n3A_650[%gather3A_683] in [0] : vector<16xf32>, vector<16xi32> -> vector<16xf32>
                  %max3A_685 = arith.maximumf %select_n3A_650, %gather3A_684 : vector<16xf32>
                  %xor3A_686 = arith.constant 2 : i32
                  %xor3A_687 = vector.broadcast %xor3A_686 : i32 to vector<16xi32>
                  %xor3A_688 = arith.xori %iota3A, %xor3A_687 : vector<16xi32>
                  %reshape3A_689 = vector.shape_cast %xor3A_688 : vector<16xi32> to vector<16x1xi32>
                  %gather3A_690 = vector.shape_cast %reshape3A_689 : vector<16x1xi32> to vector<16xi32>
                  %gather3A_691 = tpu.dynamic_gather %max3A_685[%gather3A_690] in [0] : vector<16xf32>, vector<16xi32> -> vector<16xf32>
                  %max3A_692 = arith.maximumf %max3A_685, %gather3A_691 : vector<16xf32>
                  %xor3A_693 = arith.constant 4 : i32
                  %xor3A_694 = vector.broadcast %xor3A_693 : i32 to vector<16xi32>
                  %xor3A_695 = arith.xori %iota3A, %xor3A_694 : vector<16xi32>
                  %reshape3A_696 = vector.shape_cast %xor3A_695 : vector<16xi32> to vector<16x1xi32>
                  %gather3A_697 = vector.shape_cast %reshape3A_696 : vector<16x1xi32> to vector<16xi32>
                  %gather3A_698 = tpu.dynamic_gather %max3A_692[%gather3A_697] in [0] : vector<16xf32>, vector<16xi32> -> vector<16xf32>
                  %max3A_699 = arith.maximumf %max3A_692, %gather3A_698 : vector<16xf32>
                  %xor3A_700 = arith.constant 8 : i32
                  %xor3A_701 = vector.broadcast %xor3A_700 : i32 to vector<16xi32>
                  %xor3A_702 = arith.xori %iota3A, %xor3A_701 : vector<16xi32>
                  %reshape3A_703 = vector.shape_cast %xor3A_702 : vector<16xi32> to vector<16x1xi32>
                  %gather3A_704 = vector.shape_cast %reshape3A_703 : vector<16x1xi32> to vector<16xi32>
                  %gather3A_705 = tpu.dynamic_gather %max3A_699[%gather3A_704] in [0] : vector<16xf32>, vector<16xi32> -> vector<16xf32>
                  %max3A_706 = arith.maximumf %max3A_699, %gather3A_705 : vector<16xf32>
                  %max3A_707 = arith.maximumf %max3A_678, %max3A_706 : vector<16xf32>
                  %eq3A_708 = arith.constant 1 : i32
                  %eq3A_709 = vector.broadcast %eq3A_708 : i32 to vector<16xi32>
                  %eq3A_710 = arith.cmpi eq, %iota3A, %eq3A_709 : vector<16xi32>
                  %select_n3A_711 = arith.select %eq3A_710, %max3A_707, %select_n3A_646 : vector<16xi1>, vector<16xf32>
                  %eq3A_712 = arith.cmpf oeq, %select_n3A_648, %max3A_707 : vector<16xf32>
                  %select_n3A_713 = arith.select %eq3A_712, %broadcast_in_dim3A_5, %select_n3A_648 : vector<16xi1>, vector<16xf32>
                  %eq3A_714 = arith.cmpf oeq, %select_n3A_650, %max3A_707 : vector<16xf32>
                  %select_n3A_715 = arith.select %eq3A_714, %broadcast_in_dim3A_5, %select_n3A_650 : vector<16xi1>, vector<16xf32>
                  %xor3A_716 = arith.constant 1 : i32
                  %xor3A_717 = vector.broadcast %xor3A_716 : i32 to vector<16xi32>
                  %xor3A_718 = arith.xori %iota3A, %xor3A_717 : vector<16xi32>
                  %reshape3A_719 = vector.shape_cast %xor3A_718 : vector<16xi32> to vector<16x1xi32>
                  %gather3A_720 = vector.shape_cast %reshape3A_719 : vector<16x1xi32> to vector<16xi32>
                  %gather3A_721 = tpu.dynamic_gather %select_n3A_713[%gather3A_720] in [0] : vector<16xf32>, vector<16xi32> -> vector<16xf32>
                  %max3A_722 = arith.maximumf %select_n3A_713, %gather3A_721 : vector<16xf32>
                  %xor3A_723 = arith.constant 2 : i32
                  %xor3A_724 = vector.broadcast %xor3A_723 : i32 to vector<16xi32>
                  %xor3A_725 = arith.xori %iota3A, %xor3A_724 : vector<16xi32>
                  %reshape3A_726 = vector.shape_cast %xor3A_725 : vector<16xi32> to vector<16x1xi32>
                  %gather3A_727 = vector.shape_cast %reshape3A_726 : vector<16x1xi32> to vector<16xi32>
                  %gather3A_728 = tpu.dynamic_gather %max3A_722[%gather3A_727] in [0] : vector<16xf32>, vector<16xi32> -> vector<16xf32>
                  %max3A_729 = arith.maximumf %max3A_722, %gather3A_728 : vector<16xf32>
                  %xor3A_730 = arith.constant 4 : i32
                  %xor3A_731 = vector.broadcast %xor3A_730 : i32 to vector<16xi32>
                  %xor3A_732 = arith.xori %iota3A, %xor3A_731 : vector<16xi32>
                  %reshape3A_733 = vector.shape_cast %xor3A_732 : vector<16xi32> to vector<16x1xi32>
                  %gather3A_734 = vector.shape_cast %reshape3A_733 : vector<16x1xi32> to vector<16xi32>
                  %gather3A_735 = tpu.dynamic_gather %max3A_729[%gather3A_734] in [0] : vector<16xf32>, vector<16xi32> -> vector<16xf32>
                  %max3A_736 = arith.maximumf %max3A_729, %gather3A_735 : vector<16xf32>
                  %xor3A_737 = arith.constant 8 : i32
                  %xor3A_738 = vector.broadcast %xor3A_737 : i32 to vector<16xi32>
                  %xor3A_739 = arith.xori %iota3A, %xor3A_738 : vector<16xi32>
                  %reshape3A_740 = vector.shape_cast %xor3A_739 : vector<16xi32> to vector<16x1xi32>
                  %gather3A_741 = vector.shape_cast %reshape3A_740 : vector<16x1xi32> to vector<16xi32>
                  %gather3A_742 = tpu.dynamic_gather %max3A_736[%gather3A_741] in [0] : vector<16xf32>, vector<16xi32> -> vector<16xf32>
                  %max3A_743 = arith.maximumf %max3A_736, %gather3A_742 : vector<16xf32>
                  %xor3A_744 = arith.constant 1 : i32
                  %xor3A_745 = vector.broadcast %xor3A_744 : i32 to vector<16xi32>
                  %xor3A_746 = arith.xori %iota3A, %xor3A_745 : vector<16xi32>
                  %reshape3A_747 = vector.shape_cast %xor3A_746 : vector<16xi32> to vector<16x1xi32>
                  %gather3A_748 = vector.shape_cast %reshape3A_747 : vector<16x1xi32> to vector<16xi32>
                  %gather3A_749 = tpu.dynamic_gather %select_n3A_715[%gather3A_748] in [0] : vector<16xf32>, vector<16xi32> -> vector<16xf32>
                  %max3A_750 = arith.maximumf %select_n3A_715, %gather3A_749 : vector<16xf32>
                  %xor3A_751 = arith.constant 2 : i32
                  %xor3A_752 = vector.broadcast %xor3A_751 : i32 to vector<16xi32>
                  %xor3A_753 = arith.xori %iota3A, %xor3A_752 : vector<16xi32>
                  %reshape3A_754 = vector.shape_cast %xor3A_753 : vector<16xi32> to vector<16x1xi32>
                  %gather3A_755 = vector.shape_cast %reshape3A_754 : vector<16x1xi32> to vector<16xi32>
                  %gather3A_756 = tpu.dynamic_gather %max3A_750[%gather3A_755] in [0] : vector<16xf32>, vector<16xi32> -> vector<16xf32>
                  %max3A_757 = arith.maximumf %max3A_750, %gather3A_756 : vector<16xf32>
                  %xor3A_758 = arith.constant 4 : i32
                  %xor3A_759 = vector.broadcast %xor3A_758 : i32 to vector<16xi32>
                  %xor3A_760 = arith.xori %iota3A, %xor3A_759 : vector<16xi32>
                  %reshape3A_761 = vector.shape_cast %xor3A_760 : vector<16xi32> to vector<16x1xi32>
                  %gather3A_762 = vector.shape_cast %reshape3A_761 : vector<16x1xi32> to vector<16xi32>
                  %gather3A_763 = tpu.dynamic_gather %max3A_757[%gather3A_762] in [0] : vector<16xf32>, vector<16xi32> -> vector<16xf32>
                  %max3A_764 = arith.maximumf %max3A_757, %gather3A_763 : vector<16xf32>
                  %xor3A_765 = arith.constant 8 : i32
                  %xor3A_766 = vector.broadcast %xor3A_765 : i32 to vector<16xi32>
                  %xor3A_767 = arith.xori %iota3A, %xor3A_766 : vector<16xi32>
                  %reshape3A_768 = vector.shape_cast %xor3A_767 : vector<16xi32> to vector<16x1xi32>
                  %gather3A_769 = vector.shape_cast %reshape3A_768 : vector<16x1xi32> to vector<16xi32>
                  %gather3A_770 = tpu.dynamic_gather %max3A_764[%gather3A_769] in [0] : vector<16xf32>, vector<16xi32> -> vector<16xf32>
                  %max3A_771 = arith.maximumf %max3A_764, %gather3A_770 : vector<16xf32>
                  %max3A_772 = arith.maximumf %max3A_743, %max3A_771 : vector<16xf32>
                  %eq3A_773 = arith.constant 2 : i32
                  %eq3A_774 = vector.broadcast %eq3A_773 : i32 to vector<16xi32>
                  %eq3A_775 = arith.cmpi eq, %iota3A, %eq3A_774 : vector<16xi32>
                  %select_n3A_776 = arith.select %eq3A_775, %max3A_772, %select_n3A_711 : vector<16xi1>, vector<16xf32>
                  %eq3A_777 = arith.cmpf oeq, %select_n3A_713, %max3A_772 : vector<16xf32>
                  %select_n3A_778 = arith.select %eq3A_777, %broadcast_in_dim3A_5, %select_n3A_713 : vector<16xi1>, vector<16xf32>
                  %eq3A_779 = arith.cmpf oeq, %select_n3A_715, %max3A_772 : vector<16xf32>
                  %select_n3A_780 = arith.select %eq3A_779, %broadcast_in_dim3A_5, %select_n3A_715 : vector<16xi1>, vector<16xf32>
                  %xor3A_781 = arith.constant 1 : i32
                  %xor3A_782 = vector.broadcast %xor3A_781 : i32 to vector<16xi32>
                  %xor3A_783 = arith.xori %iota3A, %xor3A_782 : vector<16xi32>
                  %reshape3A_784 = vector.shape_cast %xor3A_783 : vector<16xi32> to vector<16x1xi32>
                  %gather3A_785 = vector.shape_cast %reshape3A_784 : vector<16x1xi32> to vector<16xi32>
                  %gather3A_786 = tpu.dynamic_gather %select_n3A_778[%gather3A_785] in [0] : vector<16xf32>, vector<16xi32> -> vector<16xf32>
                  %max3A_787 = arith.maximumf %select_n3A_778, %gather3A_786 : vector<16xf32>
                  %xor3A_788 = arith.constant 2 : i32
                  %xor3A_789 = vector.broadcast %xor3A_788 : i32 to vector<16xi32>
                  %xor3A_790 = arith.xori %iota3A, %xor3A_789 : vector<16xi32>
                  %reshape3A_791 = vector.shape_cast %xor3A_790 : vector<16xi32> to vector<16x1xi32>
                  %gather3A_792 = vector.shape_cast %reshape3A_791 : vector<16x1xi32> to vector<16xi32>
                  %gather3A_793 = tpu.dynamic_gather %max3A_787[%gather3A_792] in [0] : vector<16xf32>, vector<16xi32> -> vector<16xf32>
                  %max3A_794 = arith.maximumf %max3A_787, %gather3A_793 : vector<16xf32>
                  %xor3A_795 = arith.constant 4 : i32
                  %xor3A_796 = vector.broadcast %xor3A_795 : i32 to vector<16xi32>
                  %xor3A_797 = arith.xori %iota3A, %xor3A_796 : vector<16xi32>
                  %reshape3A_798 = vector.shape_cast %xor3A_797 : vector<16xi32> to vector<16x1xi32>
                  %gather3A_799 = vector.shape_cast %reshape3A_798 : vector<16x1xi32> to vector<16xi32>
                  %gather3A_800 = tpu.dynamic_gather %max3A_794[%gather3A_799] in [0] : vector<16xf32>, vector<16xi32> -> vector<16xf32>
                  %max3A_801 = arith.maximumf %max3A_794, %gather3A_800 : vector<16xf32>
                  %xor3A_802 = arith.constant 8 : i32
                  %xor3A_803 = vector.broadcast %xor3A_802 : i32 to vector<16xi32>
                  %xor3A_804 = arith.xori %iota3A, %xor3A_803 : vector<16xi32>
                  %reshape3A_805 = vector.shape_cast %xor3A_804 : vector<16xi32> to vector<16x1xi32>
                  %gather3A_806 = vector.shape_cast %reshape3A_805 : vector<16x1xi32> to vector<16xi32>
                  %gather3A_807 = tpu.dynamic_gather %max3A_801[%gather3A_806] in [0] : vector<16xf32>, vector<16xi32> -> vector<16xf32>
                  %max3A_808 = arith.maximumf %max3A_801, %gather3A_807 : vector<16xf32>
                  %xor3A_809 = arith.constant 1 : i32
                  %xor3A_810 = vector.broadcast %xor3A_809 : i32 to vector<16xi32>
                  %xor3A_811 = arith.xori %iota3A, %xor3A_810 : vector<16xi32>
                  %reshape3A_812 = vector.shape_cast %xor3A_811 : vector<16xi32> to vector<16x1xi32>
                  %gather3A_813 = vector.shape_cast %reshape3A_812 : vector<16x1xi32> to vector<16xi32>
                  %gather3A_814 = tpu.dynamic_gather %select_n3A_780[%gather3A_813] in [0] : vector<16xf32>, vector<16xi32> -> vector<16xf32>
                  %max3A_815 = arith.maximumf %select_n3A_780, %gather3A_814 : vector<16xf32>
                  %xor3A_816 = arith.constant 2 : i32
                  %xor3A_817 = vector.broadcast %xor3A_816 : i32 to vector<16xi32>
                  %xor3A_818 = arith.xori %iota3A, %xor3A_817 : vector<16xi32>
                  %reshape3A_819 = vector.shape_cast %xor3A_818 : vector<16xi32> to vector<16x1xi32>
                  %gather3A_820 = vector.shape_cast %reshape3A_819 : vector<16x1xi32> to vector<16xi32>
                  %gather3A_821 = tpu.dynamic_gather %max3A_815[%gather3A_820] in [0] : vector<16xf32>, vector<16xi32> -> vector<16xf32>
                  %max3A_822 = arith.maximumf %max3A_815, %gather3A_821 : vector<16xf32>
                  %xor3A_823 = arith.constant 4 : i32
                  %xor3A_824 = vector.broadcast %xor3A_823 : i32 to vector<16xi32>
                  %xor3A_825 = arith.xori %iota3A, %xor3A_824 : vector<16xi32>
                  %reshape3A_826 = vector.shape_cast %xor3A_825 : vector<16xi32> to vector<16x1xi32>
                  %gather3A_827 = vector.shape_cast %reshape3A_826 : vector<16x1xi32> to vector<16xi32>
                  %gather3A_828 = tpu.dynamic_gather %max3A_822[%gather3A_827] in [0] : vector<16xf32>, vector<16xi32> -> vector<16xf32>
                  %max3A_829 = arith.maximumf %max3A_822, %gather3A_828 : vector<16xf32>
                  %xor3A_830 = arith.constant 8 : i32
                  %xor3A_831 = vector.broadcast %xor3A_830 : i32 to vector<16xi32>
                  %xor3A_832 = arith.xori %iota3A, %xor3A_831 : vector<16xi32>
                  %reshape3A_833 = vector.shape_cast %xor3A_832 : vector<16xi32> to vector<16x1xi32>
                  %gather3A_834 = vector.shape_cast %reshape3A_833 : vector<16x1xi32> to vector<16xi32>
                  %gather3A_835 = tpu.dynamic_gather %max3A_829[%gather3A_834] in [0] : vector<16xf32>, vector<16xi32> -> vector<16xf32>
                  %max3A_836 = arith.maximumf %max3A_829, %gather3A_835 : vector<16xf32>
                  %max3A_837 = arith.maximumf %max3A_808, %max3A_836 : vector<16xf32>
                  %eq3A_838 = arith.constant 3 : i32
                  %eq3A_839 = vector.broadcast %eq3A_838 : i32 to vector<16xi32>
                  %eq3A_840 = arith.cmpi eq, %iota3A, %eq3A_839 : vector<16xi32>
                  %select_n3A_841 = arith.select %eq3A_840, %max3A_837, %select_n3A_776 : vector<16xi1>, vector<16xf32>
                  %eq3A_842 = arith.cmpf oeq, %select_n3A_778, %max3A_837 : vector<16xf32>
                  %select_n3A_843 = arith.select %eq3A_842, %broadcast_in_dim3A_5, %select_n3A_778 : vector<16xi1>, vector<16xf32>
                  %eq3A_844 = arith.cmpf oeq, %select_n3A_780, %max3A_837 : vector<16xf32>
                  %select_n3A_845 = arith.select %eq3A_844, %broadcast_in_dim3A_5, %select_n3A_780 : vector<16xi1>, vector<16xf32>
                  %xor3A_846 = arith.constant 1 : i32
                  %xor3A_847 = vector.broadcast %xor3A_846 : i32 to vector<16xi32>
                  %xor3A_848 = arith.xori %iota3A, %xor3A_847 : vector<16xi32>
                  %reshape3A_849 = vector.shape_cast %xor3A_848 : vector<16xi32> to vector<16x1xi32>
                  %gather3A_850 = vector.shape_cast %reshape3A_849 : vector<16x1xi32> to vector<16xi32>
                  %gather3A_851 = tpu.dynamic_gather %select_n3A_843[%gather3A_850] in [0] : vector<16xf32>, vector<16xi32> -> vector<16xf32>
                  %max3A_852 = arith.maximumf %select_n3A_843, %gather3A_851 : vector<16xf32>
                  %xor3A_853 = arith.constant 2 : i32
                  %xor3A_854 = vector.broadcast %xor3A_853 : i32 to vector<16xi32>
                  %xor3A_855 = arith.xori %iota3A, %xor3A_854 : vector<16xi32>
                  %reshape3A_856 = vector.shape_cast %xor3A_855 : vector<16xi32> to vector<16x1xi32>
                  %gather3A_857 = vector.shape_cast %reshape3A_856 : vector<16x1xi32> to vector<16xi32>
                  %gather3A_858 = tpu.dynamic_gather %max3A_852[%gather3A_857] in [0] : vector<16xf32>, vector<16xi32> -> vector<16xf32>
                  %max3A_859 = arith.maximumf %max3A_852, %gather3A_858 : vector<16xf32>
                  %xor3A_860 = arith.constant 4 : i32
                  %xor3A_861 = vector.broadcast %xor3A_860 : i32 to vector<16xi32>
                  %xor3A_862 = arith.xori %iota3A, %xor3A_861 : vector<16xi32>
                  %reshape3A_863 = vector.shape_cast %xor3A_862 : vector<16xi32> to vector<16x1xi32>
                  %gather3A_864 = vector.shape_cast %reshape3A_863 : vector<16x1xi32> to vector<16xi32>
                  %gather3A_865 = tpu.dynamic_gather %max3A_859[%gather3A_864] in [0] : vector<16xf32>, vector<16xi32> -> vector<16xf32>
                  %max3A_866 = arith.maximumf %max3A_859, %gather3A_865 : vector<16xf32>
                  %xor3A_867 = arith.constant 8 : i32
                  %xor3A_868 = vector.broadcast %xor3A_867 : i32 to vector<16xi32>
                  %xor3A_869 = arith.xori %iota3A, %xor3A_868 : vector<16xi32>
                  %reshape3A_870 = vector.shape_cast %xor3A_869 : vector<16xi32> to vector<16x1xi32>
                  %gather3A_871 = vector.shape_cast %reshape3A_870 : vector<16x1xi32> to vector<16xi32>
                  %gather3A_872 = tpu.dynamic_gather %max3A_866[%gather3A_871] in [0] : vector<16xf32>, vector<16xi32> -> vector<16xf32>
                  %max3A_873 = arith.maximumf %max3A_866, %gather3A_872 : vector<16xf32>
                  %xor3A_874 = arith.constant 1 : i32
                  %xor3A_875 = vector.broadcast %xor3A_874 : i32 to vector<16xi32>
                  %xor3A_876 = arith.xori %iota3A, %xor3A_875 : vector<16xi32>
                  %reshape3A_877 = vector.shape_cast %xor3A_876 : vector<16xi32> to vector<16x1xi32>
                  %gather3A_878 = vector.shape_cast %reshape3A_877 : vector<16x1xi32> to vector<16xi32>
                  %gather3A_879 = tpu.dynamic_gather %select_n3A_845[%gather3A_878] in [0] : vector<16xf32>, vector<16xi32> -> vector<16xf32>
                  %max3A_880 = arith.maximumf %select_n3A_845, %gather3A_879 : vector<16xf32>
                  %xor3A_881 = arith.constant 2 : i32
                  %xor3A_882 = vector.broadcast %xor3A_881 : i32 to vector<16xi32>
                  %xor3A_883 = arith.xori %iota3A, %xor3A_882 : vector<16xi32>
                  %reshape3A_884 = vector.shape_cast %xor3A_883 : vector<16xi32> to vector<16x1xi32>
                  %gather3A_885 = vector.shape_cast %reshape3A_884 : vector<16x1xi32> to vector<16xi32>
                  %gather3A_886 = tpu.dynamic_gather %max3A_880[%gather3A_885] in [0] : vector<16xf32>, vector<16xi32> -> vector<16xf32>
                  %max3A_887 = arith.maximumf %max3A_880, %gather3A_886 : vector<16xf32>
                  %xor3A_888 = arith.constant 4 : i32
                  %xor3A_889 = vector.broadcast %xor3A_888 : i32 to vector<16xi32>
                  %xor3A_890 = arith.xori %iota3A, %xor3A_889 : vector<16xi32>
                  %reshape3A_891 = vector.shape_cast %xor3A_890 : vector<16xi32> to vector<16x1xi32>
                  %gather3A_892 = vector.shape_cast %reshape3A_891 : vector<16x1xi32> to vector<16xi32>
                  %gather3A_893 = tpu.dynamic_gather %max3A_887[%gather3A_892] in [0] : vector<16xf32>, vector<16xi32> -> vector<16xf32>
                  %max3A_894 = arith.maximumf %max3A_887, %gather3A_893 : vector<16xf32>
                  %xor3A_895 = arith.constant 8 : i32
                  %xor3A_896 = vector.broadcast %xor3A_895 : i32 to vector<16xi32>
                  %xor3A_897 = arith.xori %iota3A, %xor3A_896 : vector<16xi32>
                  %reshape3A_898 = vector.shape_cast %xor3A_897 : vector<16xi32> to vector<16x1xi32>
                  %gather3A_899 = vector.shape_cast %reshape3A_898 : vector<16x1xi32> to vector<16xi32>
                  %gather3A_900 = tpu.dynamic_gather %max3A_894[%gather3A_899] in [0] : vector<16xf32>, vector<16xi32> -> vector<16xf32>
                  %max3A_901 = arith.maximumf %max3A_894, %gather3A_900 : vector<16xf32>
                  %max3A_902 = arith.maximumf %max3A_873, %max3A_901 : vector<16xf32>
                  %eq3A_903 = arith.constant 4 : i32
                  %eq3A_904 = vector.broadcast %eq3A_903 : i32 to vector<16xi32>
                  %eq3A_905 = arith.cmpi eq, %iota3A, %eq3A_904 : vector<16xi32>
                  %select_n3A_906 = arith.select %eq3A_905, %max3A_902, %select_n3A_841 : vector<16xi1>, vector<16xf32>
                  %eq3A_907 = arith.cmpf oeq, %select_n3A_843, %max3A_902 : vector<16xf32>
                  %select_n3A_908 = arith.select %eq3A_907, %broadcast_in_dim3A_5, %select_n3A_843 : vector<16xi1>, vector<16xf32>
                  %eq3A_909 = arith.cmpf oeq, %select_n3A_845, %max3A_902 : vector<16xf32>
                  %select_n3A_910 = arith.select %eq3A_909, %broadcast_in_dim3A_5, %select_n3A_845 : vector<16xi1>, vector<16xf32>
                  %swap3A_911 = arith.constant 0 : index
                  %swap3A_912 = tpu.vector_load %arg9[%swap3A_911] {strides = array<i32>} : memref<16xf32, #tpu.memory_space<vmem>>, vector<16xf32>,
                  %swap3A_913 = vector.shape_cast %swap3A_912 : vector<16xf32> to vector<16xf32>
                  %swap3A_914 = vector.shape_cast %select_n3A_906 : vector<16xf32> to vector<16xf32>
                  tpu.vector_store %arg9[%swap3A_911], %swap3A_914 {strides = array<i32>} : memref<16xf32, #tpu.memory_space<vmem>>, vector<16xf32>,
                  %swap3A_915 = arith.constant 0 : index
                  %swap3A_916 = tpu.vector_load %arg10[%swap3A_915] {strides = array<i32>} : memref<16xf32, #tpu.memory_space<vmem>>, vector<16xf32>,
                  %swap3A_917 = vector.shape_cast %swap3A_916 : vector<16xf32> to vector<16xf32>
                  %swap3A_918 = vector.shape_cast %max3A_902 : vector<16xf32> to vector<16xf32>
                  tpu.vector_store %arg10[%swap3A_915], %swap3A_918 {strides = array<i32>} : memref<16xf32, #tpu.memory_space<vmem>>, vector<16xf32>,
                } else {
                }
              }
              %scan3A_534 = arith.constant 25 : i32
            } else {
            }
          }
          %scan3A_483 = arith.constant 25 : i32
        } else {
        }
        %add3A_471 = arith.constant 3 : i32
        %add3A_472 = arith.addi %add3A_182, %add3A_471 : i32
        %lt3A_473 = arith.constant 160 : i32
        %lt3A_474 = arith.cmpi slt, %add3A_472, %lt3A_473 : i32
        %convert_element_type3A_475 = arith.extui %lt3A_474 : i1 to i32
        %cond3A_476 = arith.constant 0 : i32
        %cond3A_477 = arith.cmpi ne, %convert_element_type3A_475, %cond3A_476 : i32
        scf.if %cond3A_477 {
          %add3A_478 = arith.constant 3 : i32
          %add3A_479 = arith.addi %add3A_182, %add3A_478 : i32
          %mul3A_480 = arith.constant 10000 : i32
          %mul3A_481 = arith.muli %add3A_479, %mul3A_480 : i32
          %add3A_482 = arith.addi %mul3A_4, %mul3A_481 : i32
          %dma_start3A_483 = tpu.memref_slice %arg2[%add3A_482] : memref<51200000xf32, #tpu.memory_space<hbm>> -> memref<10000xf32, #tpu.memory_space<hbm>>
          %dma_start3A_484 = tpu.memref_slice %arg2[%add3A_482] : memref<51200000xf32, #tpu.memory_space<hbm>> -> memref<10000xf32, #tpu.memory_space<hbm>>
          tpu.enqueue_dma source(%dma_start3A_484 : memref<10000xf32, #tpu.memory_space<hbm>>) target(%arg6 : memref<10000xf32, #tpu.memory_space<vmem>>) target_semaphore(%arg14 : memref<!tpu.dma_semaphore, #tpu.memory_space<semaphore_mem>>)
        } else {
        }
        scf.yield %parallel_loop3A_332#0, %parallel_loop3A_332#1, %parallel_loop3A_332#2, %parallel_loop3A_332#3, %parallel_loop3A_332#4 : vector<16xf32>, vector<16xf32>, vector<16xf32>, vector<16xf32>, vector<16xf32>
      }
      %scan3A_39 = arith.constant 5 : i32
      %add3A_40 = arith.addf %scan3A_38#0, %scan3A_38#1 : vector<16xf32>
      %add3A_41 = arith.addf %scan3A_38#2, %scan3A_38#3 : vector<16xf32>
      %add3A_42 = arith.addf %add3A_40, %add3A_41 : vector<16xf32>
      %add3A_43 = arith.addf %add3A_42, %scan3A_38#4 : vector<16xf32>
      %xor3A = arith.constant 1 : i32
      %xor3A_44 = vector.broadcast %xor3A : i32 to vector<16xi32>
      %xor3A_45 = arith.xori %iota3A, %xor3A_44 : vector<16xi32>
      %reshape3A = vector.shape_cast %xor3A_45 : vector<16xi32> to vector<16x1xi32>
      %gather3A = vector.shape_cast %reshape3A : vector<16x1xi32> to vector<16xi32>
      %gather3A_46 = tpu.dynamic_gather %add3A_43[%gather3A] in [0] : vector<16xf32>, vector<16xi32> -> vector<16xf32>
      %add3A_47 = arith.addf %add3A_43, %gather3A_46 : vector<16xf32>
      %xor3A_48 = arith.constant 2 : i32
      %xor3A_49 = vector.broadcast %xor3A_48 : i32 to vector<16xi32>
      %xor3A_50 = arith.xori %iota3A, %xor3A_49 : vector<16xi32>
      %reshape3A_51 = vector.shape_cast %xor3A_50 : vector<16xi32> to vector<16x1xi32>
      %gather3A_52 = vector.shape_cast %reshape3A_51 : vector<16x1xi32> to vector<16xi32>
      %gather3A_53 = tpu.dynamic_gather %add3A_47[%gather3A_52] in [0] : vector<16xf32>, vector<16xi32> -> vector<16xf32>
      %add3A_54 = arith.addf %add3A_47, %gather3A_53 : vector<16xf32>
      %xor3A_55 = arith.constant 4 : i32
      %xor3A_56 = vector.broadcast %xor3A_55 : i32 to vector<16xi32>
      %xor3A_57 = arith.xori %iota3A, %xor3A_56 : vector<16xi32>
      %reshape3A_58 = vector.shape_cast %xor3A_57 : vector<16xi32> to vector<16x1xi32>
      %gather3A_59 = vector.shape_cast %reshape3A_58 : vector<16x1xi32> to vector<16xi32>
      %gather3A_60 = tpu.dynamic_gather %add3A_54[%gather3A_59] in [0] : vector<16xf32>, vector<16xi32> -> vector<16xf32>
      %add3A_61 = arith.addf %add3A_54, %gather3A_60 : vector<16xf32>
      %xor3A_62 = arith.constant 8 : i32
      %xor3A_63 = vector.broadcast %xor3A_62 : i32 to vector<16xi32>
      %xor3A_64 = arith.xori %iota3A, %xor3A_63 : vector<16xi32>
      %reshape3A_65 = vector.shape_cast %xor3A_64 : vector<16xi32> to vector<16x1xi32>
      %gather3A_66 = vector.shape_cast %reshape3A_65 : vector<16x1xi32> to vector<16xi32>
      %gather3A_67 = tpu.dynamic_gather %add3A_61[%gather3A_66] in [0] : vector<16xf32>, vector<16xi32> -> vector<16xf32>
      %add3A_68 = arith.addf %add3A_61, %gather3A_67 : vector<16xf32>
      %get3A = arith.constant 0 : index
      %get3A_69 = tpu.vector_load %arg9[%get3A] {strides = array<i32>} : memref<16xf32, #tpu.memory_space<vmem>>, vector<16xf32>,
      %get3A_70 = vector.shape_cast %get3A_69 : vector<16xf32> to vector<16xf32>
      %exp3A = math.exp %get3A_70 : vector<16xf32>
      %xor3A_71 = arith.constant 1 : i32
      %xor3A_72 = vector.broadcast %xor3A_71 : i32 to vector<16xi32>
      %xor3A_73 = arith.xori %iota3A, %xor3A_72 : vector<16xi32>
      %reshape3A_74 = vector.shape_cast %xor3A_73 : vector<16xi32> to vector<16x1xi32>
      %gather3A_75 = vector.shape_cast %reshape3A_74 : vector<16x1xi32> to vector<16xi32>
      %gather3A_76 = tpu.dynamic_gather %exp3A[%gather3A_75] in [0] : vector<16xf32>, vector<16xi32> -> vector<16xf32>
      %add3A_77 = arith.addf %exp3A, %gather3A_76 : vector<16xf32>
      %xor3A_78 = arith.constant 2 : i32
      %xor3A_79 = vector.broadcast %xor3A_78 : i32 to vector<16xi32>
      %xor3A_80 = arith.xori %iota3A, %xor3A_79 : vector<16xi32>
      %reshape3A_81 = vector.shape_cast %xor3A_80 : vector<16xi32> to vector<16x1xi32>
      %gather3A_82 = vector.shape_cast %reshape3A_81 : vector<16x1xi32> to vector<16xi32>
      %gather3A_83 = tpu.dynamic_gather %add3A_77[%gather3A_82] in [0] : vector<16xf32>, vector<16xi32> -> vector<16xf32>
      %add3A_84 = arith.addf %add3A_77, %gather3A_83 : vector<16xf32>
      %xor3A_85 = arith.constant 4 : i32
      %xor3A_86 = vector.broadcast %xor3A_85 : i32 to vector<16xi32>
      %xor3A_87 = arith.xori %iota3A, %xor3A_86 : vector<16xi32>
      %reshape3A_88 = vector.shape_cast %xor3A_87 : vector<16xi32> to vector<16x1xi32>
      %gather3A_89 = vector.shape_cast %reshape3A_88 : vector<16x1xi32> to vector<16xi32>
      %gather3A_90 = tpu.dynamic_gather %add3A_84[%gather3A_89] in [0] : vector<16xf32>, vector<16xi32> -> vector<16xf32>
      %add3A_91 = arith.addf %add3A_84, %gather3A_90 : vector<16xf32>
      %xor3A_92 = arith.constant 8 : i32
      %xor3A_93 = vector.broadcast %xor3A_92 : i32 to vector<16xi32>
      %xor3A_94 = arith.xori %iota3A, %xor3A_93 : vector<16xi32>
      %reshape3A_95 = vector.shape_cast %xor3A_94 : vector<16xi32> to vector<16x1xi32>
      %gather3A_96 = vector.shape_cast %reshape3A_95 : vector<16x1xi32> to vector<16xi32>
      %gather3A_97 = tpu.dynamic_gather %add3A_91[%gather3A_96] in [0] : vector<16xf32>, vector<16xi32> -> vector<16xf32>
      %add3A_98 = arith.addf %add3A_91, %gather3A_97 : vector<16xf32>
      %get3A_99 = arith.constant 0 : index
      %get3A_100 = tpu.vector_load %arg10[%get3A_99] {strides = array<i32>} : memref<16xf32, #tpu.memory_space<vmem>>, vector<16xf32>,
      %get3A_101 = vector.shape_cast %get3A_100 : vector<16xf32> to vector<16xf32>
      %jit3A = arith.constant 16 : i32
      %div3A = arith.divsi %scan3A_32, %jit3A : i32
      %sign3A = arith.constant 0 : i32
      %sign3A_102 = arith.cmpi sgt, %scan3A_32, %sign3A : i32
      %sign3A_103 = arith.extui %sign3A_102 : i1 to i32
      %sign3A_104 = arith.constant 0 : i32
      %sign3A_105 = arith.cmpi slt, %scan3A_32, %sign3A_104 : i32
      %sign3A_106 = arith.extui %sign3A_105 : i1 to i32
      %sign3A_107 = arith.subi %sign3A_103, %sign3A_106 : i32
      %sign3A_108 = arith.constant 0 : i32
      %sign3A_109 = arith.cmpi sgt, %jit3A, %sign3A_108 : i32
      %sign3A_110 = arith.extui %sign3A_109 : i1 to i32
      %sign3A_111 = arith.constant 0 : i32
      %sign3A_112 = arith.cmpi slt, %jit3A, %sign3A_111 : i32
      %sign3A_113 = arith.extui %sign3A_112 : i1 to i32
      %sign3A_114 = arith.subi %sign3A_110, %sign3A_113 : i32
      %ne3A = arith.cmpi ne, %sign3A_107, %sign3A_114 : i32
      %rem3A = arith.remsi %scan3A_32, %jit3A : i32
      %ne3A_115 = arith.constant 0 : i32
      %ne3A_116 = arith.cmpi ne, %rem3A, %ne3A_115 : i32
      %and3A = arith.andi %ne3A, %ne3A_116 : i1
      %sub3A = arith.constant 1 : i32
      %sub3A_117 = arith.subi %div3A, %sub3A : i32
      %select_n3A = arith.select %and3A, %sub3A_117, %div3A : i32
      %mul3A_118 = arith.constant 16 : i32
      %mul3A_119 = arith.muli %select_n3A, %mul3A_118 : i32
      %get3A_120 = arith.index_cast %mul3A_119 : i32 to index
      %get3A_121 = tpu.vector_load %arg8[%get3A_120] {strides = array<i32>} : memref<16xf32, #tpu.memory_space<vmem>>, vector<16xf32>,
      %get3A_122 = vector.shape_cast %get3A_121 : vector<16xf32> to vector<16xf32>
      %jit3A_123 = arith.constant 16 : i32
      %eq3A = arith.constant 0 : i32
      %eq3A_124 = arith.cmpi eq, %jit3A_123, %eq3A : i32
      %jit3A_125 = arith.constant 1 : i32
      %select_n3A_126 = arith.select %eq3A_124, %jit3A_125, %jit3A_123 : i32
      %rem3A_127 = arith.remsi %scan3A_32, %select_n3A_126 : i32
      %ne3A_128 = arith.constant 0 : i32
      %ne3A_129 = arith.cmpi ne, %rem3A_127, %ne3A_128 : i32
      %lt3A = arith.constant 0 : i32
      %lt3A_130 = arith.cmpi slt, %rem3A_127, %lt3A : i32
      %lt3A_131 = arith.constant 0 : i32
      %lt3A_132 = arith.cmpi slt, %select_n3A_126, %lt3A_131 : i32
      %ne3A_133 = arith.xori %lt3A_130, %lt3A_132 : i1
      %and3A_134 = arith.andi %ne3A_133, %ne3A_129 : i1
      %add3A_135 = arith.addi %rem3A_127, %select_n3A_126 : i32
      %select_n3A_136 = arith.select %and3A_134, %add3A_135, %rem3A_127 : i32
      %broadcast_in_dim3A_137 = vector.broadcast %select_n3A_136 : i32 to vector<16xi32>
      %reshape3A_138 = vector.shape_cast %broadcast_in_dim3A_137 : vector<16xi32> to vector<16x1xi32>
      %gather3A_139 = vector.shape_cast %reshape3A_138 : vector<16x1xi32> to vector<16xi32>
      %gather3A_140 = tpu.dynamic_gather %get3A_122[%gather3A_139] in [0] : vector<16xf32>, vector<16xi32> -> vector<16xf32>
      %exp3A_141 = math.exp %gather3A_140 : vector<16xf32>
      %div3A_142 = arith.divf %exp3A_141, %add3A_68 : vector<16xf32>
      %ge3A = arith.cmpf oge, %gather3A_140, %get3A_101 : vector<16xf32>
      %jit3A_143 = arith.constant 1.000000e+00 : f32
      %jit3A_144 = arith.constant 0.000000e+00 : f32
      %broadcast_in_dim3A_145 = vector.broadcast %jit3A_143 : f32 to vector<16xf32>
      %broadcast_in_dim3A_146 = vector.broadcast %jit3A_144 : f32 to vector<16xf32>
      %select_n3A_147 = arith.select %ge3A, %broadcast_in_dim3A_145, %broadcast_in_dim3A_146 : vector<16xi1>, vector<16xf32>
      %sub3A_148 = arith.constant 5.000000e+00 : f32
      %sub3A_149 = vector.broadcast %sub3A_148 : f32 to vector<16xf32>
      %sub3A_150 = arith.subf %sub3A_149, %select_n3A_147 : vector<16xf32>
      %mul3A_151 = arith.constant 5.000000e+00 : f32
      %mul3A_152 = vector.broadcast %mul3A_151 : f32 to vector<16xf32>
      %mul3A_153 = arith.mulf %mul3A_152, %div3A_142 : vector<16xf32>
      %div3A_154 = arith.divf %add3A_98, %add3A_68 : vector<16xf32>
      %sub3A_155 = arith.subf %mul3A_153, %div3A_154 : vector<16xf32>
      %neg3A = arith.constant 0.000000e+00 : f32
      %neg3A_156 = vector.broadcast %neg3A : f32 to vector<16xf32>
      %neg3A_157 = arith.subf %neg3A_156, %sub3A_155 : vector<16xf32>
      %div3A_158 = arith.divf %neg3A_157, %sub3A_150 : vector<16xf32>
      %swap3A_159 = arith.constant 0 : index
      %swap3A_160 = tpu.vector_load %arg9[%swap3A_159] {strides = array<i32>} : memref<16xf32, #tpu.memory_space<vmem>>, vector<16xf32>,
      %swap3A_161 = vector.shape_cast %swap3A_160 : vector<16xf32> to vector<16xf32>
      %swap3A_162 = vector.shape_cast %broadcast_in_dim3A_5 : vector<16xf32> to vector<16xf32>
      tpu.vector_store %arg9[%swap3A_159], %swap3A_162 {strides = array<i32>} : memref<16xf32, #tpu.memory_space<vmem>>, vector<16xf32>,
      %swap3A_163 = arith.constant 0 : index
      %swap3A_164 = tpu.vector_load %arg10[%swap3A_163] {strides = array<i32>} : memref<16xf32, #tpu.memory_space<vmem>>, vector<16xf32>,
      %swap3A_165 = vector.shape_cast %swap3A_164 : vector<16xf32> to vector<16xf32>
      %swap3A_166 = vector.shape_cast %broadcast_in_dim3A_5 : vector<16xf32> to vector<16xf32>
      tpu.vector_store %arg10[%swap3A_163], %swap3A_166 {strides = array<i32>} : memref<16xf32, #tpu.memory_space<vmem>>, vector<16xf32>,
      %eq3A_167 = arith.constant 0 : i32
      %eq3A_168 = vector.broadcast %eq3A_167 : i32 to vector<16xi32>
      %eq3A_169 = arith.cmpi eq, %iota3A, %eq3A_168 : vector<16xi32>
      %select_n3A_170 = arith.select %eq3A_169, %div3A_158, %broadcast_in_dim3A_7 : vector<16xi1>, vector<16xf32>
      %add3A_171 = arith.addf %scan3A_33, %select_n3A_170 : vector<16xf32>
      scf.yield %add3A_171 : vector<16xf32>
    }
    %scan3A_27 = arith.constant 16 : i32
    %swap3A_28 = arith.constant 0 : index
    %swap3A_29 = tpu.vector_load %arg11[%swap3A_28] {strides = array<i32>} : memref<16xf32, #tpu.memory_space<vmem>>, vector<16xf32>,
    %swap3A_30 = vector.shape_cast %swap3A_29 : vector<16xf32> to vector<16xf32>
    %swap3A_31 = vector.shape_cast %scan3A_26 : vector<16xf32> to vector<16xf32>
    tpu.vector_store %arg11[%swap3A_28], %swap3A_31 {strides = array<i32>} : memref<16xf32, #tpu.memory_space<vmem>>, vector<16xf32>,
    "tpu.region"() ({
      %run_scoped3A = tpu.sem_alloc : memref<!tpu.dma_semaphore, #tpu.memory_space<semaphore_mem>>
      %dma_start3A_32 = arith.constant 0 : i32
      %dma_start3A_33 = tpu.memref_slice %arg4[%add3A, %dma_start3A_32] : memref<32x16xf32, #tpu.memory_space<hbm>> -> memref<1x16xf32, #tpu.memory_space<hbm>>
      %dma_start3A_34 = tpu.memref_squeeze %dma_start3A_33 : memref<1x16xf32, #tpu.memory_space<hbm>> -> memref<16xf32, #tpu.memory_space<hbm>>
      %dma_start3A_35 = arith.constant 0 : i32
      %dma_start3A_36 = tpu.memref_slice %arg4[%add3A, %dma_start3A_35] : memref<32x16xf32, #tpu.memory_space<hbm>> -> memref<1x16xf32, #tpu.memory_space<hbm>>
      %dma_start3A_37 = tpu.memref_squeeze %dma_start3A_36 : memref<1x16xf32, #tpu.memory_space<hbm>> -> memref<16xf32, #tpu.memory_space<hbm>>
      tpu.enqueue_dma source(%arg11 : memref<16xf32, #tpu.memory_space<vmem>>) target(%dma_start3A_37 : memref<16xf32, #tpu.memory_space<hbm>>) target_semaphore(%run_scoped3A : memref<!tpu.dma_semaphore, #tpu.memory_space<semaphore_mem>>)
      %dma_wait3A_38 = arith.constant 0 : i32
      %dma_wait3A_39 = tpu.memref_slice %arg4[%add3A, %dma_wait3A_38] : memref<32x16xf32, #tpu.memory_space<hbm>> -> memref<1x16xf32, #tpu.memory_space<hbm>>
      %dma_wait3A_40 = tpu.memref_squeeze %dma_wait3A_39 : memref<1x16xf32, #tpu.memory_space<hbm>> -> memref<16xf32, #tpu.memory_space<hbm>>
      %dma_wait3A_41 = arith.constant 0 : i32
      %dma_wait3A_42 = tpu.memref_slice %arg4[%add3A, %dma_wait3A_41] : memref<32x16xf32, #tpu.memory_space<hbm>> -> memref<1x16xf32, #tpu.memory_space<hbm>>
      %dma_wait3A_43 = tpu.memref_squeeze %dma_wait3A_42 : memref<1x16xf32, #tpu.memory_space<hbm>> -> memref<16xf32, #tpu.memory_space<hbm>>
      tpu.wait_dma2 semaphore(%run_scoped3A : memref<!tpu.dma_semaphore, #tpu.memory_space<semaphore_mem>>) src(%arg11 : memref<16xf32, #tpu.memory_space<vmem>>) dst(%dma_wait3A_43 : memref<16xf32, #tpu.memory_space<hbm>>)
      tpu.yield
    }) : () -> ()
    return
  }
}

module attributes {stable_mosaic.version = 14 : i64} {
  func.func @_tc_block(%arg0: i32, %arg1: i32, %arg2: memref<256x2048xf32, #tpu.memory_space<vmem>>, %arg3: memref<256x1xi32, #tpu.memory_space<vmem>>, %arg4: memref<256x1xf32, #tpu.memory_space<vmem>>, %arg5: memref<256x128xf32, #tpu.memory_space<vmem>>, %arg6: memref<256x128xf32, #tpu.memory_space<vmem>>, %arg7: memref<256x128xf32, #tpu.memory_space<vmem>>, %arg8: memref<256x128xf32, #tpu.memory_space<vmem>>, %arg9: memref<256x128xf32, #tpu.memory_space<vmem>>, %arg10: memref<256x128xf32, #tpu.memory_space<vmem>>, %arg11: memref<256x128xf32, #tpu.memory_space<vmem>>) attributes {dimension_semantics = [#tpu.dimension_semantics<arbitrary>, #tpu.dimension_semantics<arbitrary>], iteration_bounds = array<i64: 6, 49>, scalar_prefetch = 0 : i64, scratch_operands = 7 : i64, tpu.core_type = #tpu.core_type<tc>, window_params = [{transform_indices = @transform_0, window_bounds = array<i64: 256, 2048>}, {transform_indices = @transform_1, window_bounds = array<i64: 256, 1>}, {transform_indices = @transform_2, window_bounds = array<i64: 256, 1>}]} {
    %eq3A = arith.constant 0 : i32
    %eq3A_0 = arith.cmpi eq, %arg1, %eq3A : i32
    %convert_element_type3A = arith.extui %eq3A_0 : i1 to i32
    %cond3A = arith.constant 0 : i32
    %cond3A_1 = arith.cmpi ne, %convert_element_type3A, %cond3A : i32
    scf.if %cond3A_1 {
      %broadcast_in_dim3A_283 = arith.constant 0.000000e+00 : f32
      %broadcast_in_dim3A_284 = vector.broadcast %broadcast_in_dim3A_283 : f32 to vector<256x128xf32>
      %swap3A_285 = arith.constant 0 : index
      %swap3A_286 = arith.constant 0 : index
      %swap3A_287 = vector.load %arg5[%swap3A_285, %swap3A_286] : memref<256x128xf32, #tpu.memory_space<vmem>>, vector<256x128xf32>
      tpu.vector_store %arg5[%swap3A_285, %swap3A_286], %broadcast_in_dim3A_284 {strides = array<i32>} : memref<256x128xf32, #tpu.memory_space<vmem>>, vector<256x128xf32>,
      %broadcast_in_dim3A_288 = arith.constant 0.000000e+00 : f32
      %broadcast_in_dim3A_289 = vector.broadcast %broadcast_in_dim3A_288 : f32 to vector<256x128xf32>
      %swap3A_290 = arith.constant 0 : index
      %swap3A_291 = arith.constant 0 : index
      %swap3A_292 = vector.load %arg6[%swap3A_290, %swap3A_291] : memref<256x128xf32, #tpu.memory_space<vmem>>, vector<256x128xf32>
      tpu.vector_store %arg6[%swap3A_290, %swap3A_291], %broadcast_in_dim3A_289 {strides = array<i32>} : memref<256x128xf32, #tpu.memory_space<vmem>>, vector<256x128xf32>,
      %broadcast_in_dim3A_293 = arith.constant 0xFF800000 : f32
      %broadcast_in_dim3A_294 = vector.broadcast %broadcast_in_dim3A_293 : f32 to vector<256x128xf32>
      %swap3A_295 = arith.constant 0 : index
      %swap3A_296 = arith.constant 0 : index
      %swap3A_297 = vector.load %arg7[%swap3A_295, %swap3A_296] : memref<256x128xf32, #tpu.memory_space<vmem>>, vector<256x128xf32>
      tpu.vector_store %arg7[%swap3A_295, %swap3A_296], %broadcast_in_dim3A_294 {strides = array<i32>} : memref<256x128xf32, #tpu.memory_space<vmem>>, vector<256x128xf32>,
      %broadcast_in_dim3A_298 = arith.constant 0xFF800000 : f32
      %broadcast_in_dim3A_299 = vector.broadcast %broadcast_in_dim3A_298 : f32 to vector<256x128xf32>
      %swap3A_300 = arith.constant 0 : index
      %swap3A_301 = arith.constant 0 : index
      %swap3A_302 = vector.load %arg8[%swap3A_300, %swap3A_301] : memref<256x128xf32, #tpu.memory_space<vmem>>, vector<256x128xf32>
      tpu.vector_store %arg8[%swap3A_300, %swap3A_301], %broadcast_in_dim3A_299 {strides = array<i32>} : memref<256x128xf32, #tpu.memory_space<vmem>>, vector<256x128xf32>,
      %broadcast_in_dim3A_303 = arith.constant 0xFF800000 : f32
      %broadcast_in_dim3A_304 = vector.broadcast %broadcast_in_dim3A_303 : f32 to vector<256x128xf32>
      %swap3A_305 = arith.constant 0 : index
      %swap3A_306 = arith.constant 0 : index
      %swap3A_307 = vector.load %arg9[%swap3A_305, %swap3A_306] : memref<256x128xf32, #tpu.memory_space<vmem>>, vector<256x128xf32>
      tpu.vector_store %arg9[%swap3A_305, %swap3A_306], %broadcast_in_dim3A_304 {strides = array<i32>} : memref<256x128xf32, #tpu.memory_space<vmem>>, vector<256x128xf32>,
      %broadcast_in_dim3A_308 = arith.constant 0xFF800000 : f32
      %broadcast_in_dim3A_309 = vector.broadcast %broadcast_in_dim3A_308 : f32 to vector<256x128xf32>
      %swap3A_310 = arith.constant 0 : index
      %swap3A_311 = arith.constant 0 : index
      %swap3A_312 = vector.load %arg10[%swap3A_310, %swap3A_311] : memref<256x128xf32, #tpu.memory_space<vmem>>, vector<256x128xf32>
      tpu.vector_store %arg10[%swap3A_310, %swap3A_311], %broadcast_in_dim3A_309 {strides = array<i32>} : memref<256x128xf32, #tpu.memory_space<vmem>>, vector<256x128xf32>,
      %broadcast_in_dim3A_313 = arith.constant 0xFF800000 : f32
      %broadcast_in_dim3A_314 = vector.broadcast %broadcast_in_dim3A_313 : f32 to vector<256x128xf32>
      %swap3A_315 = arith.constant 0 : index
      %swap3A_316 = arith.constant 0 : index
      %swap3A_317 = vector.load %arg11[%swap3A_315, %swap3A_316] : memref<256x128xf32, #tpu.memory_space<vmem>>, vector<256x128xf32>
      tpu.vector_store %arg11[%swap3A_315, %swap3A_316], %broadcast_in_dim3A_314 {strides = array<i32>} : memref<256x128xf32, #tpu.memory_space<vmem>>, vector<256x128xf32>,
    } else {
    }
    %get3A = arith.constant 0 : index
    %get3A_2 = arith.constant 0 : index
    %get3A_3 = vector.load %arg2[%get3A, %get3A_2] : memref<256x2048xf32, #tpu.memory_space<vmem>>, vector<256x2048xf32>
    %mul3A = arith.constant 2048 : i32
    %mul3A_4 = arith.muli %arg1, %mul3A : i32
    %iota3A = tpu.iota {dimensions = array<i32: 1>} : vector<256x2048xi32>
    %add3A = vector.broadcast %mul3A_4 : i32 to vector<256x2048xi32>
    %add3A_5 = arith.addi %add3A, %iota3A : vector<256x2048xi32>
    %lt3A = arith.constant 100000 : i32
    %lt3A_6 = vector.broadcast %lt3A : i32 to vector<256x2048xi32>
    %lt3A_7 = arith.cmpi slt, %add3A_5, %lt3A_6 : vector<256x2048xi32>
    %jit3A = arith.constant 0xFF800000 : f32
    %broadcast_in_dim3A = vector.broadcast %jit3A : f32 to vector<256x2048xf32>
    %select_n3A = arith.select %lt3A_7, %get3A_3, %broadcast_in_dim3A : vector<256x2048xi1>, vector<256x2048xf32>
    %get3A_8 = arith.constant 0 : index
    %get3A_9 = arith.constant 0 : index
    %get3A_10 = vector.load %arg3[%get3A_8, %get3A_9] : memref<256x1xi32, #tpu.memory_space<vmem>>, vector<256x1xi32>
    %eq3A_11 = vector.broadcast %get3A_10 : vector<256x1xi32> to vector<256x2048xi32>
    %eq3A_12 = arith.cmpi eq, %add3A_5, %eq3A_11 : vector<256x2048xi32>
    %jit3A_13 = arith.constant 0.000000e+00 : f32
    %broadcast_in_dim3A_14 = vector.broadcast %jit3A_13 : f32 to vector<256x2048xf32>
    %select_n3A_15 = arith.select %eq3A_12, %select_n3A, %broadcast_in_dim3A_14 : vector<256x2048xi1>, vector<256x2048xf32>
    %exp3A = math.exp %select_n3A : vector<256x2048xf32>
    %get3A_16 = arith.constant 0 : index
    %get3A_17 = arith.constant 0 : index
    %get3A_18 = vector.load %arg5[%get3A_16, %get3A_17] : memref<256x128xf32, #tpu.memory_space<vmem>>, vector<256x128xf32>
    %get3A_19 = arith.constant 0 : index
    %get3A_20 = arith.constant 0 : index
    %get3A_21 = vector.load %arg6[%get3A_19, %get3A_20] : memref<256x128xf32, #tpu.memory_space<vmem>>, vector<256x128xf32>
    %get3A_22 = arith.constant 0 : index
    %get3A_23 = arith.constant 0 : index
    %get3A_24 = vector.load %arg7[%get3A_22, %get3A_23] : memref<256x128xf32, #tpu.memory_space<vmem>>, vector<256x128xf32>
    %get3A_25 = arith.constant 0 : index
    %get3A_26 = arith.constant 0 : index
    %get3A_27 = vector.load %arg8[%get3A_25, %get3A_26] : memref<256x128xf32, #tpu.memory_space<vmem>>, vector<256x128xf32>
    %get3A_28 = arith.constant 0 : index
    %get3A_29 = arith.constant 0 : index
    %get3A_30 = vector.load %arg9[%get3A_28, %get3A_29] : memref<256x128xf32, #tpu.memory_space<vmem>>, vector<256x128xf32>
    %get3A_31 = arith.constant 0 : index
    %get3A_32 = arith.constant 0 : index
    %get3A_33 = vector.load %arg10[%get3A_31, %get3A_32] : memref<256x128xf32, #tpu.memory_space<vmem>>, vector<256x128xf32>
    %get3A_34 = arith.constant 0 : index
    %get3A_35 = arith.constant 0 : index
    %get3A_36 = vector.load %arg11[%get3A_34, %get3A_35] : memref<256x128xf32, #tpu.memory_space<vmem>>, vector<256x128xf32>
    %slice3A = vector.extract_strided_slice %exp3A {offsets = [0, 0], sizes = [256, 128], strides = [1, 1]} : vector<256x2048xf32> to vector<256x128xf32>
    %add3A_37 = arith.addf %get3A_18, %slice3A : vector<256x128xf32>
    %slice3A_38 = vector.extract_strided_slice %select_n3A_15 {offsets = [0, 0], sizes = [256, 128], strides = [1, 1]} : vector<256x2048xf32> to vector<256x128xf32>
    %add3A_39 = arith.addf %get3A_21, %slice3A_38 : vector<256x128xf32>
    %slice3A_40 = vector.extract_strided_slice %select_n3A {offsets = [0, 0], sizes = [256, 128], strides = [1, 1]} : vector<256x2048xf32> to vector<256x128xf32>
    %min3A = arith.minimumf %get3A_24, %slice3A_40 : vector<256x128xf32>
    %max3A = arith.maximumf %get3A_24, %slice3A_40 : vector<256x128xf32>
    %min3A_41 = arith.minimumf %get3A_27, %min3A : vector<256x128xf32>
    %max3A_42 = arith.maximumf %get3A_27, %min3A : vector<256x128xf32>
    %min3A_43 = arith.minimumf %get3A_30, %min3A_41 : vector<256x128xf32>
    %max3A_44 = arith.maximumf %get3A_30, %min3A_41 : vector<256x128xf32>
    %min3A_45 = arith.minimumf %get3A_33, %min3A_43 : vector<256x128xf32>
    %max3A_46 = arith.maximumf %get3A_33, %min3A_43 : vector<256x128xf32>
    %max3A_47 = arith.maximumf %get3A_36, %min3A_45 : vector<256x128xf32>
    %slice3A_48 = vector.extract_strided_slice %exp3A {offsets = [0, 128], sizes = [256, 128], strides = [1, 1]} : vector<256x2048xf32> to vector<256x128xf32>
    %add3A_49 = arith.addf %add3A_37, %slice3A_48 : vector<256x128xf32>
    %slice3A_50 = vector.extract_strided_slice %select_n3A_15 {offsets = [0, 128], sizes = [256, 128], strides = [1, 1]} : vector<256x2048xf32> to vector<256x128xf32>
    %add3A_51 = arith.addf %add3A_39, %slice3A_50 : vector<256x128xf32>
    %slice3A_52 = vector.extract_strided_slice %select_n3A {offsets = [0, 128], sizes = [256, 128], strides = [1, 1]} : vector<256x2048xf32> to vector<256x128xf32>
    %min3A_53 = arith.minimumf %max3A, %slice3A_52 : vector<256x128xf32>
    %max3A_54 = arith.maximumf %max3A, %slice3A_52 : vector<256x128xf32>
    %min3A_55 = arith.minimumf %max3A_42, %min3A_53 : vector<256x128xf32>
    %max3A_56 = arith.maximumf %max3A_42, %min3A_53 : vector<256x128xf32>
    %min3A_57 = arith.minimumf %max3A_44, %min3A_55 : vector<256x128xf32>
    %max3A_58 = arith.maximumf %max3A_44, %min3A_55 : vector<256x128xf32>
    %min3A_59 = arith.minimumf %max3A_46, %min3A_57 : vector<256x128xf32>
    %max3A_60 = arith.maximumf %max3A_46, %min3A_57 : vector<256x128xf32>
    %max3A_61 = arith.maximumf %max3A_47, %min3A_59 : vector<256x128xf32>
    %slice3A_62 = vector.extract_strided_slice %exp3A {offsets = [0, 256], sizes = [256, 128], strides = [1, 1]} : vector<256x2048xf32> to vector<256x128xf32>
    %add3A_63 = arith.addf %add3A_49, %slice3A_62 : vector<256x128xf32>
    %slice3A_64 = vector.extract_strided_slice %select_n3A_15 {offsets = [0, 256], sizes = [256, 128], strides = [1, 1]} : vector<256x2048xf32> to vector<256x128xf32>
    %add3A_65 = arith.addf %add3A_51, %slice3A_64 : vector<256x128xf32>
    %slice3A_66 = vector.extract_strided_slice %select_n3A {offsets = [0, 256], sizes = [256, 128], strides = [1, 1]} : vector<256x2048xf32> to vector<256x128xf32>
    %min3A_67 = arith.minimumf %max3A_54, %slice3A_66 : vector<256x128xf32>
    %max3A_68 = arith.maximumf %max3A_54, %slice3A_66 : vector<256x128xf32>
    %min3A_69 = arith.minimumf %max3A_56, %min3A_67 : vector<256x128xf32>
    %max3A_70 = arith.maximumf %max3A_56, %min3A_67 : vector<256x128xf32>
    %min3A_71 = arith.minimumf %max3A_58, %min3A_69 : vector<256x128xf32>
    %max3A_72 = arith.maximumf %max3A_58, %min3A_69 : vector<256x128xf32>
    %min3A_73 = arith.minimumf %max3A_60, %min3A_71 : vector<256x128xf32>
    %max3A_74 = arith.maximumf %max3A_60, %min3A_71 : vector<256x128xf32>
    %max3A_75 = arith.maximumf %max3A_61, %min3A_73 : vector<256x128xf32>
    %slice3A_76 = vector.extract_strided_slice %exp3A {offsets = [0, 384], sizes = [256, 128], strides = [1, 1]} : vector<256x2048xf32> to vector<256x128xf32>
    %add3A_77 = arith.addf %add3A_63, %slice3A_76 : vector<256x128xf32>
    %slice3A_78 = vector.extract_strided_slice %select_n3A_15 {offsets = [0, 384], sizes = [256, 128], strides = [1, 1]} : vector<256x2048xf32> to vector<256x128xf32>
    %add3A_79 = arith.addf %add3A_65, %slice3A_78 : vector<256x128xf32>
    %slice3A_80 = vector.extract_strided_slice %select_n3A {offsets = [0, 384], sizes = [256, 128], strides = [1, 1]} : vector<256x2048xf32> to vector<256x128xf32>
    %min3A_81 = arith.minimumf %max3A_68, %slice3A_80 : vector<256x128xf32>
    %max3A_82 = arith.maximumf %max3A_68, %slice3A_80 : vector<256x128xf32>
    %min3A_83 = arith.minimumf %max3A_70, %min3A_81 : vector<256x128xf32>
    %max3A_84 = arith.maximumf %max3A_70, %min3A_81 : vector<256x128xf32>
    %min3A_85 = arith.minimumf %max3A_72, %min3A_83 : vector<256x128xf32>
    %max3A_86 = arith.maximumf %max3A_72, %min3A_83 : vector<256x128xf32>
    %min3A_87 = arith.minimumf %max3A_74, %min3A_85 : vector<256x128xf32>
    %max3A_88 = arith.maximumf %max3A_74, %min3A_85 : vector<256x128xf32>
    %max3A_89 = arith.maximumf %max3A_75, %min3A_87 : vector<256x128xf32>
    %slice3A_90 = vector.extract_strided_slice %exp3A {offsets = [0, 512], sizes = [256, 128], strides = [1, 1]} : vector<256x2048xf32> to vector<256x128xf32>
    %add3A_91 = arith.addf %add3A_77, %slice3A_90 : vector<256x128xf32>
    %slice3A_92 = vector.extract_strided_slice %select_n3A_15 {offsets = [0, 512], sizes = [256, 128], strides = [1, 1]} : vector<256x2048xf32> to vector<256x128xf32>
    %add3A_93 = arith.addf %add3A_79, %slice3A_92 : vector<256x128xf32>
    %slice3A_94 = vector.extract_strided_slice %select_n3A {offsets = [0, 512], sizes = [256, 128], strides = [1, 1]} : vector<256x2048xf32> to vector<256x128xf32>
    %min3A_95 = arith.minimumf %max3A_82, %slice3A_94 : vector<256x128xf32>
    %max3A_96 = arith.maximumf %max3A_82, %slice3A_94 : vector<256x128xf32>
    %min3A_97 = arith.minimumf %max3A_84, %min3A_95 : vector<256x128xf32>
    %max3A_98 = arith.maximumf %max3A_84, %min3A_95 : vector<256x128xf32>
    %min3A_99 = arith.minimumf %max3A_86, %min3A_97 : vector<256x128xf32>
    %max3A_100 = arith.maximumf %max3A_86, %min3A_97 : vector<256x128xf32>
    %min3A_101 = arith.minimumf %max3A_88, %min3A_99 : vector<256x128xf32>
    %max3A_102 = arith.maximumf %max3A_88, %min3A_99 : vector<256x128xf32>
    %max3A_103 = arith.maximumf %max3A_89, %min3A_101 : vector<256x128xf32>
    %slice3A_104 = vector.extract_strided_slice %exp3A {offsets = [0, 640], sizes = [256, 128], strides = [1, 1]} : vector<256x2048xf32> to vector<256x128xf32>
    %add3A_105 = arith.addf %add3A_91, %slice3A_104 : vector<256x128xf32>
    %slice3A_106 = vector.extract_strided_slice %select_n3A_15 {offsets = [0, 640], sizes = [256, 128], strides = [1, 1]} : vector<256x2048xf32> to vector<256x128xf32>
    %add3A_107 = arith.addf %add3A_93, %slice3A_106 : vector<256x128xf32>
    %slice3A_108 = vector.extract_strided_slice %select_n3A {offsets = [0, 640], sizes = [256, 128], strides = [1, 1]} : vector<256x2048xf32> to vector<256x128xf32>
    %min3A_109 = arith.minimumf %max3A_96, %slice3A_108 : vector<256x128xf32>
    %max3A_110 = arith.maximumf %max3A_96, %slice3A_108 : vector<256x128xf32>
    %min3A_111 = arith.minimumf %max3A_98, %min3A_109 : vector<256x128xf32>
    %max3A_112 = arith.maximumf %max3A_98, %min3A_109 : vector<256x128xf32>
    %min3A_113 = arith.minimumf %max3A_100, %min3A_111 : vector<256x128xf32>
    %max3A_114 = arith.maximumf %max3A_100, %min3A_111 : vector<256x128xf32>
    %min3A_115 = arith.minimumf %max3A_102, %min3A_113 : vector<256x128xf32>
    %max3A_116 = arith.maximumf %max3A_102, %min3A_113 : vector<256x128xf32>
    %max3A_117 = arith.maximumf %max3A_103, %min3A_115 : vector<256x128xf32>
    %slice3A_118 = vector.extract_strided_slice %exp3A {offsets = [0, 768], sizes = [256, 128], strides = [1, 1]} : vector<256x2048xf32> to vector<256x128xf32>
    %add3A_119 = arith.addf %add3A_105, %slice3A_118 : vector<256x128xf32>
    %slice3A_120 = vector.extract_strided_slice %select_n3A_15 {offsets = [0, 768], sizes = [256, 128], strides = [1, 1]} : vector<256x2048xf32> to vector<256x128xf32>
    %add3A_121 = arith.addf %add3A_107, %slice3A_120 : vector<256x128xf32>
    %slice3A_122 = vector.extract_strided_slice %select_n3A {offsets = [0, 768], sizes = [256, 128], strides = [1, 1]} : vector<256x2048xf32> to vector<256x128xf32>
    %min3A_123 = arith.minimumf %max3A_110, %slice3A_122 : vector<256x128xf32>
    %max3A_124 = arith.maximumf %max3A_110, %slice3A_122 : vector<256x128xf32>
    %min3A_125 = arith.minimumf %max3A_112, %min3A_123 : vector<256x128xf32>
    %max3A_126 = arith.maximumf %max3A_112, %min3A_123 : vector<256x128xf32>
    %min3A_127 = arith.minimumf %max3A_114, %min3A_125 : vector<256x128xf32>
    %max3A_128 = arith.maximumf %max3A_114, %min3A_125 : vector<256x128xf32>
    %min3A_129 = arith.minimumf %max3A_116, %min3A_127 : vector<256x128xf32>
    %max3A_130 = arith.maximumf %max3A_116, %min3A_127 : vector<256x128xf32>
    %max3A_131 = arith.maximumf %max3A_117, %min3A_129 : vector<256x128xf32>
    %slice3A_132 = vector.extract_strided_slice %exp3A {offsets = [0, 896], sizes = [256, 128], strides = [1, 1]} : vector<256x2048xf32> to vector<256x128xf32>
    %add3A_133 = arith.addf %add3A_119, %slice3A_132 : vector<256x128xf32>
    %slice3A_134 = vector.extract_strided_slice %select_n3A_15 {offsets = [0, 896], sizes = [256, 128], strides = [1, 1]} : vector<256x2048xf32> to vector<256x128xf32>
    %add3A_135 = arith.addf %add3A_121, %slice3A_134 : vector<256x128xf32>
    %slice3A_136 = vector.extract_strided_slice %select_n3A {offsets = [0, 896], sizes = [256, 128], strides = [1, 1]} : vector<256x2048xf32> to vector<256x128xf32>
    %min3A_137 = arith.minimumf %max3A_124, %slice3A_136 : vector<256x128xf32>
    %max3A_138 = arith.maximumf %max3A_124, %slice3A_136 : vector<256x128xf32>
    %min3A_139 = arith.minimumf %max3A_126, %min3A_137 : vector<256x128xf32>
    %max3A_140 = arith.maximumf %max3A_126, %min3A_137 : vector<256x128xf32>
    %min3A_141 = arith.minimumf %max3A_128, %min3A_139 : vector<256x128xf32>
    %max3A_142 = arith.maximumf %max3A_128, %min3A_139 : vector<256x128xf32>
    %min3A_143 = arith.minimumf %max3A_130, %min3A_141 : vector<256x128xf32>
    %max3A_144 = arith.maximumf %max3A_130, %min3A_141 : vector<256x128xf32>
    %max3A_145 = arith.maximumf %max3A_131, %min3A_143 : vector<256x128xf32>
    %slice3A_146 = vector.extract_strided_slice %exp3A {offsets = [0, 1024], sizes = [256, 128], strides = [1, 1]} : vector<256x2048xf32> to vector<256x128xf32>
    %add3A_147 = arith.addf %add3A_133, %slice3A_146 : vector<256x128xf32>
    %slice3A_148 = vector.extract_strided_slice %select_n3A_15 {offsets = [0, 1024], sizes = [256, 128], strides = [1, 1]} : vector<256x2048xf32> to vector<256x128xf32>
    %add3A_149 = arith.addf %add3A_135, %slice3A_148 : vector<256x128xf32>
    %slice3A_150 = vector.extract_strided_slice %select_n3A {offsets = [0, 1024], sizes = [256, 128], strides = [1, 1]} : vector<256x2048xf32> to vector<256x128xf32>
    %min3A_151 = arith.minimumf %max3A_138, %slice3A_150 : vector<256x128xf32>
    %max3A_152 = arith.maximumf %max3A_138, %slice3A_150 : vector<256x128xf32>
    %min3A_153 = arith.minimumf %max3A_140, %min3A_151 : vector<256x128xf32>
    %max3A_154 = arith.maximumf %max3A_140, %min3A_151 : vector<256x128xf32>
    %min3A_155 = arith.minimumf %max3A_142, %min3A_153 : vector<256x128xf32>
    %max3A_156 = arith.maximumf %max3A_142, %min3A_153 : vector<256x128xf32>
    %min3A_157 = arith.minimumf %max3A_144, %min3A_155 : vector<256x128xf32>
    %max3A_158 = arith.maximumf %max3A_144, %min3A_155 : vector<256x128xf32>
    %max3A_159 = arith.maximumf %max3A_145, %min3A_157 : vector<256x128xf32>
    %slice3A_160 = vector.extract_strided_slice %exp3A {offsets = [0, 1152], sizes = [256, 128], strides = [1, 1]} : vector<256x2048xf32> to vector<256x128xf32>
    %add3A_161 = arith.addf %add3A_147, %slice3A_160 : vector<256x128xf32>
    %slice3A_162 = vector.extract_strided_slice %select_n3A_15 {offsets = [0, 1152], sizes = [256, 128], strides = [1, 1]} : vector<256x2048xf32> to vector<256x128xf32>
    %add3A_163 = arith.addf %add3A_149, %slice3A_162 : vector<256x128xf32>
    %slice3A_164 = vector.extract_strided_slice %select_n3A {offsets = [0, 1152], sizes = [256, 128], strides = [1, 1]} : vector<256x2048xf32> to vector<256x128xf32>
    %min3A_165 = arith.minimumf %max3A_152, %slice3A_164 : vector<256x128xf32>
    %max3A_166 = arith.maximumf %max3A_152, %slice3A_164 : vector<256x128xf32>
    %min3A_167 = arith.minimumf %max3A_154, %min3A_165 : vector<256x128xf32>
    %max3A_168 = arith.maximumf %max3A_154, %min3A_165 : vector<256x128xf32>
    %min3A_169 = arith.minimumf %max3A_156, %min3A_167 : vector<256x128xf32>
    %max3A_170 = arith.maximumf %max3A_156, %min3A_167 : vector<256x128xf32>
    %min3A_171 = arith.minimumf %max3A_158, %min3A_169 : vector<256x128xf32>
    %max3A_172 = arith.maximumf %max3A_158, %min3A_169 : vector<256x128xf32>
    %max3A_173 = arith.maximumf %max3A_159, %min3A_171 : vector<256x128xf32>
    %slice3A_174 = vector.extract_strided_slice %exp3A {offsets = [0, 1280], sizes = [256, 128], strides = [1, 1]} : vector<256x2048xf32> to vector<256x128xf32>
    %add3A_175 = arith.addf %add3A_161, %slice3A_174 : vector<256x128xf32>
    %slice3A_176 = vector.extract_strided_slice %select_n3A_15 {offsets = [0, 1280], sizes = [256, 128], strides = [1, 1]} : vector<256x2048xf32> to vector<256x128xf32>
    %add3A_177 = arith.addf %add3A_163, %slice3A_176 : vector<256x128xf32>
    %slice3A_178 = vector.extract_strided_slice %select_n3A {offsets = [0, 1280], sizes = [256, 128], strides = [1, 1]} : vector<256x2048xf32> to vector<256x128xf32>
    %min3A_179 = arith.minimumf %max3A_166, %slice3A_178 : vector<256x128xf32>
    %max3A_180 = arith.maximumf %max3A_166, %slice3A_178 : vector<256x128xf32>
    %min3A_181 = arith.minimumf %max3A_168, %min3A_179 : vector<256x128xf32>
    %max3A_182 = arith.maximumf %max3A_168, %min3A_179 : vector<256x128xf32>
    %min3A_183 = arith.minimumf %max3A_170, %min3A_181 : vector<256x128xf32>
    %max3A_184 = arith.maximumf %max3A_170, %min3A_181 : vector<256x128xf32>
    %min3A_185 = arith.minimumf %max3A_172, %min3A_183 : vector<256x128xf32>
    %max3A_186 = arith.maximumf %max3A_172, %min3A_183 : vector<256x128xf32>
    %max3A_187 = arith.maximumf %max3A_173, %min3A_185 : vector<256x128xf32>
    %slice3A_188 = vector.extract_strided_slice %exp3A {offsets = [0, 1408], sizes = [256, 128], strides = [1, 1]} : vector<256x2048xf32> to vector<256x128xf32>
    %add3A_189 = arith.addf %add3A_175, %slice3A_188 : vector<256x128xf32>
    %slice3A_190 = vector.extract_strided_slice %select_n3A_15 {offsets = [0, 1408], sizes = [256, 128], strides = [1, 1]} : vector<256x2048xf32> to vector<256x128xf32>
    %add3A_191 = arith.addf %add3A_177, %slice3A_190 : vector<256x128xf32>
    %slice3A_192 = vector.extract_strided_slice %select_n3A {offsets = [0, 1408], sizes = [256, 128], strides = [1, 1]} : vector<256x2048xf32> to vector<256x128xf32>
    %min3A_193 = arith.minimumf %max3A_180, %slice3A_192 : vector<256x128xf32>
    %max3A_194 = arith.maximumf %max3A_180, %slice3A_192 : vector<256x128xf32>
    %min3A_195 = arith.minimumf %max3A_182, %min3A_193 : vector<256x128xf32>
    %max3A_196 = arith.maximumf %max3A_182, %min3A_193 : vector<256x128xf32>
    %min3A_197 = arith.minimumf %max3A_184, %min3A_195 : vector<256x128xf32>
    %max3A_198 = arith.maximumf %max3A_184, %min3A_195 : vector<256x128xf32>
    %min3A_199 = arith.minimumf %max3A_186, %min3A_197 : vector<256x128xf32>
    %max3A_200 = arith.maximumf %max3A_186, %min3A_197 : vector<256x128xf32>
    %max3A_201 = arith.maximumf %max3A_187, %min3A_199 : vector<256x128xf32>
    %slice3A_202 = vector.extract_strided_slice %exp3A {offsets = [0, 1536], sizes = [256, 128], strides = [1, 1]} : vector<256x2048xf32> to vector<256x128xf32>
    %add3A_203 = arith.addf %add3A_189, %slice3A_202 : vector<256x128xf32>
    %slice3A_204 = vector.extract_strided_slice %select_n3A_15 {offsets = [0, 1536], sizes = [256, 128], strides = [1, 1]} : vector<256x2048xf32> to vector<256x128xf32>
    %add3A_205 = arith.addf %add3A_191, %slice3A_204 : vector<256x128xf32>
    %slice3A_206 = vector.extract_strided_slice %select_n3A {offsets = [0, 1536], sizes = [256, 128], strides = [1, 1]} : vector<256x2048xf32> to vector<256x128xf32>
    %min3A_207 = arith.minimumf %max3A_194, %slice3A_206 : vector<256x128xf32>
    %max3A_208 = arith.maximumf %max3A_194, %slice3A_206 : vector<256x128xf32>
    %min3A_209 = arith.minimumf %max3A_196, %min3A_207 : vector<256x128xf32>
    %max3A_210 = arith.maximumf %max3A_196, %min3A_207 : vector<256x128xf32>
    %min3A_211 = arith.minimumf %max3A_198, %min3A_209 : vector<256x128xf32>
    %max3A_212 = arith.maximumf %max3A_198, %min3A_209 : vector<256x128xf32>
    %min3A_213 = arith.minimumf %max3A_200, %min3A_211 : vector<256x128xf32>
    %max3A_214 = arith.maximumf %max3A_200, %min3A_211 : vector<256x128xf32>
    %max3A_215 = arith.maximumf %max3A_201, %min3A_213 : vector<256x128xf32>
    %slice3A_216 = vector.extract_strided_slice %exp3A {offsets = [0, 1664], sizes = [256, 128], strides = [1, 1]} : vector<256x2048xf32> to vector<256x128xf32>
    %add3A_217 = arith.addf %add3A_203, %slice3A_216 : vector<256x128xf32>
    %slice3A_218 = vector.extract_strided_slice %select_n3A_15 {offsets = [0, 1664], sizes = [256, 128], strides = [1, 1]} : vector<256x2048xf32> to vector<256x128xf32>
    %add3A_219 = arith.addf %add3A_205, %slice3A_218 : vector<256x128xf32>
    %slice3A_220 = vector.extract_strided_slice %select_n3A {offsets = [0, 1664], sizes = [256, 128], strides = [1, 1]} : vector<256x2048xf32> to vector<256x128xf32>
    %min3A_221 = arith.minimumf %max3A_208, %slice3A_220 : vector<256x128xf32>
    %max3A_222 = arith.maximumf %max3A_208, %slice3A_220 : vector<256x128xf32>
    %min3A_223 = arith.minimumf %max3A_210, %min3A_221 : vector<256x128xf32>
    %max3A_224 = arith.maximumf %max3A_210, %min3A_221 : vector<256x128xf32>
    %min3A_225 = arith.minimumf %max3A_212, %min3A_223 : vector<256x128xf32>
    %max3A_226 = arith.maximumf %max3A_212, %min3A_223 : vector<256x128xf32>
    %min3A_227 = arith.minimumf %max3A_214, %min3A_225 : vector<256x128xf32>
    %max3A_228 = arith.maximumf %max3A_214, %min3A_225 : vector<256x128xf32>
    %max3A_229 = arith.maximumf %max3A_215, %min3A_227 : vector<256x128xf32>
    %slice3A_230 = vector.extract_strided_slice %exp3A {offsets = [0, 1792], sizes = [256, 128], strides = [1, 1]} : vector<256x2048xf32> to vector<256x128xf32>
    %add3A_231 = arith.addf %add3A_217, %slice3A_230 : vector<256x128xf32>
    %slice3A_232 = vector.extract_strided_slice %select_n3A_15 {offsets = [0, 1792], sizes = [256, 128], strides = [1, 1]} : vector<256x2048xf32> to vector<256x128xf32>
    %add3A_233 = arith.addf %add3A_219, %slice3A_232 : vector<256x128xf32>
    %slice3A_234 = vector.extract_strided_slice %select_n3A {offsets = [0, 1792], sizes = [256, 128], strides = [1, 1]} : vector<256x2048xf32> to vector<256x128xf32>
    %min3A_235 = arith.minimumf %max3A_222, %slice3A_234 : vector<256x128xf32>
    %max3A_236 = arith.maximumf %max3A_222, %slice3A_234 : vector<256x128xf32>
    %min3A_237 = arith.minimumf %max3A_224, %min3A_235 : vector<256x128xf32>
    %max3A_238 = arith.maximumf %max3A_224, %min3A_235 : vector<256x128xf32>
    %min3A_239 = arith.minimumf %max3A_226, %min3A_237 : vector<256x128xf32>
    %max3A_240 = arith.maximumf %max3A_226, %min3A_237 : vector<256x128xf32>
    %min3A_241 = arith.minimumf %max3A_228, %min3A_239 : vector<256x128xf32>
    %max3A_242 = arith.maximumf %max3A_228, %min3A_239 : vector<256x128xf32>
    %max3A_243 = arith.maximumf %max3A_229, %min3A_241 : vector<256x128xf32>
    %slice3A_244 = vector.extract_strided_slice %exp3A {offsets = [0, 1920], sizes = [256, 128], strides = [1, 1]} : vector<256x2048xf32> to vector<256x128xf32>
    %add3A_245 = arith.addf %add3A_231, %slice3A_244 : vector<256x128xf32>
    %slice3A_246 = vector.extract_strided_slice %select_n3A_15 {offsets = [0, 1920], sizes = [256, 128], strides = [1, 1]} : vector<256x2048xf32> to vector<256x128xf32>
    %add3A_247 = arith.addf %add3A_233, %slice3A_246 : vector<256x128xf32>
    %slice3A_248 = vector.extract_strided_slice %select_n3A {offsets = [0, 1920], sizes = [256, 128], strides = [1, 1]} : vector<256x2048xf32> to vector<256x128xf32>
    %min3A_249 = arith.minimumf %max3A_236, %slice3A_248 : vector<256x128xf32>
    %max3A_250 = arith.maximumf %max3A_236, %slice3A_248 : vector<256x128xf32>
    %min3A_251 = arith.minimumf %max3A_238, %min3A_249 : vector<256x128xf32>
    %max3A_252 = arith.maximumf %max3A_238, %min3A_249 : vector<256x128xf32>
    %min3A_253 = arith.minimumf %max3A_240, %min3A_251 : vector<256x128xf32>
    %max3A_254 = arith.maximumf %max3A_240, %min3A_251 : vector<256x128xf32>
    %min3A_255 = arith.minimumf %max3A_242, %min3A_253 : vector<256x128xf32>
    %max3A_256 = arith.maximumf %max3A_242, %min3A_253 : vector<256x128xf32>
    %max3A_257 = arith.maximumf %max3A_243, %min3A_255 : vector<256x128xf32>
    %swap3A = arith.constant 0 : index
    %swap3A_258 = arith.constant 0 : index
    %swap3A_259 = vector.load %arg5[%swap3A, %swap3A_258] : memref<256x128xf32, #tpu.memory_space<vmem>>, vector<256x128xf32>
    tpu.vector_store %arg5[%swap3A, %swap3A_258], %add3A_245 {strides = array<i32>} : memref<256x128xf32, #tpu.memory_space<vmem>>, vector<256x128xf32>,
    %swap3A_260 = arith.constant 0 : index
    %swap3A_261 = arith.constant 0 : index
    %swap3A_262 = vector.load %arg6[%swap3A_260, %swap3A_261] : memref<256x128xf32, #tpu.memory_space<vmem>>, vector<256x128xf32>
    tpu.vector_store %arg6[%swap3A_260, %swap3A_261], %add3A_247 {strides = array<i32>} : memref<256x128xf32, #tpu.memory_space<vmem>>, vector<256x128xf32>,
    %swap3A_263 = arith.constant 0 : index
    %swap3A_264 = arith.constant 0 : index
    %swap3A_265 = vector.load %arg7[%swap3A_263, %swap3A_264] : memref<256x128xf32, #tpu.memory_space<vmem>>, vector<256x128xf32>
    tpu.vector_store %arg7[%swap3A_263, %swap3A_264], %max3A_250 {strides = array<i32>} : memref<256x128xf32, #tpu.memory_space<vmem>>, vector<256x128xf32>,
    %swap3A_266 = arith.constant 0 : index
    %swap3A_267 = arith.constant 0 : index
    %swap3A_268 = vector.load %arg8[%swap3A_266, %swap3A_267] : memref<256x128xf32, #tpu.memory_space<vmem>>, vector<256x128xf32>
    tpu.vector_store %arg8[%swap3A_266, %swap3A_267], %max3A_252 {strides = array<i32>} : memref<256x128xf32, #tpu.memory_space<vmem>>, vector<256x128xf32>,
    %swap3A_269 = arith.constant 0 : index
    %swap3A_270 = arith.constant 0 : index
    %swap3A_271 = vector.load %arg9[%swap3A_269, %swap3A_270] : memref<256x128xf32, #tpu.memory_space<vmem>>, vector<256x128xf32>
    tpu.vector_store %arg9[%swap3A_269, %swap3A_270], %max3A_254 {strides = array<i32>} : memref<256x128xf32, #tpu.memory_space<vmem>>, vector<256x128xf32>,
    %swap3A_272 = arith.constant 0 : index
    %swap3A_273 = arith.constant 0 : index
    %swap3A_274 = vector.load %arg10[%swap3A_272, %swap3A_273] : memref<256x128xf32, #tpu.memory_space<vmem>>, vector<256x128xf32>
    tpu.vector_store %arg10[%swap3A_272, %swap3A_273], %max3A_256 {strides = array<i32>} : memref<256x128xf32, #tpu.memory_space<vmem>>, vector<256x128xf32>,
    %swap3A_275 = arith.constant 0 : index
    %swap3A_276 = arith.constant 0 : index
    %swap3A_277 = vector.load %arg11[%swap3A_275, %swap3A_276] : memref<256x128xf32, #tpu.memory_space<vmem>>, vector<256x128xf32>
    tpu.vector_store %arg11[%swap3A_275, %swap3A_276], %max3A_257 {strides = array<i32>} : memref<256x128xf32, #tpu.memory_space<vmem>>, vector<256x128xf32>,
    %eq3A_278 = arith.constant 48 : i32
    %eq3A_279 = arith.cmpi eq, %arg1, %eq3A_278 : i32
    %convert_element_type3A_280 = arith.extui %eq3A_279 : i1 to i32
    %cond3A_281 = arith.constant 0 : i32
    %cond3A_282 = arith.cmpi ne, %convert_element_type3A_280, %cond3A_281 : i32
    scf.if %cond3A_282 {
      %get3A_283 = arith.constant 0 : index
      %get3A_284 = arith.constant 0 : index
      %get3A_285 = vector.load %arg5[%get3A_283, %get3A_284] : memref<256x128xf32, #tpu.memory_space<vmem>>, vector<256x128xf32>
      %reduce_sum3A = arith.constant dense<0.000000e+00> : vector<256xf32>
      %reduce_sum3A_286 = vector.multi_reduction <add>, %get3A_285, %reduce_sum3A [1] : vector<256x128xf32> to vector<256xf32>
      %broadcast_in_dim3A_287 = vector.shape_cast %reduce_sum3A_286 : vector<256xf32> to vector<256x1xf32>
      %get3A_288 = arith.constant 0 : index
      %get3A_289 = arith.constant 0 : index
      %get3A_290 = vector.load %arg6[%get3A_288, %get3A_289] : memref<256x128xf32, #tpu.memory_space<vmem>>, vector<256x128xf32>
      %reduce_sum3A_291 = arith.constant dense<0.000000e+00> : vector<256xf32>
      %reduce_sum3A_292 = vector.multi_reduction <add>, %get3A_290, %reduce_sum3A_291 [1] : vector<256x128xf32> to vector<256xf32>
      %broadcast_in_dim3A_293 = vector.shape_cast %reduce_sum3A_292 : vector<256xf32> to vector<256x1xf32>
      %get3A_294 = arith.constant 0 : index
      %get3A_295 = arith.constant 0 : index
      %get3A_296 = vector.load %arg7[%get3A_294, %get3A_295] : memref<256x128xf32, #tpu.memory_space<vmem>>, vector<256x128xf32>
      %get3A_297 = arith.constant 0 : index
      %get3A_298 = arith.constant 0 : index
      %get3A_299 = vector.load %arg8[%get3A_297, %get3A_298] : memref<256x128xf32, #tpu.memory_space<vmem>>, vector<256x128xf32>
      %get3A_300 = arith.constant 0 : index
      %get3A_301 = arith.constant 0 : index
      %get3A_302 = vector.load %arg9[%get3A_300, %get3A_301] : memref<256x128xf32, #tpu.memory_space<vmem>>, vector<256x128xf32>
      %get3A_303 = arith.constant 0 : index
      %get3A_304 = arith.constant 0 : index
      %get3A_305 = vector.load %arg10[%get3A_303, %get3A_304] : memref<256x128xf32, #tpu.memory_space<vmem>>, vector<256x128xf32>
      %get3A_306 = arith.constant 0 : index
      %get3A_307 = arith.constant 0 : index
      %get3A_308 = vector.load %arg11[%get3A_306, %get3A_307] : memref<256x128xf32, #tpu.memory_space<vmem>>, vector<256x128xf32>
      %concatenate3A = tpu.concatenate %get3A_296, %get3A_299, %get3A_302, %get3A_305, %get3A_308 in 1 : vector<256x128xf32>, vector<256x128xf32>, vector<256x128xf32>, vector<256x128xf32>, vector<256x128xf32> -> vector<256x640xf32>
      %reduce_max3A = arith.constant dense<0xFF800000> : vector<256xf32>
      %reduce_max3A_309 = vector.multi_reduction <maximumf>, %concatenate3A, %reduce_max3A [1] : vector<256x640xf32> to vector<256xf32>
      %broadcast_in_dim3A_310 = vector.shape_cast %reduce_max3A_309 : vector<256xf32> to vector<256x1xf32>
      %eq3A_311 = vector.broadcast %broadcast_in_dim3A_310 : vector<256x1xf32> to vector<256x640xf32>
      %eq3A_312 = arith.cmpf oeq, %concatenate3A, %eq3A_311 : vector<256x640xf32>
      %jit3A_313 = arith.constant 0xFF800000 : f32
      %broadcast_in_dim3A_314 = vector.broadcast %jit3A_313 : f32 to vector<256x640xf32>
      %select_n3A_315 = arith.select %eq3A_312, %broadcast_in_dim3A_314, %concatenate3A : vector<256x640xi1>, vector<256x640xf32>
      %reduce_max3A_316 = arith.constant dense<0xFF800000> : vector<256xf32>
      %reduce_max3A_317 = vector.multi_reduction <maximumf>, %select_n3A_315, %reduce_max3A_316 [1] : vector<256x640xf32> to vector<256xf32>
      %broadcast_in_dim3A_318 = vector.shape_cast %reduce_max3A_317 : vector<256xf32> to vector<256x1xf32>
      %eq3A_319 = vector.broadcast %broadcast_in_dim3A_318 : vector<256x1xf32> to vector<256x640xf32>
      %eq3A_320 = arith.cmpf oeq, %select_n3A_315, %eq3A_319 : vector<256x640xf32>
      %jit3A_321 = arith.constant 0xFF800000 : f32
      %broadcast_in_dim3A_322 = vector.broadcast %jit3A_321 : f32 to vector<256x640xf32>
      %select_n3A_323 = arith.select %eq3A_320, %broadcast_in_dim3A_322, %select_n3A_315 : vector<256x640xi1>, vector<256x640xf32>
      %reduce_max3A_324 = arith.constant dense<0xFF800000> : vector<256xf32>
      %reduce_max3A_325 = vector.multi_reduction <maximumf>, %select_n3A_323, %reduce_max3A_324 [1] : vector<256x640xf32> to vector<256xf32>
      %broadcast_in_dim3A_326 = vector.shape_cast %reduce_max3A_325 : vector<256xf32> to vector<256x1xf32>
      %eq3A_327 = vector.broadcast %broadcast_in_dim3A_326 : vector<256x1xf32> to vector<256x640xf32>
      %eq3A_328 = arith.cmpf oeq, %select_n3A_323, %eq3A_327 : vector<256x640xf32>
      %jit3A_329 = arith.constant 0xFF800000 : f32
      %broadcast_in_dim3A_330 = vector.broadcast %jit3A_329 : f32 to vector<256x640xf32>
      %select_n3A_331 = arith.select %eq3A_328, %broadcast_in_dim3A_330, %select_n3A_323 : vector<256x640xi1>, vector<256x640xf32>
      %reduce_max3A_332 = arith.constant dense<0xFF800000> : vector<256xf32>
      %reduce_max3A_333 = vector.multi_reduction <maximumf>, %select_n3A_331, %reduce_max3A_332 [1] : vector<256x640xf32> to vector<256xf32>
      %broadcast_in_dim3A_334 = vector.shape_cast %reduce_max3A_333 : vector<256xf32> to vector<256x1xf32>
      %eq3A_335 = vector.broadcast %broadcast_in_dim3A_334 : vector<256x1xf32> to vector<256x640xf32>
      %eq3A_336 = arith.cmpf oeq, %select_n3A_331, %eq3A_335 : vector<256x640xf32>
      %jit3A_337 = arith.constant 0xFF800000 : f32
      %broadcast_in_dim3A_338 = vector.broadcast %jit3A_337 : f32 to vector<256x640xf32>
      %select_n3A_339 = arith.select %eq3A_336, %broadcast_in_dim3A_338, %select_n3A_331 : vector<256x640xi1>, vector<256x640xf32>
      %reduce_max3A_340 = arith.constant dense<0xFF800000> : vector<256xf32>
      %reduce_max3A_341 = vector.multi_reduction <maximumf>, %select_n3A_339, %reduce_max3A_340 [1] : vector<256x640xf32> to vector<256xf32>
      %broadcast_in_dim3A_342 = vector.shape_cast %reduce_max3A_341 : vector<256xf32> to vector<256x1xf32>
      %exp3A_343 = math.exp %broadcast_in_dim3A_310 : vector<256x1xf32>
      %add3A_344 = arith.constant 0.000000e+00 : f32
      %add3A_345 = vector.broadcast %add3A_344 : f32 to vector<256x1xf32>
      %add3A_346 = arith.addf %add3A_345, %exp3A_343 : vector<256x1xf32>
      %exp3A_347 = math.exp %broadcast_in_dim3A_318 : vector<256x1xf32>
      %add3A_348 = arith.addf %add3A_346, %exp3A_347 : vector<256x1xf32>
      %exp3A_349 = math.exp %broadcast_in_dim3A_326 : vector<256x1xf32>
      %add3A_350 = arith.addf %add3A_348, %exp3A_349 : vector<256x1xf32>
      %exp3A_351 = math.exp %broadcast_in_dim3A_334 : vector<256x1xf32>
      %add3A_352 = arith.addf %add3A_350, %exp3A_351 : vector<256x1xf32>
      %exp3A_353 = math.exp %broadcast_in_dim3A_342 : vector<256x1xf32>
      %add3A_354 = arith.addf %add3A_352, %exp3A_353 : vector<256x1xf32>
      %exp3A_355 = math.exp %broadcast_in_dim3A_293 : vector<256x1xf32>
      %div3A = arith.divf %exp3A_355, %broadcast_in_dim3A_287 : vector<256x1xf32>
      %ge3A = arith.cmpf oge, %broadcast_in_dim3A_293, %broadcast_in_dim3A_342 : vector<256x1xf32>
      %convert_element_type3A_356 = arith.extui %ge3A : vector<256x1xi1> to vector<256x1xi32>
      %convert_element_type3A_357 = arith.sitofp %convert_element_type3A_356 : vector<256x1xi32> to vector<256x1xf32>
      %sub3A = arith.constant 5.000000e+00 : f32
      %sub3A_358 = vector.broadcast %sub3A : f32 to vector<256x1xf32>
      %sub3A_359 = arith.subf %sub3A_358, %convert_element_type3A_357 : vector<256x1xf32>
      %mul3A_360 = arith.constant 5.000000e+00 : f32
      %mul3A_361 = vector.broadcast %mul3A_360 : f32 to vector<256x1xf32>
      %mul3A_362 = arith.mulf %mul3A_361, %div3A : vector<256x1xf32>
      %div3A_363 = arith.divf %add3A_354, %broadcast_in_dim3A_287 : vector<256x1xf32>
      %sub3A_364 = arith.subf %mul3A_362, %div3A_363 : vector<256x1xf32>
      %neg3A = arith.constant 0.000000e+00 : f32
      %neg3A_365 = vector.broadcast %neg3A : f32 to vector<256x1xf32>
      %neg3A_366 = arith.subf %neg3A_365, %sub3A_364 : vector<256x1xf32>
      %div3A_367 = arith.divf %neg3A_366, %sub3A_359 : vector<256x1xf32>
      %swap3A_368 = arith.constant 0 : index
      %swap3A_369 = arith.constant 0 : index
      %swap3A_370 = vector.load %arg4[%swap3A_368, %swap3A_369] : memref<256x1xf32, #tpu.memory_space<vmem>>, vector<256x1xf32>
      tpu.vector_store %arg4[%swap3A_368, %swap3A_369], %div3A_367 {strides = array<i32>} : memref<256x1xf32, #tpu.memory_space<vmem>>, vector<256x1xf32>,
    } else {
    }
    return
  }
  func.func @transform_0(%arg0: i32, %arg1: i32) -> (i32, i32) {
    %c0_i32 = arith.constant 0 : i32
    return %arg0, %arg1 : i32, i32
  }
  func.func @transform_1(%arg0: i32, %arg1: i32) -> (i32, i32) {
    %c0_i32 = arith.constant 0 : i32
    %c0_i32_0 = arith.constant 0 : i32
    return %arg0, %c0_i32 : i32, i32
  }
  func.func @transform_2(%arg0: i32, %arg1: i32) -> (i32, i32) {
    %c0_i32 = arith.constant 0 : i32
    %c0_i32_0 = arith.constant 0 : i32
    return %arg0, %c0_i32 : i32, i32
  }
}

</mosaic_0001>

<sc_bundles>
// kernel: kernel.4.cloned.1.call-start
scs
__scs_entry_jumppad:
0x0: {  	(pc) =	sbr.rel $0x88, $3  }
0x1: {  	(tag) =	ssettag $0x0;
	lr =	simm.s32 $0x1  }
0x2: {  	[smem:$0x3F9F] =	sst lr;
	_ =	strace $0xD0000000  }
0x3: {  	_ = 	snop  }
0x4: {  	_ = 	snop  }
0x5: {  	_ = 	snop  }
0x6: {  	_ = 	snop  }
0x7: {  	_ = 	snop  }
__scs_overlays_trampoline_lowered:
0x8: {  	[smem:$0x3FAE] =	sst s0  }
0x9: {  	[smem:$0x3FAF] =	sst s1  }
0xa: {  	[smem:$0x3FB0] =	sst s2  }
0xb: {  	[smem:$0x3FB1] =	sst s3  }
0xc: {  	[smem:$0x3FB2] =	sst s4  }
0xd: {  	[smem:$0x3FB3] =	sst s5  }
0xe: {  	[smem:$0x3FB4] =	sst s6  }
0xf: {  	[smem:$0x3FB5] =	sst s7  }
0x10: {  	[smem:$0x3FB6] =	sst s8  }
0x11: {  	[smem:$0x3FB7] =	sst s9;
	s0 =	simm.s32 @!p0 $0x0  }
0x12: {  	s1 =	sld [smem:$0x3F9D];
	s0 =	simm.s32 @p0 $0x1  }
0x13: {  	[smem:$0x3FB8] =	sst s0;
	s0 =	simm.s32 @!p1 $0x0  }
0x14: {  	s2 =	sld [smem:$0x3F9C];
	s0 =	simm.s32 @p1 $0x1  }
0x15: {  	[smem:$0x3FB9] =	sst s0;
	s0 =	simm.s32 @!p2 $0x0  }
0x16: {  	s3 =	sld [smem:$0x3FDB];
	s0 =	simm.s32 @p2 $0x1  }
0x17: {  	s4 =	simm.s32 $0x1BF5;
	[smem:$0x3FBB] =	sst s0  }
0x18: {  	s0 =	sld [smem:$0x3F9E];
	_ =	swait.ge [sflag:s4], $0x0  }
0x19: {  	s7 =	sld [smem:$0x3F9F]  }
0x1a: {  	s8 =	sadd.s32 $0xFFFFE003, lr  }
0x1b: {  	s9 =	sadd.s32 $0xFFFFFEF7, lr;
	s5 =	simm.s32 $0xFFFFFFFF;
	p2 =	slt.u32 s8, $0xFFFFF086  }
0x1c: {  	p1 =	slt.u32 s9, $0xF7A;
	s5 =	simm.s32 @!p2 $0x0  }
0x1d: {  	s5 =	simm.s32 @p1 $0x1;
	p0 =	seq.s32 s7, s2  }
0x1e: {  	s7 =	smul.u32 @!p0 $0xF7A, s2;
	p2 =	seq.s32 @!p0 s5, $0x0  }
0x1f: {  	s9 =	smul.u32 $0xF7A, s1;
	s8 =	simm.s32 @!p0 $0x1BF5;
	p2 =	por !p2, p0  }
0x20: {  	[sflag:s8] =	ssyncset.s32 @!p0 $0xFFFFF086;
	s6 =	sadd.s32 @!p0 s3, s7;
	s7 =	simm.s32 @!p0 $0x108  }
0x21: {  	s3 =	sadd.s32 s3, s9;
	s6 =	sadd.s32 @!p0 $0x88, s6;
	s7 =	simm.s32 @p2 $0x1082  }
0x22: {  	[simem:s7], [sflag:s8] =	dma.local @!p0 [hbm:s6], $0xF7A  }
0x23: {  	s9 =	sor.u32 $0xD0000000, s2;
	s6 =	simm.s32 $0x108;
	_ =	swait.ge @!p0 [sflag:s8], $0x0  }
0x24: {  	s3 =	sadd.s32 $0x88, s3;
	s6 =	simm.s32 @!p1 $0x1082;
	[sflag:s4] =	ssyncset.s32 $0xFFFFF086  }
0x25: {  	[simem:s6], [sflag:s4] =	dma.local [hbm:s3], $0xF7A  }
0x26: {  	[smem:$0x3F9F] =	sst s1;
	(tag) =	ssettag s2;
	_ =	strace s9  }
0x27: {  	s1 =	sld [smem:$0x3FAF]  }
0x28: {  	s2 =	sld [smem:$0x3FB0]  }
0x29: {  	s4 =	sld [smem:$0x3FB2]  }
0x2a: {  	p0 =	seq.s32 s5, $0x0;
	s5 =	sld [smem:$0x3FB3]  }
0x2b: {  	s6 =	sld [smem:$0x3FB4]  }
0x2c: {  	s7 =	sld [smem:$0x3FB5]  }
0x2d: {  	s3 =	simm.s32 $0x108;
	s8 =	sld [smem:$0x3FB6]  }
0x2e: {  	s3 =	simm.s32 @!p0 $0x1082;
	s9 =	sld [smem:$0x3FB7]  }
0x2f: {  	lr =	sadd.s32 s0, s3;
	s0 =	sld [smem:$0x3FAE]  }
0x30: {  	s3 =	sld [smem:$0x3FB1]  }
0x31: {  	[smem:$0x3FBA] =	sst s10  }
0x32: {  	s10 =	sld [smem:$0x3FB8];
	_ =	sdelay $0x3  }
0x33: {  	p0 =	seq.s32 s10, $0x1;
	s10 =	sld [smem:$0x3FBA];
	_ =	sdelay $0x3  }
0x34: {  	[smem:$0x3FBA] =	sst s10  }
0x35: {  	s10 =	sld [smem:$0x3FB9];
	_ =	sdelay $0x3  }
0x36: {  	p1 =	seq.s32 s10, $0x1;
	s10 =	sld [smem:$0x3FBA];
	_ =	sdelay $0x3  }
0x37: {  	[smem:$0x3FBA] =	sst s10  }
0x38: {  	s10 =	sld [smem:$0x3FBB]  }
0x39: {  	_ = 	snop;
	(pc) =	sbr.ind lr, $3  }
0x3a: {  	_ = 	snop  }
0x3b: {  	_ = 	snop  }
0x3c: {  	p2 =	seq.s32 s10, $0x1;
	s10 =	sld [smem:$0x3FBA]  }
0x3d: {  	_ =	shalt  }
0x3e: {  	_ =	shalt  }
0x3f: {  	_ =	shalt  }
0x40: {  	_ =	shalt  }
0x41: {  	_ =	shalt  }
0x42: {  	_ =	shalt  }
0x43: {  	_ =	shalt  }
0x44: {  	_ =	shalt  }
0x45: {  	_ =	shalt  }
0x46: {  	_ =	shalt  }
0x47: {  	_ =	shalt  }
0x48: {  	_ =	shalt  }
0x49: {  	_ =	shalt  }
0x4a: {  	_ =	shalt  }
0x4b: {  	_ =	shalt  }
0x4c: {  	_ =	shalt  }
0x4d: {  	_ =	shalt  }
0x4e: {  	_ =	shalt  }
0x4f: {  	_ =	shalt  }
0x50: {  	_ =	shalt  }
0x51: {  	_ =	shalt  }
0x52: {  	_ =	shalt  }
0x53: {  	_ =	shalt  }
0x54: {  	_ =	shalt  }
0x55: {  	_ =	shalt  }
0x56: {  	_ =	shalt  }
0x57: {  	_ =	shalt  }
0x58: {  	_ =	shalt  }
0x59: {  	_ =	shalt  }
0x5a: {  	_ =	shalt  }
0x5b: {  	_ =	shalt  }
0x5c: {  	_ =	shalt  }
0x5d: {  	_ =	shalt  }
0x5e: {  	_ =	shalt  }
0x5f: {  	_ =	shalt  }
0x60: {  	_ =	shalt  }
0x61: {  	_ =	shalt  }
0x62: {  	_ =	shalt  }
0x63: {  	_ =	shalt  }
0x64: {  	_ =	shalt  }
0x65: {  	_ =	shalt  }
0x66: {  	_ =	shalt  }
0x67: {  	_ =	shalt  }
0x68: {  	_ =	shalt  }
0x69: {  	_ =	shalt  }
0x6a: {  	_ =	shalt  }
0x6b: {  	_ =	shalt  }
0x6c: {  	_ =	shalt  }
0x6d: {  	_ =	shalt  }
0x6e: {  	_ =	shalt  }
0x6f: {  	_ =	shalt  }
0x70: {  	_ =	shalt  }
0x71: {  	_ =	shalt  }
0x72: {  	_ =	shalt  }
0x73: {  	_ =	shalt  }
0x74: {  	_ =	shalt  }
0x75: {  	_ =	shalt  }
0x76: {  	_ =	shalt  }
0x77: {  	_ =	shalt  }
0x78: {  	_ =	shalt  }
0x79: {  	_ =	shalt  }
0x7a: {  	_ =	shalt  }
0x7b: {  	_ =	shalt  }
0x7c: {  	_ =	shalt  }
0x7d: {  	_ =	shalt  }
0x7e: {  	_ =	shalt  }
0x7f: {  	_ =	shalt  }
0x80: {  	_ =	shalt  }
0x81: {  	_ =	shalt  }
0x82: {  	_ =	shalt  }
0x83: {  	_ =	shalt  }
0x84: {  	_ =	shalt  }
0x85: {  	_ =	shalt  }
0x86: {  	_ =	shalt  }
0x87: {  	_ =	shalt  }
.Lfunc_end0:
.L_simem_size_0:
called_computation_lowered:
.L_overlay_start_0:
0x88: {  	s2 =	sld [smem:$0x3FD9]  }
0x89: {  	s3 =	sld [smem:$0x3FFE];
	_ =	sdelay $0x1  }
0x8a: {  	s1 =	srdreg.scid  }
0x8b: {  	s0 =	sand.u32 $0x1, s1  }
0x8c: {  	s16 =	sshll.u32 s0, $0xA;
	s2 =	sadd.s32 s3, s2  }
0x8d: {  	s2 =	sadd.s32 s2, s16  }
0x8e: {  	[smem:$0x3FC6] =	sst s2  }
0x8f: {  	_ = 	snop  }
0x90: {  	(tm) =	ssettm $0x1  }
0x91: {  	s17 =	sld [smem:$0x3FFB];
	_ =	sdelay $0x3  }
0x92: {  	_ =	strace s17  }
0x93: {  	s2 =	sld [smem:$0x3FFC];
	_ =	sdelay $0x3  }
0x94: {  	_ =	strace s2  }
0x95: {  	s2 =	sld [smem:$0x3FFD];
	_ =	sdelay $0x3  }
0x96: {  	_ =	strace s2  }
0x97: {  	_ =	strace $0x8FFFFFFF  }
0x98: {  	s18 =	sld [smem:$0x3FDB];
	_ =	sdelay $0x1  }
0x99: {  	s19 =	simm.s32 $_scs_section_size  }
0x9a: {  	s4 =	simm.s32 $_size__tile_overlayer_lowered;
	s5 =	simm.s32 $_tile_overlayer_lowered  }
0x9b: {  	s22 =	simm.s32 $0x1BFF;
	s21 =	sshll.u32 s5, $0x1;
	s2 =	sadd.s32 s19, s18  }
0x9c: {  	s6 =	simm.s32 $0x0;
	s20 =	sshll.u32 s4, $0x1;
	s4 =	sadd.s32 s21, s2  }
0x9d: {  	[timem:s6], [sflag:s22] =	dma.local [hbm:s4], s20  }
0x9e: {  	_ =	swait.ge [sflag:s22], s20  }
0x9f: {  	s3 =	ssub.s32 $0x0, s20;
	[sflag:s22] =	ssyncset.done $0x0  }
0xa0: {  	[sflag:s22] =	ssyncadd.s32 s3;
	_ =	sdelay $0x1  }
0xa1: {  	s23 =	simm.s32 $0x1B8B  }
0xa2: {  	_ =	swait.ge [sflag:s23], $0x1  }
0xa3: {  	[sflag:s23] =	ssyncset.done $0x0  }
0xa4: {  	s25 =	simm.s32 $0x1B8E;
	s24 =	sld [smem:$0x3FFE];
	[sflag:s23] =	ssyncadd.s32 $0xFFFFFFFF  }
0xa5: {  	s26 =	simm.s32 $execute0_lowered;
	[smem:$0x3FD2] =	sst s25  }
0xa6: {  	s4 =	sshll.u32 s26, $0x1;
	_ =	strace $0x80000046;
	[dreg:$0x1] =	wrdreg $0xFFFFFFFF  }
0xa7: {  	s28 =	simm.s32 $_size_execute0_lowered;
	s2 =	sadd.s32 s2, s4;
	[dreg:$0x0] =	wrdreg $0x0  }
0xa8: {  	s4 =	sshll.u32 s28, $0x1;
	[dreg:$0x2] =	wrdreg s2  }
0xa9: {  	[dreg:$0x3] =	wrdreg s4  }
0xaa: {  	[dreg:$0x4] =	wrdreg $0xC0  }
0xab: {  	_ =	task [dreg:s6], $0x5FFFF  }
0xac: {  	[dreg:$0x1] =	wrdreg $0xFFFFFFFF  }
0xad: {  	[dreg:$0x0] =	wrdreg $0x60  }
0xae: {  	[dreg:$0x2] =	wrdreg s24  }
0xaf: {  	[dreg:$0x3] =	wrdreg $0x9  }
0xb0: {  	_ =	task.clear_ibuf [dreg:s6], $0x4FFFF;
	_ =	strace $0x90000046  }
0xb1: {  	s29 =	simm.s32 $0x9;
	_ =	strace $0x80000048  }
0xb2: {  	_ =	swait.ge [sflag:s29], $0x1  }
0xb3: {  	[sflag:s29] =	ssyncadd.s32 $0xFFFFFFFF  }
0xb4: {  	_ =	strace $0x90000048  }
0xb5: {  	_ =	sfence  }
0xb6: {  	s30 =	sld [smem:$0x0];
	_ =	sdelay $0x2  }
0xb7: {  	s31 =	sshll.u32 s1, $0xD;
	s1 =	sshrl.u32 s1, $0x2  }
0xb8: {  	s3 =	sand.u32 $0x4000, s31;
	s1 =	sadd.s32 s1, s30  }
0xb9: {  	s0 =	sor.u32 s3, s0;
	s1 =	sshll.u32 s1, $0x11  }
0xba: {  	s0 =	sor.u32 s1, s0  }
0xbb: {  	s0 =	sadd.s32 $0x8F2B, s0  }
0xbc: {  	[sflag:s0] =	ssyncadd.remote.s32 $0x1  }
0xbd: {  	_ =	sfence.sel $0xFFFF  }
0xbe: {  	[dreg:$0x0] =	wrdreg $0xFFFFFFFF;
	(pc) =	sbr.abs _section_cstart, $3  }
0xbf: {  	[dreg:$0x1] =	wrdreg $0xFFFFFFFF  }
0xc0: {  	_ =	task.clear_ibuf [dreg:s6], $0x2FFFF;
	_ =	strace $0x9FFFFFFF  }
0xc1: {  	(tm) =	ssettm $0x7FFFFFFF  }
tec
execute0_lowered:
.L_overlay_start_1:
0x0: {  	(tag) =	ssettag $0x1  }
0x1: {  	s4 =	rddreg [dreg:$0x0]  }
0x2: {  	v0 =	vimm.s32 $0xEFCDAB89;
	v1 =	vimm.s32 $0x67452301;
	s0 =	rddreg [dreg:$0x1];
	v2 =	vimm.s32 $0xDCFE98BA  }
0x3: {  	s3 =	srdreg.scid;
	s1 =	stileid.u32;
	v3 =	vimm.s32 $0x54761032;
	s2 =	simm.s32 $0x0;
	v4 =	vimm.s32 $0xBA98FEDC;
	v5 =	vimm.s32 $0x32107654  }
0x4: {  	v6 =	vimm.s32 $0xFEDCBA98;
	v7 =	vimm.s32 $0x76543210;
	s12 =	simm.s32 $0x4;
	s13 =	simm.s32 $0x10;
	s14 =	simm.s32 $0x4F80;
	vm0 =	vmmov $0x1  }
0x5: {  	s15 =	simm.s32 $0x3;
	s16 =	simm.s32 $0x2780;
	s17 =	simm.s32 $0x1;
	vm1 =	vcmask $0x314;
	vm2 =	vcmask $0x714;
	vm3 =	vcmask $0xB14  }
0x6: {  	s18 =	simm.s32 $0x2;
	s19 =	simm.s32 $0x5100;
	s20 =	simm.s32 $0x0;
	v0 =	vunpack.c.l.s4.s8 v0;
	v1 =	vunpack.c.l.s4.s8 v1;
	v2 =	vunpack.c.l.s4.s8 v2  }
0x7: {  	s23 =	simm.s32 $0x0;
	s5 =	sand.u32 $0x1, s3;
	s30 =	sshll.u32 s1, $0x1;
	v3 =	vunpack.c.l.s4.s8 v3;
	v4 =	vunpack.c.l.s4.s8 v4;
	v5 =	vunpack.c.l.s4.s8 v5  }
0x8: {  	[smem:$0x7FF] =	sst s2;
	v6 =	vunpack.c.l.s4.s8 v6;
	s3 =	sadd.s32 $0x1E8C200, s4;
	v7 =	vunpack.c.l.s4.s8 v7;
	s6 =	sor.u32 s5, s30;
	v0 =	vunpack.c.0.s8.s32 v0  }
0x9: {  	_ =	strace $0x80000047;
	s5 =	ssub.s32 $0x2, s5;
	v1 =	vunpack.c.0.s8.s32 v1;
	s8 =	smul.u32 $0x186A00, s6;
	v2 =	vunpack.c.0.s8.s32 v2;
	v3 =	vunpack.c.0.s8.s32 v3  }
.Ltmp0:
0xa: {  	s7 =	sshll.u32 s6, $0x4;
	s31 =	sshrl.u32 s5, $0x1;
	v4 =	vunpack.c.0.s8.s32 v4;
	v5 =	vunpack.c.0.s8.s32 v5;
	v6 =	vunpack.c.0.s8.s32 v6;
	(pc) =	sbr.rel .LBB2_1-.Ltmp0, $4  }
0xb: {  	vm4 =	vcmask $0xF14;
	s6 =	sshll.u32 s6, $0x1;
	v7 =	vunpack.c.0.s8.s32 v7;
	s9 =	sadd.s32 s7, s4;
	s11 =	ssub.s32 s5, s31;
	v0 =	vcombine.low v1, v0  }
0xc: {  	s4 =	sadd.s32 s4, s6;
	s10 =	sshrl.u32 s8, $0x3;
	s7 =	sadd.s32 $0x4E20, s8;
	v1 =	vcombine.low v3, v2;
	v2 =	vcombine.low v5, v4;
	v4 =	vand.u32 $0xF, v6  }
0xd: {  	v8 =	vimm.f32 $5.000000000e+00;
	s8 =	sadd.s32 $0x7530, s8;
	s9 =	sadd.s32 $0x1870200, s9;
	v3 =	vimm.f32 $-Inf;
	s5 =	sadd.s32 s3, s10;
	v4 =	vcombine.low v4, v7  }
0xe: {  	s10 =	smax.u32 s11, $0x1;
	s11 =	simm.s32 $0x4F00;
	s6 =	sadd.s32 $0x4E2, s5;
	v5 =	vand.u32 $0xF, v0;
	v6 =	vand.u32 $0xF, v1;
	v7 =	vand.u32 $0xF, v2  }
.LBB2_21:
0xf: {  	s20 =	sadd.s32 $0x1, s20  }
0x10: {  	p0 =	sne.s32 s20, s10  }
.Ltmp1:
0x11: {  	[tilespmem:$0x5100] =	vst v9;
	(pc) =	sbr.rel @!p0 .LBB2_22-.Ltmp1, $4  }
0x12: {  	[hbm4b:s9+s2] =	stream.linear.scatter [tilespmem:s19], [sflag:$0x4], $0x80, $0x38;
	[tilespmem:$0x5380] =	vst v63  }
0x13: {  	_ =	swait.ge [sflag:s12], $0x80  }
0x14: {  	[sflag:s12] =	ssyncset.done $0x0  }
0x15: {  	[sflag:s12] =	ssyncadd.s32 $0xFFFFFF80  }
.LBB2_1:
0x16: {  	[tilespmem:s11], [sflag:$0x4] =	stream.linear.gather [hbm4b:s4+s2], $0x10, $0x38;
	[tilespmem:$0x5380] =	vst v63  }
0x17: {  	_ =	swait.ge [sflag:s12], $0x10  }
0x18: {  	[sflag:s12] =	ssyncset.done $0x0  }
0x19: {  	[sflag:s12] =	ssyncadd.s32 $0xFFFFFFF0  }
0x1a: {  	[tilespmem:s14], [sflag:$0x3] =	stream.indirect.gather [hbm4b:s3+s13], $0x1, s11, s13, $0xb8;
	[tilespmem:$0x5380] =	vst v63  }
0x1b: {  	_ =	swait.ge [sflag:s15], $0x10  }
0x1c: {  	[sflag:s15] =	ssyncset.done $0x0  }
0x1d: {  	[sflag:s15] =	ssyncadd.s32 $0xFFFFFFF0  }
0x1e: {  	[tilespmem:s2], [sflag:$0x1] =	stream.linear.gather [hbm4b:s5+s2], $0x2710, $0x38;
	[tilespmem:$0x5380] =	vst v63  }
.Ltmp2:
0x1f: {  	_ = 	snop;
	(pc) =	sbr.rel .LBB2_2-.Ltmp2, $4  }
0x20: {  	_ = 	snop  }
0x21: {  	[tilespmem:s16], [sflag:$0x2] =	stream.linear.gather [hbm4b:s6+s2], $0x2710, $0x38;
	[tilespmem:$0x5380] =	vst v63  }
0x22: {  	[tilespmem:$0x5000] =	vst v3  }
0x23: {  	v9 =	vimm.f32 $0.0e+00;
	s21 =	simm.s32 $0x0;
	[tilespmem:$0x5080] =	vst v3  }
.LBB2_20:
0x24: {  	v12 =	vadd.f32 v12, v15;
	v10 =	vadd.f32 v11, v10  }
0x25: {  	v11 =	vld [tilespmem:$0x5000]  }
0x26: {  	v10 =	vadd.f32 v10, v12;
	_ =	sdelay $0x1  }
0x27: {  	v10 =	vadd.f32 v10, v13;
	_ =	sdelay $0x1  }
0x28: {  	v11 =	vmul.f32 $1.442695020e+00, v11;
	v55 =	vperm.xlane v10, v5;
	_ =	sdelay $0x1  }
0x29: {  	(erf) = vpow2.f32 v11;
	v10 =	vadd.f32 v55, v10;
	_ =	sdelay $0x1  }
0x2a: {  	v11 =	vperm.xlane v10, v6;
	_ =	sdelay $0x1  }
0x2b: {  	v10 =	vadd.f32 v11, v10;
	v11 =	vld [tilespmem:$0x4F80];
	_ =	sdelay $0x1  }
0x2c: {  	v56 =	vperm.xlane v10, v7;
	_ =	sdelay $0x1  }
0x2d: {  	v57 =	vmov s21;
	v10 =	vadd.f32 v56, v10  }
0x2e: {  	v58 =	vpop (erf);
	v11 =	vperm.xlane v11, v57  }
0x2f: {  	v14 =	vperm.xlane v58, v5;
	v59 =	vperm.xlane v10, v4  }
0x30: {  	v60 =	vmul.f32 $1.442695020e+00, v11  }
0x31: {  	v61 =	vadd.f32 v58, v14;
	v10 =	vadd.f32 v59, v10  }
0x32: {  	(erf) = vpow2.f32 v60  }
0x33: {  	v13 =	vperm.xlane v61, v6;
	(erf) = vrcp.f32 v10;
	v10 =	vld [tilespmem:$0x5080];
	_ =	sdelay $0x1  }
0x34: {  	v12 =	vadd.f32 v61, v13;
	_ =	sdelay $0x1  }
0x35: {  	v13 =	vperm.xlane v12, v7  }
0x36: {  	vm5 =	vge.f32 v11, v10  }
0x37: {  	v12 =	vadd.f32 v12, v13;
	v10 =	vsel vm5, $0x40800000, v8;
	_ =	sdelay $0x1  }
0x38: {  	v11 =	vperm.xlane v12, v4;
	v62 =	vpop (erf);
	(erf) = vrcp.f32 v10  }
0x39: {  	v10 =	vpop (erf)  }
0x3a: {  	v11 =	vadd.f32 v12, v11;
	v63 =	vmul.f32 v62, v10;
	_ =	sdelay $0x1  }
0x3b: {  	v10 =	vmul.f32 v11, v10;
	v12 =	vmul.f32 $-5.000000000e+00, v63;
	_ =	sdelay $0x1  }
0x3c: {  	v10 =	vadd.f32 v12, v10  }
0x3d: {  	s21 =	sadd.s32 $0x1, s21  }
0x3e: {  	p0 =	sne.s32 s21, $0x10;
	v10 =	vadd.f32 $0.0e+00, v10  }
.Ltmp3:
0x3f: {  	v11 =	vpop (erf);
	(pc) =	sbr.rel @!p0 .LBB2_21-.Ltmp3, $3  }
0x40: {  	v10 =	vmul.f32 v10, v11;
	_ =	sdelay $0x1  }
0x41: {  	[tilespmem:$0x5000] =	vst v3;
	v10 =	vnsel vm0, $0x0, v10  }
0x42: {  	[tilespmem:$0x5080] =	vst v3;
	v9 =	vadd.f32 v10, v9  }
.LBB2_2:
.Ltmp4:
0x43: {  	(pc) =	sbr.rel .LBB2_3-.Ltmp4, $3  }
0x44: {  	_ =	sdelay $0x1  }
0x45: {  	v13 =	vimm.f32 $0.0e+00;
	v11 =	vimm.f32 $0.0e+00  }
0x46: {  	s22 =	smul.u32 $0xA, s21;
	v10 =	vimm.f32 $0.0e+00;
	v12 =	vimm.f32 $0.0e+00;
	v15 =	vimm.f32 $0.0e+00;
	s24 =	simm.s32 $0x0  }
.LBB2_19:
0x47: {  	p0 =	sgt.u32 s25, $0x9C  }
0x48: {  	s25 =	smul.u32 @!p0 $0x2710, s25;
	_ =	sdelay $0x1  }
0x49: {  	s25 =	sadd.s32 @!p0 s25, s8  }
0x4a: {  	s24 =	sadd.s32 $0x1, s24;
	s25 =	sshrl.u32 @!p0 s25, $0x3  }
0x4b: {  	s26 =	simm.s32 @!p0 $0x0;
	s28 =	simm.s32 @!p0 $0x2780;
	s25 =	sadd.s32 @!p0 s3, s25  }
0x4c: {  	[tilespmem:s28], [sflag:$0x2] =	stream.linear.gather @!p0 [hbm4b:s25+s26], $0x2710, $0x38;
	[tilespmem:$0x5380] =	vst v63  }
0x4d: {  	p0 =	sne.s32 s24, $0x5  }
.Ltmp5:
0x4e: {  	_ = 	snop;
	(pc) =	sbr.rel @!p0 .LBB2_20-.Ltmp5, $1  }
0x4f: {  	_ =	sdelay $0x3  }
.LBB2_3:
0x50: {  	_ =	swait.ge [sflag:s17], $0x2710  }
0x51: {  	[sflag:s17] =	ssyncset.done $0x0  }
0x52: {  	s25 =	simm.s32 $0xC0;
	[sflag:s17] =	ssyncadd.s32 $0xFFFFD8F0  }
0x53: {  	v14 =	vld [tilespmem:s25+$0x80]  }
0x54: {  	v17 =	vld [tilespmem:s25+$0x90]  }
0x55: {  	v18 =	vld [tilespmem:s25+$0x50]  }
0x56: {  	v19 =	vld [tilespmem:s25+$0x0]  }
0x57: {  	v20 =	vld [tilespmem:s25+$0xFFFFFF60]  }
0x58: {  	v21 =	vld [tilespmem:s25+$0xFFFFFF70]  }
0x59: {  	v22 =	vld [tilespmem:s25+$0xFFFFFF80]  }
0x5a: {  	v23 =	vld [tilespmem:s25+$0xFFFFFF40]  }
0x5b: {  	v27 =	vld [tilespmem:s25+$0xFFFFFFD0]  }
0x5c: {  	v25 =	vld [tilespmem:s25+$0xFFFFFF90]  }
0x5d: {  	v35 =	vld [tilespmem:s25+$0xFFFFFFE0];
	v24 =	vmul.f32 $1.442695020e+00, v17  }
0x5e: {  	s26 =	sand.u32 $0x3FF0, s23;
	v37 =	vld [tilespmem:s25+$0x30];
	v26 =	vmul.f32 $1.442695020e+00, v18;
	v28 =	vmul.f32 $1.442695020e+00, v14  }
0x5f: {  	v39 =	vld [tilespmem:s26+$0x80];
	v29 =	vmul.f32 $1.442695020e+00, v19;
	v30 =	vmul.f32 $1.442695020e+00, v23  }
0x60: {  	v31 =	vmul.f32 $1.442695020e+00, v22;
	v33 =	vmul.f32 $1.442695020e+00, v27;
	v22 =	vmax.f32 v22, v27;
	v27 =	vld [tilespmem:s26+$0x100]  }
0x61: {  	v34 =	vmul.f32 $1.442695020e+00, v25;
	(erf) = vpow2.f32 v24;
	v24 =	vld [tilespmem:s25+$0xFFFFFF50]  }
0x62: {  	v36 =	vmul.f32 $1.442695020e+00, v21;
	(erf) = vpow2.f32 v26;
	v26 =	vld [tilespmem:s25+$0xFFFFFFB0]  }
0x63: {  	v23 =	vmax.f32 v23, v25;
	v25 =	vmul.f32 $1.442695020e+00, v20;
	(erf) = vpow2.f32 v28;
	v28 =	vld [tilespmem:s25+$0xFFFFFFA0]  }
0x64: {  	v32 =	vld [tilespmem:s26+$0x180];
	v40 =	vmul.f32 $1.442695020e+00, v37;
	v21 =	vmax.f32 v21, v39;
	v63 =	vmul.f32 $1.442695020e+00, v39  }
0x65: {  	v23 =	vmax.f32 v23, v35;
	v35 =	vmul.f32 $1.442695020e+00, v35;
	(erf) = vpow2.f32 v29;
	v29 =	vld [tilespmem:s25+$0xFFFFFFF0]  }
0x66: {  	v23 =	vmax.f32 v23, v37;
	v62 =	vmul.f32 $1.442695020e+00, v27;
	(erf) = vpow2.f32 v34  }
0x67: {  	v16 =	vld [tilespmem:s25+$0x10];
	v38 =	vmul.f32 $1.442695020e+00, v24;
	v20 =	vmax.f32 v20, v26;
	v26 =	vmul.f32 $1.442695020e+00, v26  }
0x68: {  	v41 =	vld [tilespmem:s25+$0x60];
	v42 =	vmax.f32 v23, v14;
	(erf) = vpow2.f32 v33;
	v59 =	vmul.f32 $1.442695020e+00, v28  }
0x69: {  	v58 =	vmax.f32 v20, v19;
	v24 =	vmax.f32 v24, v28;
	v28 =	vld [tilespmem:s25+$0x20];
	(erf) = vpow2.f32 v26  }
0x6a: {  	v61 =	vld [tilespmem:s25+$0xB0];
	v19 =	vmul.f32 $1.442695020e+00, v32;
	v24 =	vmax.f32 v24, v29;
	(erf) = vpow2.f32 v59  }
0x6b: {  	v60 =	vld [tilespmem:s25+$0xA0];
	v23 =	vmax.f32 v58, v18;
	v18 =	vmax.f32 v24, v27;
	(erf) = vpow2.f32 v30  }
0x6c: {  	v21 =	vmax.f32 v21, v16;
	v20 =	vmul.f32 $1.442695020e+00, v16;
	v26 =	vld [tilespmem:s25+$0x70];
	v14 =	vpop (erf);
	(erf) = vpow2.f32 v40  }
0x6d: {  	v21 =	vmax.f32 v21, v41;
	v29 =	vmul.f32 $1.442695020e+00, v29;
	v16 =	vpop (erf);
	(erf) = vpow2.f32 v31  }
0x6e: {  	v27 =	vmax.f32 v18, v17;
	v22 =	vmax.f32 v22, v28;
	v18 =	vpop (erf);
	(erf) = vpow2.f32 v62  }
0x6f: {  	v21 =	vmax.f32 v21, v61;
	v31 =	vmul.f32 $1.442695020e+00, v28;
	v17 =	vpop (erf);
	(erf) = vpow2.f32 v38  }
0x70: {  	v28 =	vmax.f32 v23, v60;
	v23 =	vmul.f32 $1.442695020e+00, v41;
	v24 =	vpop (erf);
	(erf) = vpow2.f32 v35  }
0x71: {  	v30 =	vmax.f32 v22, v26;
	v28 =	vmax.f32 v28, v21;
	v22 =	vpop (erf);
	(erf) = vpow2.f32 v29  }
0x72: {  	v27 =	vmax.f32 v42, v27;
	v26 =	vmul.f32 $1.442695020e+00, v26;
	v21 =	vpop (erf);
	(erf) = vpow2.f32 v25  }
0x73: {  	v30 =	vmax.f32 v30, v32;
	v27 =	vmax.f32 v27, v28;
	v25 =	vpop (erf);
	(erf) = vpow2.f32 v63  }
0x74: {  	s25 =	simm.s32 $0x5180;
	v27 =	vmax.f32 v27, v30;
	v29 =	vmul.f32 $1.442695020e+00, v60;
	v28 =	vpop (erf);
	(erf) = vpow2.f32 v36  }
0x75: {  	s28 =	simm.s32 $0x250;
	s26 =	simm.s32 $0x190;
	[tilespmem:s25+$0x0] =	vst v27;
	v30 =	vadd.f32 v28, v15;
	v28 =	vmul.f32 $1.442695020e+00, v61;
	(erf) = vpow2.f32 v31;
	v15 =	vpop (erf)  }
.LBB2_4:
0x76: {  	p0 =	sne.s32 s26, $0x2580  }
0x77: {  	v27 =	vld [tilespmem:s28+$0x80];
	s25 =	sadd.s32 $0x10, s25;
	v31 =	vpop (erf);
	(erf) = vpow2.f32 v26;
	s29 =	smov.u32 s26;
	s26 =	sadd.s32 $0x190, s26  }
0x78: {  	v26 =	vld [tilespmem:s28+$0x10];
	v32 =	vpop (erf);
	(erf) = vpow2.f32 v28  }
0x79: {  	v24 =	vadd.f32 v24, v30;
	v13 =	vadd.f32 v31, v13;
	v28 =	vld [tilespmem:s28+$0x90];
	v30 =	vpop (erf);
	(erf) = vpow2.f32 v19  }
0x7a: {  	v31 =	vld [tilespmem:s28+$0x50];
	v12 =	vadd.f32 v30, v12;
	v19 =	vpop (erf);
	(erf) = vpow2.f32 v20  }
0x7b: {  	v13 =	vadd.f32 v22, v13;
	v20 =	vld [tilespmem:s28+$0x0];
	v33 =	vadd.f32 v19, v24;
	v22 =	vpop (erf);
	(erf) = vpow2.f32 v29  }
0x7c: {  	v24 =	vld [tilespmem:s28+$0xFFFFFF60];
	v29 =	vmul.f32 $1.442695020e+00, v27;
	v12 =	vadd.f32 v25, v12;
	v25 =	vpop (erf)  }
0x7d: {  	v30 =	vld [tilespmem:s28+$0xFFFFFF70];
	v15 =	vadd.f32 v15, v33;
	v19 =	vpop (erf);
	(erf) = vpow2.f32 v23  }
0x7e: {  	v10 =	vadd.f32 v25, v10;
	v23 =	vld [tilespmem:s28+$0xFFFFFF80];
	v33 =	vmul.f32 $1.442695020e+00, v28;
	v12 =	vadd.f32 v22, v12;
	v22 =	vpop (erf)  }
0x7f: {  	v25 =	vld [tilespmem:s28+$0xFFFFFF40];
	v34 =	vmul.f32 $1.442695020e+00, v31;
	v15 =	vadd.f32 v18, v15;
	v18 =	vpop (erf)  }
0x80: {  	v11 =	vadd.f32 v22, v11;
	v10 =	vadd.f32 v21, v10;
	v35 =	vld [tilespmem:s28+$0xFFFFFF90];
	v36 =	vmul.f32 $1.442695020e+00, v20;
	v21 =	vpop (erf)  }
0x81: {  	v13 =	vadd.f32 v18, v13;
	v12 =	vadd.f32 v32, v12;
	v22 =	vld [tilespmem:s28+$0xFFFFFFD0];
	(erf) = vpow2.f32 v33;
	v18 =	vpop (erf)  }
0x82: {  	v10 =	vadd.f32 v17, v10;
	v32 =	vld [tilespmem:s28+$0xFFFFFF50];
	(erf) = vpow2.f32 v34;
	v17 =	vpop (erf)  }
0x83: {  	s29 =	sand.u32 $0x3FF0, s29;
	v11 =	vadd.f32 v19, v11;
	v13 =	vadd.f32 v21, v13;
	v33 =	vld [tilespmem:s28+$0xFFFFFFB0];
	(erf) = vpow2.f32 v29;
	v19 =	vpop (erf)  }
0x84: {  	v12 =	vadd.f32 v14, v12;
	v10 =	vadd.f32 v16, v10;
	v21 =	vld [tilespmem:s28+$0xFFFFFFA0];
	(erf) = vpow2.f32 v36;
	v14 =	vpop (erf)  }
0x85: {  	v29 =	vmul.f32 $1.442695020e+00, v25;
	v11 =	vadd.f32 v19, v11;
	v25 =	vmax.f32 v25, v35;
	v34 =	vld [tilespmem:s28+$0xFFFFFFF0]  }
0x86: {  	v36 =	vmul.f32 $1.442695020e+00, v23;
	v10 =	vadd.f32 v14, v10;
	v16 =	vmul.f32 $1.442695020e+00, v22;
	v37 =	vld [tilespmem:s29+$0x180];
	v14 =	vpop (erf)  }
0x87: {  	v38 =	vmul.f32 $1.442695020e+00, v30;
	v19 =	vmul.f32 $1.442695020e+00, v35;
	v35 =	vld [tilespmem:s28+$0xFFFFFFE0];
	v11 =	vadd.f32 v14, v11  }
0x88: {  	v39 =	vmul.f32 $1.442695020e+00, v24;
	v13 =	vadd.f32 v17, v13;
	v43 =	vmax.f32 v24, v33;
	v24 =	vld [tilespmem:s28+$0x30]  }
0x89: {  	v40 =	vmul.f32 $1.442695020e+00, v32;
	v41 =	vld [tilespmem:s29+$0x80];
	v42 =	vmax.f32 v43, v20;
	(erf) = vpow2.f32 v19  }
0x8a: {  	v22 =	vmax.f32 v23, v22;
	v11 =	vadd.f32 v18, v11;
	v23 =	vld [tilespmem:s29+$0x100];
	(erf) = vpow2.f32 v16;
	v14 =	vpop (erf)  }
0x8b: {  	v33 =	vmul.f32 $1.442695020e+00, v33;
	v43 =	vmul.f32 $1.442695020e+00, v21;
	v44 =	vld [tilespmem:s28+$0xB0];
	v16 =	vpop (erf)  }
0x8c: {  	v21 =	vmax.f32 v32, v21;
	v19 =	vmul.f32 $1.442695020e+00, v37;
	v25 =	vmax.f32 v25, v35;
	v32 =	vld [tilespmem:s28+$0x20];
	v18 =	vpop (erf)  }
0x8d: {  	v35 =	vmul.f32 $1.442695020e+00, v35;
	v45 =	vmul.f32 $1.442695020e+00, v24;
	v46 =	vld [tilespmem:s28+$0x60];
	v17 =	vpop (erf)  }
0x8e: {  	v20 =	vmul.f32 $1.442695020e+00, v26;
	v24 =	vmax.f32 v25, v24;
	v47 =	vld [tilespmem:s28+$0xA0];
	(erf) = vpow2.f32 v33  }
0x8f: {  	v21 =	vmax.f32 v21, v34;
	v25 =	vmax.f32 v30, v41;
	v27 =	vmax.f32 v24, v27;
	v30 =	vld [tilespmem:s28+$0x70]  }
0x90: {  	v31 =	vmax.f32 v42, v31;
	v33 =	vmul.f32 $1.442695020e+00, v34;
	(erf) = vpow2.f32 v43  }
0x91: {  	v34 =	vmul.f32 $1.442695020e+00, v23;
	v21 =	vmax.f32 v21, v23;
	(erf) = vpow2.f32 v29  }
0x92: {  	v23 =	vmax.f32 v25, v26;
	v21 =	vmax.f32 v21, v28;
	v25 =	vmax.f32 v22, v32;
	v24 =	vpop (erf)  }
0x93: {  	v32 =	vmul.f32 $1.442695020e+00, v32;
	v28 =	vmax.f32 v31, v47;
	v22 =	vpop (erf);
	(erf) = vpow2.f32 v45  }
0x94: {  	v23 =	vmax.f32 v23, v46;
	v25 =	vmax.f32 v25, v30;
	(erf) = vpow2.f32 v36  }
0x95: {  	v29 =	vmax.f32 v23, v44;
	v25 =	vmax.f32 v25, v37;
	(erf) = vpow2.f32 v34  }
0x96: {  	v27 =	vmax.f32 v27, v21;
	v23 =	vmul.f32 $1.442695020e+00, v46;
	(erf) = vpow2.f32 v40  }
0x97: {  	v26 =	vmul.f32 $1.442695020e+00, v30;
	v28 =	vmax.f32 v28, v29;
	v21 =	vpop (erf);
	(erf) = vpow2.f32 v35  }
.Ltmp6:
0x98: {  	v30 =	vmul.f32 $1.442695020e+00, v41;
	v31 =	vmax.f32 v27, v28;
	(erf) = vpow2.f32 v33;
	(pc) =	sbr.rel @p0 .LBB2_4-.Ltmp6, $4  }
0x99: {  	v28 =	vmax.f32 v31, v25;
	(erf) = vpow2.f32 v39;
	v25 =	vpop (erf)  }
0x9a: {  	v29 =	vmul.f32 $1.442695020e+00, v47;
	[tilespmem:s25+$0x0] =	vst v28;
	v27 =	vpop (erf);
	(erf) = vpow2.f32 v30  }
0x9b: {  	v30 =	vadd.f32 v27, v15;
	(erf) = vpow2.f32 v38  }
0x9c: {  	s28 =	sadd.s32 $0x190, s28;
	v28 =	vmul.f32 $1.442695020e+00, v44;
	(erf) = vpow2.f32 v32;
	v15 =	vpop (erf)  }
0x9d: {  	v27 =	vld [tilespmem:$0x5180]  }
0x9e: {  	v31 =	vld [tilespmem:$0x5190]  }
0x9f: {  	v32 =	vld [tilespmem:$0x51A0]  }
0xa0: {  	v33 =	vld [tilespmem:$0x51B0]  }
0xa1: {  	v34 =	vld [tilespmem:$0x51C0]  }
0xa2: {  	v35 =	vld [tilespmem:$0x51D0]  }
0xa3: {  	v61 =	vld [tilespmem:$0x51E0];
	v27 =	vmax.f32 v27, v31  }
0xa4: {  	v62 =	vld [tilespmem:$0x51F0];
	v27 =	vmax.f32 v27, v32  }
0xa5: {  	v63 =	vld [tilespmem:$0x5200];
	v27 =	vmax.f32 v27, v33  }
0xa6: {  	v36 =	vld [tilespmem:$0x5210];
	v27 =	vmax.f32 v27, v34  }
0xa7: {  	v37 =	vld [tilespmem:$0x5220];
	v27 =	vmax.f32 v27, v35  }
0xa8: {  	v38 =	vld [tilespmem:$0x5230];
	v27 =	vmax.f32 v27, v61  }
0xa9: {  	v39 =	vld [tilespmem:$0x5240];
	v27 =	vmax.f32 v27, v62  }
0xaa: {  	v40 =	vld [tilespmem:$0x5250];
	v27 =	vmax.f32 v27, v63  }
0xab: {  	v41 =	vld [tilespmem:$0x5260];
	v27 =	vmax.f32 v27, v36  }
0xac: {  	v42 =	vld [tilespmem:$0x5270];
	v27 =	vmax.f32 v27, v37  }
0xad: {  	v43 =	vld [tilespmem:$0x5280];
	v27 =	vmax.f32 v27, v38  }
0xae: {  	v44 =	vld [tilespmem:$0x5290];
	v27 =	vmax.f32 v27, v39  }
0xaf: {  	v45 =	vld [tilespmem:$0x52A0];
	v27 =	vmax.f32 v27, v40  }
0xb0: {  	v46 =	vld [tilespmem:$0x52B0];
	v27 =	vmax.f32 v27, v41  }
0xb1: {  	v47 =	vld [tilespmem:$0x52C0];
	v27 =	vmax.f32 v27, v42  }
0xb2: {  	v48 =	vld [tilespmem:$0x52D0];
	v27 =	vmax.f32 v27, v43  }
0xb3: {  	v49 =	vld [tilespmem:$0x52E0];
	v27 =	vmax.f32 v27, v44  }
0xb4: {  	v50 =	vld [tilespmem:$0x52F0];
	v27 =	vmax.f32 v27, v45  }
0xb5: {  	v51 =	vld [tilespmem:$0x5300];
	v27 =	vmax.f32 v27, v46  }
0xb6: {  	v27 =	vmax.f32 v27, v47  }
0xb7: {  	v27 =	vmax.f32 v27, v48  }
0xb8: {  	v27 =	vmax.f32 v27, v49  }
0xb9: {  	v27 =	vmax.f32 v27, v50  }
0xba: {  	v27 =	vmax.f32 v27, v51  }
0xbb: {  	v52 =	vperm.xlane v27, v0;
	_ =	sdelay $0x1  }
0xbc: {  	v27 =	vmax.f32 v27, v52  }
0xbd: {  	v31 =	vperm.xlane v27, v1;
	_ =	sdelay $0x1  }
0xbe: {  	v27 =	vmax.f32 v27, v31  }
0xbf: {  	v31 =	vperm.xlane v27, v2;
	_ =	sdelay $0x1  }
0xc0: {  	v31 =	vmax.f32 v27, v31;
	v27 =	vld [tilespmem:$0x5080]  }
0xc1: {  	v53 =	vperm.xlane v31, v4;
	_ =	sdelay $0x1  }
0xc2: {  	v31 =	vmax.f32 v31, v53  }
0xc3: {  	(v2sf) =	vpush v31, $0x0  }
0xc4: {  	(v2sf) =	vpush v27, $0x0;
	_ =	sdelay $0x3  }
0xc5: {  	v54 =	vpop (erf);
	(erf) = vpow2.f32 v26  }
0xc6: {  	v26 =	vpop (erf);
	(erf) = vpow2.f32 v28  }
0xc7: {  	v28 =	vpop (erf);
	(erf) = vpow2.f32 v19  }
0xc8: {  	v55 =	vpop (erf);
	(erf) = vpow2.f32 v20  }
0xc9: {  	v56 =	vpop (erf);
	(erf) = vpow2.f32 v29  }
0xca: {  	v13 =	vadd.f32 v54, v13;
	v29 =	vpop (erf);
	(erf) = vpow2.f32 v23  }
0xcb: {  	v57 =	vadd.f32 v24, v30;
	v24 =	vpop (erf)  }
0xcc: {  	v12 =	vadd.f32 v28, v12;
	v13 =	vadd.f32 v22, v13;
	v58 =	vpop (erf)  }
0xcd: {  	v19 =	vadd.f32 v55, v57;
	v10 =	vadd.f32 v29, v10;
	v59 =	vpop (erf)  }
0xce: {  	v12 =	vadd.f32 v25, v12;
	v11 =	vadd.f32 v58, v11;
	v60 =	vpop (erf)  }
0xcf: {  	v15 =	vadd.f32 v15, v19;
	v10 =	vadd.f32 v21, v10;
	v61 =	vpop (erf);
	s25 =	spop (v2sf)  }
0xd0: {  	v12 =	vadd.f32 v56, v12;
	v11 =	vadd.f32 v24, v11;
	v62 =	vpop (erf);
	s26 =	spop (v2sf)  }
0xd1: {  	v13 =	vadd.f32 v59, v13;
	v10 =	vadd.f32 v17, v10;
	v17 =	vpop (erf);
	p0 =	sgt.f32 s25, s26  }
.Ltmp7:
0xd2: {  	v12 =	vadd.f32 v26, v12;
	v63 =	vpop (erf);
	v11 =	vadd.f32 v17, v11;
	(pc) =	sbr.rel @p0 .LBB2_6-.Ltmp7, $4  }
0xd3: {  	v13 =	vadd.f32 v60, v13;
	v10 =	vadd.f32 v16, v10;
	v16 =	vpop (erf)  }
0xd4: {  	v15 =	vadd.f32 v18, v15;
	v11 =	vadd.f32 v16, v11  }
0xd5: {  	v12 =	vadd.f32 v14, v12;
	v13 =	vadd.f32 v62, v13  }
0xd6: {  	v10 =	vadd.f32 v63, v10;
	v11 =	vadd.f32 v61, v11;
	s25 =	simm.s32 $0x0;
	s26 =	simm.s32 $0x0  }
.LBB2_11:
0xd7: {  	s25 =	sshll.u32 s24, $0x1  }
0xd8: {  	s25 =	sadd.s32 s22, s25  }
0xd9: {  	p0 =	sgt.u32 s25, $0x9D  }
0xda: {  	s26 =	smul.u32 @!p0 $0x2710, s25;
	_ =	sdelay $0x1  }
0xdb: {  	s26 =	sadd.s32 @!p0 s26, s7  }
0xdc: {  	s26 =	sshrl.u32 @!p0 s26, $0x3  }
0xdd: {  	s28 =	simm.s32 @!p0 $0x0;
	s26 =	sadd.s32 @!p0 s3, s26  }
0xde: {  	[tilespmem:s28], [sflag:$0x1] =	stream.linear.gather @!p0 [hbm4b:s26+s28], $0x2710, $0x38;
	[tilespmem:$0x5380] =	vst v63  }
0xdf: {  	_ =	swait.ge [sflag:s18], $0x2710  }
0xe0: {  	[sflag:s18] =	ssyncset.done $0x0  }
0xe1: {  	s31 =	simm.s32 $0x2840;
	[sflag:s18] =	ssyncadd.s32 $0xFFFFD8F0  }
0xe2: {  	v14 =	vld [tilespmem:s31+$0x80]  }
0xe3: {  	v17 =	vld [tilespmem:s31+$0x90]  }
0xe4: {  	v18 =	vld [tilespmem:s31+$0x50]  }
0xe5: {  	v19 =	vld [tilespmem:s31+$0x0]  }
0xe6: {  	v20 =	vld [tilespmem:s31+$0xFFFFFF60]  }
0xe7: {  	v21 =	vld [tilespmem:s31+$0xFFFFFF70]  }
0xe8: {  	v22 =	vld [tilespmem:s31+$0xFFFFFF80]  }
0xe9: {  	v23 =	vld [tilespmem:s31+$0xFFFFFF40]  }
0xea: {  	v27 =	vld [tilespmem:s31+$0xFFFFFFD0]  }
0xeb: {  	v25 =	vld [tilespmem:s31+$0xFFFFFF90]  }
0xec: {  	s28 =	simm.s32 $0x0;
	v35 =	vld [tilespmem:s31+$0xFFFFFFE0];
	v24 =	vmul.f32 $1.442695020e+00, v17  }
0xed: {  	s28 =	sand.u32 $0x3FF0, s28;
	v37 =	vld [tilespmem:s31+$0x30];
	v26 =	vmul.f32 $1.442695020e+00, v18;
	v28 =	vmul.f32 $1.442695020e+00, v14  }
0xee: {  	v39 =	vld [tilespmem:s28+$0x2800];
	v29 =	vmul.f32 $1.442695020e+00, v19;
	v30 =	vmul.f32 $1.442695020e+00, v23  }
0xef: {  	v31 =	vmul.f32 $1.442695020e+00, v22;
	v33 =	vmul.f32 $1.442695020e+00, v27;
	v22 =	vmax.f32 v22, v27;
	v27 =	vld [tilespmem:s28+$0x2880]  }
0xf0: {  	v34 =	vmul.f32 $1.442695020e+00, v25;
	(erf) = vpow2.f32 v24;
	v24 =	vld [tilespmem:s31+$0xFFFFFF50]  }
0xf1: {  	v36 =	vmul.f32 $1.442695020e+00, v21;
	(erf) = vpow2.f32 v26;
	v26 =	vld [tilespmem:s31+$0xFFFFFFB0]  }
0xf2: {  	v23 =	vmax.f32 v23, v25;
	v25 =	vmul.f32 $1.442695020e+00, v20;
	(erf) = vpow2.f32 v28;
	v28 =	vld [tilespmem:s31+$0xFFFFFFA0]  }
0xf3: {  	v32 =	vld [tilespmem:s28+$0x2900];
	v40 =	vmul.f32 $1.442695020e+00, v37;
	v21 =	vmax.f32 v21, v39;
	v63 =	vmul.f32 $1.442695020e+00, v39  }
0xf4: {  	v23 =	vmax.f32 v23, v35;
	v35 =	vmul.f32 $1.442695020e+00, v35;
	(erf) = vpow2.f32 v29;
	v29 =	vld [tilespmem:s31+$0xFFFFFFF0]  }
0xf5: {  	v23 =	vmax.f32 v23, v37;
	v62 =	vmul.f32 $1.442695020e+00, v27;
	(erf) = vpow2.f32 v34  }
0xf6: {  	v16 =	vld [tilespmem:s31+$0x10];
	v38 =	vmul.f32 $1.442695020e+00, v24;
	v20 =	vmax.f32 v20, v26;
	v26 =	vmul.f32 $1.442695020e+00, v26  }
0xf7: {  	v41 =	vld [tilespmem:s31+$0x60];
	v42 =	vmax.f32 v23, v14;
	(erf) = vpow2.f32 v33;
	v59 =	vmul.f32 $1.442695020e+00, v28  }
0xf8: {  	v58 =	vmax.f32 v20, v19;
	v24 =	vmax.f32 v24, v28;
	v28 =	vld [tilespmem:s31+$0x20];
	(erf) = vpow2.f32 v26  }
0xf9: {  	v61 =	vld [tilespmem:s31+$0xB0];
	v19 =	vmul.f32 $1.442695020e+00, v32;
	v24 =	vmax.f32 v24, v29;
	(erf) = vpow2.f32 v59  }
0xfa: {  	v60 =	vld [tilespmem:s31+$0xA0];
	v23 =	vmax.f32 v58, v18;
	v18 =	vmax.f32 v24, v27;
	(erf) = vpow2.f32 v30  }
0xfb: {  	v21 =	vmax.f32 v21, v16;
	v20 =	vmul.f32 $1.442695020e+00, v16;
	v26 =	vld [tilespmem:s31+$0x70];
	v14 =	vpop (erf);
	(erf) = vpow2.f32 v40  }
0xfc: {  	v21 =	vmax.f32 v21, v41;
	v29 =	vmul.f32 $1.442695020e+00, v29;
	v16 =	vpop (erf);
	(erf) = vpow2.f32 v31  }
0xfd: {  	v27 =	vmax.f32 v18, v17;
	v22 =	vmax.f32 v22, v28;
	v18 =	vpop (erf);
	(erf) = vpow2.f32 v62  }
0xfe: {  	v21 =	vmax.f32 v21, v61;
	v31 =	vmul.f32 $1.442695020e+00, v28;
	v17 =	vpop (erf);
	(erf) = vpow2.f32 v38  }
0xff: {  	v28 =	vmax.f32 v23, v60;
	v23 =	vmul.f32 $1.442695020e+00, v41;
	v24 =	vpop (erf);
	(erf) = vpow2.f32 v35  }
0x100: {  	v30 =	vmax.f32 v22, v26;
	v28 =	vmax.f32 v28, v21;
	v22 =	vpop (erf);
	(erf) = vpow2.f32 v29  }
0x101: {  	v27 =	vmax.f32 v42, v27;
	v26 =	vmul.f32 $1.442695020e+00, v26;
	v21 =	vpop (erf);
	(erf) = vpow2.f32 v25  }
0x102: {  	v30 =	vmax.f32 v30, v32;
	v27 =	vmax.f32 v27, v28;
	v25 =	vpop (erf);
	(erf) = vpow2.f32 v63  }
0x103: {  	s26 =	simm.s32 $0x5180;
	v27 =	vmax.f32 v27, v30;
	v29 =	vmul.f32 $1.442695020e+00, v60;
	v28 =	vpop (erf);
	(erf) = vpow2.f32 v36  }
0x104: {  	s29 =	simm.s32 $0x29D0;
	s28 =	simm.s32 $0x190;
	[tilespmem:s26+$0x0] =	vst v27;
	v30 =	vadd.f32 v28, v15;
	v28 =	vmul.f32 $1.442695020e+00, v61;
	(erf) = vpow2.f32 v31;
	v15 =	vpop (erf)  }
.LBB2_12:
0x105: {  	p0 =	sne.s32 s28, $0x2580  }
0x106: {  	v27 =	vld [tilespmem:s29+$0x80];
	s26 =	sadd.s32 $0x10, s26;
	v31 =	vpop (erf);
	(erf) = vpow2.f32 v26;
	s30 =	smov.u32 s28;
	s28 =	sadd.s32 $0x190, s28  }
0x107: {  	v26 =	vld [tilespmem:s29+$0x10];
	v32 =	vpop (erf);
	(erf) = vpow2.f32 v28  }
0x108: {  	v24 =	vadd.f32 v24, v30;
	v13 =	vadd.f32 v31, v13;
	v28 =	vld [tilespmem:s29+$0x90];
	v30 =	vpop (erf);
	(erf) = vpow2.f32 v19  }
0x109: {  	v31 =	vld [tilespmem:s29+$0x50];
	v12 =	vadd.f32 v30, v12;
	v19 =	vpop (erf);
	(erf) = vpow2.f32 v20  }
0x10a: {  	v13 =	vadd.f32 v22, v13;
	v20 =	vld [tilespmem:s29+$0x0];
	v33 =	vadd.f32 v19, v24;
	v22 =	vpop (erf);
	(erf) = vpow2.f32 v29  }
0x10b: {  	v24 =	vld [tilespmem:s29+$0xFFFFFF60];
	v29 =	vmul.f32 $1.442695020e+00, v27;
	v12 =	vadd.f32 v25, v12;
	v25 =	vpop (erf)  }
0x10c: {  	v30 =	vld [tilespmem:s29+$0xFFFFFF70];
	v15 =	vadd.f32 v15, v33;
	v19 =	vpop (erf);
	(erf) = vpow2.f32 v23  }
0x10d: {  	v10 =	vadd.f32 v25, v10;
	v23 =	vld [tilespmem:s29+$0xFFFFFF80];
	v33 =	vmul.f32 $1.442695020e+00, v28;
	v12 =	vadd.f32 v22, v12;
	v22 =	vpop (erf)  }
0x10e: {  	v25 =	vld [tilespmem:s29+$0xFFFFFF40];
	v34 =	vmul.f32 $1.442695020e+00, v31;
	v15 =	vadd.f32 v18, v15;
	v18 =	vpop (erf)  }
0x10f: {  	v11 =	vadd.f32 v22, v11;
	v10 =	vadd.f32 v21, v10;
	v35 =	vld [tilespmem:s29+$0xFFFFFF90];
	v36 =	vmul.f32 $1.442695020e+00, v20;
	v21 =	vpop (erf)  }
0x110: {  	v13 =	vadd.f32 v18, v13;
	v12 =	vadd.f32 v32, v12;
	v22 =	vld [tilespmem:s29+$0xFFFFFFD0];
	(erf) = vpow2.f32 v33;
	v18 =	vpop (erf)  }
0x111: {  	v10 =	vadd.f32 v17, v10;
	v32 =	vld [tilespmem:s29+$0xFFFFFF50];
	(erf) = vpow2.f32 v34;
	v17 =	vpop (erf)  }
0x112: {  	s30 =	sand.u32 $0x3FF0, s30;
	v11 =	vadd.f32 v19, v11;
	v13 =	vadd.f32 v21, v13;
	v33 =	vld [tilespmem:s29+$0xFFFFFFB0];
	(erf) = vpow2.f32 v29;
	v19 =	vpop (erf)  }
0x113: {  	v12 =	vadd.f32 v14, v12;
	v10 =	vadd.f32 v16, v10;
	v21 =	vld [tilespmem:s29+$0xFFFFFFA0];
	(erf) = vpow2.f32 v36;
	v14 =	vpop (erf)  }
0x114: {  	v29 =	vmul.f32 $1.442695020e+00, v25;
	v11 =	vadd.f32 v19, v11;
	v25 =	vmax.f32 v25, v35;
	v34 =	vld [tilespmem:s29+$0xFFFFFFF0]  }
0x115: {  	v36 =	vmul.f32 $1.442695020e+00, v23;
	v10 =	vadd.f32 v14, v10;
	v16 =	vmul.f32 $1.442695020e+00, v22;
	v37 =	vld [tilespmem:s30+$0x2900];
	v14 =	vpop (erf)  }
0x116: {  	v38 =	vmul.f32 $1.442695020e+00, v30;
	v19 =	vmul.f32 $1.442695020e+00, v35;
	v35 =	vld [tilespmem:s29+$0xFFFFFFE0];
	v11 =	vadd.f32 v14, v11  }
0x117: {  	v39 =	vmul.f32 $1.442695020e+00, v24;
	v13 =	vadd.f32 v17, v13;
	v43 =	vmax.f32 v24, v33;
	v24 =	vld [tilespmem:s29+$0x30]  }
0x118: {  	v40 =	vmul.f32 $1.442695020e+00, v32;
	v41 =	vld [tilespmem:s30+$0x2800];
	v42 =	vmax.f32 v43, v20;
	(erf) = vpow2.f32 v19  }
0x119: {  	v22 =	vmax.f32 v23, v22;
	v11 =	vadd.f32 v18, v11;
	v23 =	vld [tilespmem:s30+$0x2880];
	(erf) = vpow2.f32 v16;
	v14 =	vpop (erf)  }
0x11a: {  	v33 =	vmul.f32 $1.442695020e+00, v33;
	v43 =	vmul.f32 $1.442695020e+00, v21;
	v44 =	vld [tilespmem:s29+$0xB0];
	v16 =	vpop (erf)  }
0x11b: {  	v21 =	vmax.f32 v32, v21;
	v19 =	vmul.f32 $1.442695020e+00, v37;
	v25 =	vmax.f32 v25, v35;
	v32 =	vld [tilespmem:s29+$0x20];
	v18 =	vpop (erf)  }
0x11c: {  	v35 =	vmul.f32 $1.442695020e+00, v35;
	v45 =	vmul.f32 $1.442695020e+00, v24;
	v46 =	vld [tilespmem:s29+$0x60];
	v17 =	vpop (erf)  }
0x11d: {  	v20 =	vmul.f32 $1.442695020e+00, v26;
	v24 =	vmax.f32 v25, v24;
	v47 =	vld [tilespmem:s29+$0xA0];
	(erf) = vpow2.f32 v33  }
0x11e: {  	v21 =	vmax.f32 v21, v34;
	v25 =	vmax.f32 v30, v41;
	v27 =	vmax.f32 v24, v27;
	v30 =	vld [tilespmem:s29+$0x70]  }
0x11f: {  	v31 =	vmax.f32 v42, v31;
	v33 =	vmul.f32 $1.442695020e+00, v34;
	(erf) = vpow2.f32 v43  }
0x120: {  	v34 =	vmul.f32 $1.442695020e+00, v23;
	v21 =	vmax.f32 v21, v23;
	(erf) = vpow2.f32 v29  }
0x121: {  	v23 =	vmax.f32 v25, v26;
	v21 =	vmax.f32 v21, v28;
	v25 =	vmax.f32 v22, v32;
	v24 =	vpop (erf)  }
0x122: {  	v32 =	vmul.f32 $1.442695020e+00, v32;
	v28 =	vmax.f32 v31, v47;
	v22 =	vpop (erf);
	(erf) = vpow2.f32 v45  }
0x123: {  	v23 =	vmax.f32 v23, v46;
	v25 =	vmax.f32 v25, v30;
	(erf) = vpow2.f32 v36  }
0x124: {  	v29 =	vmax.f32 v23, v44;
	v25 =	vmax.f32 v25, v37;
	(erf) = vpow2.f32 v34  }
0x125: {  	v27 =	vmax.f32 v27, v21;
	v23 =	vmul.f32 $1.442695020e+00, v46;
	(erf) = vpow2.f32 v40  }
0x126: {  	v26 =	vmul.f32 $1.442695020e+00, v30;
	v28 =	vmax.f32 v28, v29;
	v21 =	vpop (erf);
	(erf) = vpow2.f32 v35  }
.Ltmp8:
0x127: {  	v30 =	vmul.f32 $1.442695020e+00, v41;
	v31 =	vmax.f32 v27, v28;
	(erf) = vpow2.f32 v33;
	(pc) =	sbr.rel @p0 .LBB2_12-.Ltmp8, $4  }
0x128: {  	v28 =	vmax.f32 v31, v25;
	(erf) = vpow2.f32 v39;
	v25 =	vpop (erf)  }
0x129: {  	v29 =	vmul.f32 $1.442695020e+00, v47;
	[tilespmem:s26+$0x0] =	vst v28;
	v27 =	vpop (erf);
	(erf) = vpow2.f32 v30  }
0x12a: {  	v30 =	vadd.f32 v27, v15;
	(erf) = vpow2.f32 v38  }
0x12b: {  	s29 =	sadd.s32 $0x190, s29;
	v28 =	vmul.f32 $1.442695020e+00, v44;
	(erf) = vpow2.f32 v32;
	v15 =	vpop (erf)  }
0x12c: {  	v27 =	vld [tilespmem:$0x5180]  }
0x12d: {  	v31 =	vld [tilespmem:$0x5190]  }
0x12e: {  	v32 =	vld [tilespmem:$0x51A0]  }
0x12f: {  	v33 =	vld [tilespmem:$0x51B0]  }
0x130: {  	v34 =	vld [tilespmem:$0x51C0]  }
0x131: {  	v35 =	vld [tilespmem:$0x51D0]  }
0x132: {  	v61 =	vld [tilespmem:$0x51E0];
	v27 =	vmax.f32 v27, v31  }
0x133: {  	v62 =	vld [tilespmem:$0x51F0];
	v27 =	vmax.f32 v27, v32  }
0x134: {  	v63 =	vld [tilespmem:$0x5200];
	v27 =	vmax.f32 v27, v33  }
0x135: {  	v36 =	vld [tilespmem:$0x5210];
	v27 =	vmax.f32 v27, v34  }
0x136: {  	v37 =	vld [tilespmem:$0x5220];
	v27 =	vmax.f32 v27, v35  }
0x137: {  	v38 =	vld [tilespmem:$0x5230];
	v27 =	vmax.f32 v27, v61  }
0x138: {  	v39 =	vld [tilespmem:$0x5240];
	v27 =	vmax.f32 v27, v62  }
0x139: {  	v40 =	vld [tilespmem:$0x5250];
	v27 =	vmax.f32 v27, v63  }
0x13a: {  	v41 =	vld [tilespmem:$0x5260];
	v27 =	vmax.f32 v27, v36  }
0x13b: {  	v42 =	vld [tilespmem:$0x5270];
	v27 =	vmax.f32 v27, v37  }
0x13c: {  	v43 =	vld [tilespmem:$0x5280];
	v27 =	vmax.f32 v27, v38  }
0x13d: {  	v44 =	vld [tilespmem:$0x5290];
	v27 =	vmax.f32 v27, v39  }
0x13e: {  	v45 =	vld [tilespmem:$0x52A0];
	v27 =	vmax.f32 v27, v40  }
0x13f: {  	v46 =	vld [tilespmem:$0x52B0];
	v27 =	vmax.f32 v27, v41  }
0x140: {  	v47 =	vld [tilespmem:$0x52C0];
	v27 =	vmax.f32 v27, v42  }
0x141: {  	v48 =	vld [tilespmem:$0x52D0];
	v27 =	vmax.f32 v27, v43  }
0x142: {  	v49 =	vld [tilespmem:$0x52E0];
	v27 =	vmax.f32 v27, v44  }
0x143: {  	v50 =	vld [tilespmem:$0x52F0];
	v27 =	vmax.f32 v27, v45  }
0x144: {  	v51 =	vld [tilespmem:$0x5300];
	v27 =	vmax.f32 v27, v46  }
0x145: {  	v27 =	vmax.f32 v27, v47  }
0x146: {  	v27 =	vmax.f32 v27, v48  }
0x147: {  	v27 =	vmax.f32 v27, v49  }
0x148: {  	v27 =	vmax.f32 v27, v50  }
0x149: {  	v27 =	vmax.f32 v27, v51  }
0x14a: {  	v52 =	vperm.xlane v27, v0;
	_ =	sdelay $0x1  }
0x14b: {  	v27 =	vmax.f32 v27, v52  }
0x14c: {  	v31 =	vperm.xlane v27, v1;
	_ =	sdelay $0x1  }
0x14d: {  	v27 =	vmax.f32 v27, v31  }
0x14e: {  	v31 =	vperm.xlane v27, v2;
	_ =	sdelay $0x1  }
0x14f: {  	v31 =	vmax.f32 v27, v31;
	v27 =	vld [tilespmem:$0x5080]  }
0x150: {  	v53 =	vperm.xlane v31, v4;
	_ =	sdelay $0x1  }
0x151: {  	v31 =	vmax.f32 v31, v53  }
0x152: {  	(v2sf) =	vpush v31, $0x0  }
0x153: {  	(v2sf) =	vpush v27, $0x0;
	_ =	sdelay $0x3  }
0x154: {  	v54 =	vpop (erf);
	(erf) = vpow2.f32 v26  }
0x155: {  	v26 =	vpop (erf);
	(erf) = vpow2.f32 v28  }
0x156: {  	v28 =	vpop (erf);
	(erf) = vpow2.f32 v19  }
0x157: {  	v55 =	vpop (erf);
	(erf) = vpow2.f32 v20  }
0x158: {  	v56 =	vpop (erf);
	(erf) = vpow2.f32 v29  }
0x159: {  	v13 =	vadd.f32 v54, v13;
	v29 =	vpop (erf);
	(erf) = vpow2.f32 v23  }
0x15a: {  	v57 =	vadd.f32 v24, v30;
	v24 =	vpop (erf)  }
0x15b: {  	v12 =	vadd.f32 v28, v12;
	v13 =	vadd.f32 v22, v13;
	v58 =	vpop (erf)  }
0x15c: {  	v19 =	vadd.f32 v55, v57;
	v10 =	vadd.f32 v29, v10;
	v59 =	vpop (erf)  }
0x15d: {  	v12 =	vadd.f32 v25, v12;
	v11 =	vadd.f32 v58, v11;
	v60 =	vpop (erf)  }
0x15e: {  	v15 =	vadd.f32 v15, v19;
	v10 =	vadd.f32 v21, v10;
	v61 =	vpop (erf);
	s26 =	spop (v2sf)  }
0x15f: {  	v12 =	vadd.f32 v56, v12;
	v11 =	vadd.f32 v24, v11;
	v62 =	vpop (erf);
	s28 =	spop (v2sf)  }
0x160: {  	v13 =	vadd.f32 v59, v13;
	v10 =	vadd.f32 v17, v10;
	v17 =	vpop (erf);
	p0 =	sgt.f32 s26, s28  }
.Ltmp9:
0x161: {  	v12 =	vadd.f32 v26, v12;
	v63 =	vpop (erf);
	v11 =	vadd.f32 v17, v11;
	(pc) =	sbr.rel @!p0 .LBB2_19-.Ltmp9, $4  }
.Ltmp10:
0x162: {  	v13 =	vadd.f32 v60, v13;
	v10 =	vadd.f32 v16, v10;
	v16 =	vpop (erf);
	(pc) =	sbr.rel @p0 .LBB2_14-.Ltmp10, $4  }
0x163: {  	v15 =	vadd.f32 v18, v15;
	v11 =	vadd.f32 v16, v11  }
0x164: {  	v12 =	vadd.f32 v14, v12;
	v13 =	vadd.f32 v62, v13  }
0x165: {  	v10 =	vadd.f32 v63, v10;
	v11 =	vadd.f32 v61, v11;
	s26 =	simm.s32 $0x0;
	s28 =	simm.s32 $0x2780  }
0x166: {  	_ = 	snop  }
.LBB2_10:
0x167: {  	s26 =	sadd.s32 $0x1, s26  }
0x168: {  	p0 =	sne.s32 s26, $0x19  }
.Ltmp11:
0x169: {  	_ = 	snop;
	(pc) =	sbr.rel @!p0 .LBB2_11-.Ltmp11, $2  }
0x16a: {  	_ =	sdelay $0x2  }
0x16b: {  	s25 =	sadd.s32 $0x190, s25  }
.LBB2_6:
0x16c: {  	s28 =	sshll.u32 s26, $0x4  }
0x16d: {  	s28 =	sand.u32 $0x3FFFFFF0, s28  }
0x16e: {  	v14 =	vld [tilespmem:s28+$0x5180];
	_ =	sdelay $0x4  }
0x16f: {  	v16 =	vperm.xlane v14, v0;
	_ =	sdelay $0x1  }
0x170: {  	v14 =	vmax.f32 v14, v16  }
0x171: {  	v16 =	vperm.xlane v14, v1;
	_ =	sdelay $0x1  }
0x172: {  	v14 =	vmax.f32 v14, v16  }
0x173: {  	v16 =	vperm.xlane v14, v2;
	_ =	sdelay $0x1  }
0x174: {  	v14 =	vmax.f32 v14, v16  }
0x175: {  	v16 =	vperm.xlane v14, v4;
	_ =	sdelay $0x1  }
0x176: {  	v14 =	vmax.f32 v14, v16  }
0x177: {  	(v2sf) =	vpush v14, $0x0  }
0x178: {  	(v2sf) =	vpush v27, $0x0;
	_ =	sdelay $0xd  }
0x179: {  	s28 =	spop (v2sf)  }
0x17a: {  	s29 =	spop (v2sf)  }
0x17b: {  	p0 =	sgt.f32 s28, s29  }
.Ltmp12:
0x17c: {  	_ = 	snop;
	(pc) =	sbr.rel @!p0 .LBB2_10-.Ltmp12, $4  }
.Ltmp13:
0x17d: {  	_ = 	snop;
	(pc) =	sbr.rel @p0 .LBB2_7-.Ltmp13, $4  }
0x17e: {  	_ = 	snop  }
0x17f: {  	_ = 	snop  }
0x180: {  	s28 =	simm.s32 $0x0  }
0x181: {  	_ = 	snop  }
.LBB2_9:
0x182: {  	s28 =	sadd.s32 $0x40, s28  }
0x183: {  	p0 =	sne.s32 s28, $0x640  }
.Ltmp14:
0x184: {  	_ = 	snop;
	(pc) =	sbr.rel @!p0 .LBB2_10-.Ltmp14, $1  }
0x185: {  	_ =	sdelay $0x3  }
.LBB2_7:
0x186: {  	s29 =	sshra.s32 s28, $0x2  }
0x187: {  	s29 =	sadd.s32 s29, s25  }
0x188: {  	v14 =	vld [tilespmem:s29+$0x0];
	_ =	sdelay $0x4  }
0x189: {  	v16 =	vperm.xlane v14, v0;
	_ =	sdelay $0x1  }
0x18a: {  	v16 =	vmax.f32 v14, v16  }
0x18b: {  	v17 =	vperm.xlane v16, v1;
	_ =	sdelay $0x1  }
0x18c: {  	v16 =	vmax.f32 v16, v17  }
0x18d: {  	v17 =	vperm.xlane v16, v2;
	_ =	sdelay $0x1  }
0x18e: {  	v16 =	vmax.f32 v16, v17  }
0x18f: {  	v17 =	vperm.xlane v16, v4;
	_ =	sdelay $0x1  }
0x190: {  	v16 =	vmax.f32 v16, v17  }
0x191: {  	(v2sf) =	vpush v16, $0x0  }
0x192: {  	(v2sf) =	vpush v27, $0x0;
	_ =	sdelay $0xd  }
0x193: {  	s31 =	spop (v2sf)  }
0x194: {  	s30 =	spop (v2sf)  }
0x195: {  	p0 =	sgt.f32 s31, s30  }
.Ltmp15:
0x196: {  	_ = 	snop;
	(pc) =	sbr.rel @!p0 .LBB2_9-.Ltmp15, $1  }
0x197: {  	_ =	sdelay $0x3  }
0x198: {  	v17 =	vld [tilespmem:$0x5000];
	_ =	sdelay $0x4  }
0x199: {  	v18 =	vperm.xlane v17, v5;
	_ =	sdelay $0x1  }
0x19a: {  	v18 =	vmax.f32 v17, v18  }
0x19b: {  	v19 =	vperm.xlane v18, v6;
	_ =	sdelay $0x1  }
0x19c: {  	v18 =	vmax.f32 v18, v19  }
0x19d: {  	v19 =	vperm.xlane v18, v7;
	_ =	sdelay $0x1  }
0x19e: {  	v18 =	vmax.f32 v18, v19  }
0x19f: {  	v19 =	vperm.xlane v18, v4;
	_ =	sdelay $0x1  }
0x1a0: {  	v18 =	vmax.f32 v18, v19  }
0x1a1: {  	v16 =	vmax.f32 v18, v16  }
0x1a2: {  	vm5 =	veq.f32 v17, v16;
	vm6 =	veq.f32 v14, v16  }
0x1a3: {  	v17 =	vsel vm5, $0xFF800000, v17;
	v14 =	vsel vm6, $0xFF800000, v14  }
0x1a4: {  	v54 =	vperm.xlane v17, v5;
	v55 =	vperm.xlane v14, v5;
	_ =	sdelay $0x1  }
0x1a5: {  	v18 =	vmax.f32 v17, v54;
	v19 =	vmax.f32 v14, v55  }
0x1a6: {  	v20 =	vperm.xlane v18, v6;
	v21 =	vperm.xlane v19, v6;
	_ =	sdelay $0x1  }
0x1a7: {  	v18 =	vmax.f32 v18, v20;
	v19 =	vmax.f32 v19, v21  }
0x1a8: {  	v20 =	vperm.xlane v18, v7;
	v21 =	vperm.xlane v19, v7;
	_ =	sdelay $0x1  }
0x1a9: {  	v18 =	vmax.f32 v18, v20;
	v19 =	vmax.f32 v19, v21  }
0x1aa: {  	v20 =	vperm.xlane v18, v4;
	v21 =	vperm.xlane v19, v4;
	_ =	sdelay $0x1  }
0x1ab: {  	v18 =	vmax.f32 v18, v20;
	v19 =	vmax.f32 v19, v21  }
0x1ac: {  	v18 =	vmax.f32 v18, v19  }
0x1ad: {  	vm5 =	veq.f32 v17, v18;
	vm6 =	veq.f32 v14, v18  }
0x1ae: {  	v17 =	vsel vm5, $0xFF800000, v17;
	v14 =	vsel vm6, $0xFF800000, v14  }
0x1af: {  	v56 =	vperm.xlane v17, v5;
	v57 =	vperm.xlane v14, v5;
	_ =	sdelay $0x1  }
0x1b0: {  	v19 =	vmax.f32 v17, v56;
	v20 =	vmax.f32 v14, v57  }
0x1b1: {  	v58 =	vperm.xlane v19, v6;
	v22 =	vperm.xlane v20, v6;
	_ =	sdelay $0x1  }
0x1b2: {  	v19 =	vmax.f32 v19, v58;
	v20 =	vmax.f32 v20, v22  }
0x1b3: {  	v21 =	vperm.xlane v19, v7;
	v22 =	vperm.xlane v20, v7;
	_ =	sdelay $0x1  }
0x1b4: {  	v19 =	vmax.f32 v19, v21;
	v20 =	vmax.f32 v20, v22  }
0x1b5: {  	v21 =	vperm.xlane v19, v4;
	v22 =	vperm.xlane v20, v4;
	_ =	sdelay $0x1  }
0x1b6: {  	v19 =	vmax.f32 v19, v21;
	v20 =	vmax.f32 v20, v22  }
0x1b7: {  	v19 =	vmax.f32 v19, v20  }
0x1b8: {  	vm5 =	veq.f32 v17, v19;
	vm6 =	veq.f32 v14, v19  }
0x1b9: {  	v17 =	vsel vm5, $0xFF800000, v17;
	v14 =	vsel vm6, $0xFF800000, v14  }
0x1ba: {  	v59 =	vperm.xlane v17, v5;
	v60 =	vperm.xlane v14, v5;
	_ =	sdelay $0x1  }
0x1bb: {  	v20 =	vmax.f32 v17, v59;
	v21 =	vmax.f32 v14, v60  }
0x1bc: {  	v61 =	vperm.xlane v20, v6;
	v23 =	vperm.xlane v21, v6;
	_ =	sdelay $0x1  }
0x1bd: {  	v20 =	vmax.f32 v20, v61;
	v21 =	vmax.f32 v21, v23  }
0x1be: {  	v22 =	vperm.xlane v20, v7;
	v23 =	vperm.xlane v21, v7;
	_ =	sdelay $0x1  }
0x1bf: {  	v20 =	vmax.f32 v20, v22;
	v21 =	vmax.f32 v21, v23  }
0x1c0: {  	v22 =	vperm.xlane v20, v4;
	v23 =	vperm.xlane v21, v4;
	_ =	sdelay $0x1  }
0x1c1: {  	v20 =	vmax.f32 v20, v22;
	v21 =	vmax.f32 v21, v23  }
0x1c2: {  	v20 =	vmax.f32 v20, v21  }
0x1c3: {  	vm5 =	veq.f32 v17, v20;
	vm6 =	veq.f32 v14, v20  }
0x1c4: {  	v17 =	vsel vm5, $0xFF800000, v17;
	v14 =	vsel vm6, $0xFF800000, v14  }
0x1c5: {  	v62 =	vperm.xlane v17, v5;
	v63 =	vperm.xlane v14, v5;
	_ =	sdelay $0x1  }
0x1c6: {  	v17 =	vmax.f32 v17, v62;
	v14 =	vmax.f32 v14, v63  }
0x1c7: {  	v21 =	vperm.xlane v17, v6;
	v22 =	vperm.xlane v14, v6;
	_ =	sdelay $0x1  }
0x1c8: {  	v17 =	vmax.f32 v17, v21;
	v14 =	vmax.f32 v14, v22  }
0x1c9: {  	v21 =	vperm.xlane v17, v7;
	v22 =	vperm.xlane v14, v7;
	_ =	sdelay $0x1  }
0x1ca: {  	v17 =	vmax.f32 v17, v21;
	v14 =	vmax.f32 v14, v22  }
0x1cb: {  	v16 =	vnsel vm0, $0xFF800000, v16;
	v21 =	vperm.xlane v17, v4;
	v22 =	vperm.xlane v14, v4  }
.Ltmp16:
0x1cc: {  	v16 =	vsel vm1, v16, v18;
	(pc) =	sbr.rel .LBB2_9-.Ltmp16, $4  }
0x1cd: {  	v16 =	vsel vm2, v16, v19;
	v17 =	vmax.f32 v17, v21;
	v14 =	vmax.f32 v14, v22  }
0x1ce: {  	v16 =	vsel vm3, v16, v20;
	v27 =	vmax.f32 v17, v14  }
0x1cf: {  	v14 =	vsel vm4, v16, v27;
	[tilespmem:$0x5080] =	vst v27  }
0x1d0: {  	[tilespmem:$0x5000] =	vst v14  }
.LBB2_18:
0x1d1: {  	s26 =	sadd.s32 $0x1, s26  }
0x1d2: {  	p0 =	sne.s32 s26, $0x19  }
.Ltmp17:
0x1d3: {  	_ = 	snop;
	(pc) =	sbr.rel @!p0 .LBB2_19-.Ltmp17, $2  }
0x1d4: {  	_ =	sdelay $0x2  }
0x1d5: {  	s28 =	sadd.s32 $0x190, s28  }
.LBB2_14:
0x1d6: {  	s29 =	sshll.u32 s26, $0x4  }
0x1d7: {  	s29 =	sand.u32 $0x3FFFFFF0, s29  }
0x1d8: {  	v14 =	vld [tilespmem:s29+$0x5180];
	_ =	sdelay $0x4  }
0x1d9: {  	v16 =	vperm.xlane v14, v0;
	_ =	sdelay $0x1  }
0x1da: {  	v14 =	vmax.f32 v14, v16  }
0x1db: {  	v16 =	vperm.xlane v14, v1;
	_ =	sdelay $0x1  }
0x1dc: {  	v14 =	vmax.f32 v14, v16  }
0x1dd: {  	v16 =	vperm.xlane v14, v2;
	_ =	sdelay $0x1  }
0x1de: {  	v14 =	vmax.f32 v14, v16  }
0x1df: {  	v16 =	vperm.xlane v14, v4;
	_ =	sdelay $0x1  }
0x1e0: {  	v14 =	vmax.f32 v14, v16  }
0x1e1: {  	(v2sf) =	vpush v14, $0x0  }
0x1e2: {  	(v2sf) =	vpush v27, $0x0;
	_ =	sdelay $0xd  }
0x1e3: {  	s29 =	spop (v2sf)  }
0x1e4: {  	s30 =	spop (v2sf)  }
0x1e5: {  	p0 =	sgt.f32 s29, s30  }
.Ltmp18:
0x1e6: {  	_ = 	snop;
	(pc) =	sbr.rel @!p0 .LBB2_18-.Ltmp18, $4  }
.Ltmp19:
0x1e7: {  	_ = 	snop;
	(pc) =	sbr.rel @p0 .LBB2_15-.Ltmp19, $4  }
0x1e8: {  	_ = 	snop  }
0x1e9: {  	_ = 	snop  }
0x1ea: {  	s29 =	simm.s32 $0x0  }
0x1eb: {  	_ = 	snop  }
.LBB2_17:
0x1ec: {  	s29 =	sadd.s32 $0x40, s29  }
0x1ed: {  	p0 =	sne.s32 s29, $0x640  }
.Ltmp20:
0x1ee: {  	_ = 	snop;
	(pc) =	sbr.rel @!p0 .LBB2_18-.Ltmp20, $1  }
0x1ef: {  	_ =	sdelay $0x3  }
.LBB2_15:
0x1f0: {  	s30 =	sshra.s32 s29, $0x2  }
0x1f1: {  	s30 =	sadd.s32 s30, s28  }
0x1f2: {  	v14 =	vld [tilespmem:s30+$0x0];
	_ =	sdelay $0x4  }
0x1f3: {  	v16 =	vperm.xlane v14, v0;
	_ =	sdelay $0x1  }
0x1f4: {  	v16 =	vmax.f32 v14, v16  }
0x1f5: {  	v17 =	vperm.xlane v16, v1;
	_ =	sdelay $0x1  }
0x1f6: {  	v16 =	vmax.f32 v16, v17  }
0x1f7: {  	v17 =	vperm.xlane v16, v2;
	_ =	sdelay $0x1  }
0x1f8: {  	v16 =	vmax.f32 v16, v17  }
0x1f9: {  	v17 =	vperm.xlane v16, v4;
	_ =	sdelay $0x1  }
0x1fa: {  	v16 =	vmax.f32 v16, v17  }
0x1fb: {  	(v2sf) =	vpush v16, $0x0  }
0x1fc: {  	(v2sf) =	vpush v27, $0x0;
	_ =	sdelay $0xd  }
0x1fd: {  	s30 =	spop (v2sf)  }
0x1fe: {  	s31 =	spop (v2sf)  }
0x1ff: {  	p0 =	sgt.f32 s30, s31  }
.Ltmp21:
0x200: {  	_ = 	snop;
	(pc) =	sbr.rel @!p0 .LBB2_17-.Ltmp21, $1  }
0x201: {  	_ =	sdelay $0x3  }
0x202: {  	v17 =	vld [tilespmem:$0x5000];
	_ =	sdelay $0x4  }
0x203: {  	v18 =	vperm.xlane v17, v5;
	_ =	sdelay $0x1  }
0x204: {  	v18 =	vmax.f32 v17, v18  }
0x205: {  	v19 =	vperm.xlane v18, v6;
	_ =	sdelay $0x1  }
0x206: {  	v18 =	vmax.f32 v18, v19  }
0x207: {  	v19 =	vperm.xlane v18, v7;
	_ =	sdelay $0x1  }
0x208: {  	v18 =	vmax.f32 v18, v19  }
0x209: {  	v19 =	vperm.xlane v18, v4;
	_ =	sdelay $0x1  }
0x20a: {  	v18 =	vmax.f32 v18, v19  }
0x20b: {  	v16 =	vmax.f32 v18, v16  }
0x20c: {  	vm5 =	veq.f32 v17, v16;
	vm6 =	veq.f32 v14, v16  }
0x20d: {  	v17 =	vsel vm5, $0xFF800000, v17;
	v14 =	vsel vm6, $0xFF800000, v14  }
0x20e: {  	v54 =	vperm.xlane v17, v5;
	v55 =	vperm.xlane v14, v5;
	_ =	sdelay $0x1  }
0x20f: {  	v18 =	vmax.f32 v17, v54;
	v19 =	vmax.f32 v14, v55  }
0x210: {  	v20 =	vperm.xlane v18, v6;
	v21 =	vperm.xlane v19, v6;
	_ =	sdelay $0x1  }
0x211: {  	v18 =	vmax.f32 v18, v20;
	v19 =	vmax.f32 v19, v21  }
0x212: {  	v20 =	vperm.xlane v18, v7;
	v21 =	vperm.xlane v19, v7;
	_ =	sdelay $0x1  }
0x213: {  	v18 =	vmax.f32 v18, v20;
	v19 =	vmax.f32 v19, v21  }
0x214: {  	v20 =	vperm.xlane v18, v4;
	v21 =	vperm.xlane v19, v4;
	_ =	sdelay $0x1  }
0x215: {  	v18 =	vmax.f32 v18, v20;
	v19 =	vmax.f32 v19, v21  }
0x216: {  	v18 =	vmax.f32 v18, v19  }
0x217: {  	vm5 =	veq.f32 v17, v18;
	vm6 =	veq.f32 v14, v18  }
0x218: {  	v17 =	vsel vm5, $0xFF800000, v17;
	v14 =	vsel vm6, $0xFF800000, v14  }
0x219: {  	v56 =	vperm.xlane v17, v5;
	v57 =	vperm.xlane v14, v5;
	_ =	sdelay $0x1  }
0x21a: {  	v19 =	vmax.f32 v17, v56;
	v20 =	vmax.f32 v14, v57  }
0x21b: {  	v58 =	vperm.xlane v19, v6;
	v22 =	vperm.xlane v20, v6;
	_ =	sdelay $0x1  }
0x21c: {  	v19 =	vmax.f32 v19, v58;
	v20 =	vmax.f32 v20, v22  }
0x21d: {  	v21 =	vperm.xlane v19, v7;
	v22 =	vperm.xlane v20, v7;
	_ =	sdelay $0x1  }
0x21e: {  	v19 =	vmax.f32 v19, v21;
	v20 =	vmax.f32 v20, v22  }
0x21f: {  	v21 =	vperm.xlane v19, v4;
	v22 =	vperm.xlane v20, v4;
	_ =	sdelay $0x1  }
0x220: {  	v19 =	vmax.f32 v19, v21;
	v20 =	vmax.f32 v20, v22  }
0x221: {  	v19 =	vmax.f32 v19, v20  }
0x222: {  	vm5 =	veq.f32 v17, v19;
	vm6 =	veq.f32 v14, v19  }
0x223: {  	v17 =	vsel vm5, $0xFF800000, v17;
	v14 =	vsel vm6, $0xFF800000, v14  }
0x224: {  	v59 =	vperm.xlane v17, v5;
	v60 =	vperm.xlane v14, v5;
	_ =	sdelay $0x1  }
0x225: {  	v20 =	vmax.f32 v17, v59;
	v21 =	vmax.f32 v14, v60  }
0x226: {  	v61 =	vperm.xlane v20, v6;
	v23 =	vperm.xlane v21, v6;
	_ =	sdelay $0x1  }
0x227: {  	v20 =	vmax.f32 v20, v61;
	v21 =	vmax.f32 v21, v23  }
0x228: {  	v22 =	vperm.xlane v20, v7;
	v23 =	vperm.xlane v21, v7;
	_ =	sdelay $0x1  }
0x229: {  	v20 =	vmax.f32 v20, v22;
	v21 =	vmax.f32 v21, v23  }
0x22a: {  	v22 =	vperm.xlane v20, v4;
	v23 =	vperm.xlane v21, v4;
	_ =	sdelay $0x1  }
0x22b: {  	v20 =	vmax.f32 v20, v22;
	v21 =	vmax.f32 v21, v23  }
0x22c: {  	v20 =	vmax.f32 v20, v21  }
0x22d: {  	vm5 =	veq.f32 v17, v20;
	vm6 =	veq.f32 v14, v20  }
0x22e: {  	v17 =	vsel vm5, $0xFF800000, v17;
	v14 =	vsel vm6, $0xFF800000, v14  }
0x22f: {  	v62 =	vperm.xlane v17, v5;
	v63 =	vperm.xlane v14, v5;
	_ =	sdelay $0x1  }
0x230: {  	v17 =	vmax.f32 v17, v62;
	v14 =	vmax.f32 v14, v63  }
0x231: {  	v21 =	vperm.xlane v17, v6;
	v22 =	vperm.xlane v14, v6;
	_ =	sdelay $0x1  }
0x232: {  	v17 =	vmax.f32 v17, v21;
	v14 =	vmax.f32 v14, v22  }
0x233: {  	v21 =	vperm.xlane v17, v7;
	v22 =	vperm.xlane v14, v7;
	_ =	sdelay $0x1  }
0x234: {  	v17 =	vmax.f32 v17, v21;
	v14 =	vmax.f32 v14, v22  }
0x235: {  	v16 =	vnsel vm0, $0xFF800000, v16;
	v21 =	vperm.xlane v17, v4;
	v22 =	vperm.xlane v14, v4  }
.Ltmp22:
0x236: {  	v16 =	vsel vm1, v16, v18;
	(pc) =	sbr.rel .LBB2_17-.Ltmp22, $4  }
0x237: {  	v16 =	vsel vm2, v16, v19;
	v17 =	vmax.f32 v17, v21;
	v14 =	vmax.f32 v14, v22  }
0x238: {  	v16 =	vsel vm3, v16, v20;
	v27 =	vmax.f32 v17, v14  }
0x239: {  	v14 =	vsel vm4, v16, v27;
	[tilespmem:$0x5080] =	vst v27  }
0x23a: {  	[tilespmem:$0x5000] =	vst v14  }
.LBB2_22:
0x23b: {  	_ =	sfence.sel $0x180000  }
0x23c: {  	[bflag:$0x0] =	sbarrier.arrive $0xFFFF  }
0x23d: {  	p0 =	sne.s32 s1, $0x0;
	_ =	strace $0x90000047  }
0x23e: {  	s0 =	sadd.s32 @!p0 $0x100000, s0;
	[bflag:$0x2] =	sbarrier.arrive $0xFFFF  }
0x23f: {  	[sflag:s0] =	ssyncadd.tile.s32 @!p0 $0x1;
	_ =	shalt  }
.Lfunc_end2:
_tile_overlayer_lowered:
.L_overlay_start_2:
0x240: {  	(tag) =	ssettag $0x2  }
0x241: {  	s0 =	rddreg [dreg:$0x0];
	s2 =	stileid.u32  }
0x242: {  	s1 =	rddreg [dreg:$0x1];
	p0 =	sne.s32 s2, $0x0  }
0x243: {  	s3 =	rddreg [dreg:$0x2];
	[bflag:$0x3] =	sbarrier.arrive $0xFFFF;
	s2 =	simm.s32 @!p0 $0x1C04  }
0x244: {  	[timem:s3], [sflag:s2] =	dma.local @!p0 [hbm:s0], s1  }
0x245: {  	s0 =	simm.s32 @!p0 $0x4  }
0x246: {  	_ =	swait.ge @!p0 [sflag:s0], s1  }
0x247: {  	s1 =	ssub.s32 @!p0 $0x0, s1;
	[sflag:s0] =	ssyncset.done @!p0 $0x0  }
0x248: {  	[sflag:s0] =	ssyncadd.s32 @!p0 s1  }
0x249: {  	[bflag:$0x3] =	sbarrier.arrive $0xFFFF  }
0x24a: {  	_ =	shalt  }

</sc_bundles>
